<compile_context>
chip_gen: v7x
topology: tpu7x:2x2x1
jax: 0.10.2.dev20260603
libtpu: 0.0.44.dev20260713+nightly
codegen_flags: <defaults>
</compile_context>

<pallas_src>
import functools

import jax
import jax.numpy as jnp
from jax import lax
from jax.experimental import pallas as pl
from jax.experimental.pallas import tpu as pltpu
from jax.experimental.pallas import tpu_sc as plsc

_VOCAB = 100000
_DIM = 768
_B = 4
_S = 2048
_N_IDX = _B * _S
_NC = 2
_NS = 16
_NW = _NC * _NS
_PER_W = _N_IDX // _NW
_CHUNK = 16
_NCHUNK = _PER_W // _CHUNK
_NSTEPS = 3 * _NCHUNK
_NBUF = 4
_AHEAD = _NBUF - 1
_GROUPS = _DIM // 32


def _make_kernel():
  mesh = plsc.VectorSubcoreMesh(
      core_axis_name="c", subcore_axis_name="s",
      num_cores=_NC, num_subcores=_NS)

  @functools.partial(
      pl.kernel,
      out_type=[jax.ShapeDtypeStruct((_N_IDX, _DIM), jnp.bfloat16)] * 6,
      mesh=mesh,
      compiler_params=pltpu.CompilerParams(needs_layout_passes=False),
      scratch_types=[
          pltpu.VMEM((_PER_W,), jnp.int32),
          pltpu.VMEM((_CHUNK, _DIM), jnp.float32),
          pltpu.VMEM((_CHUNK, _DIM), jnp.float32),
          pltpu.VMEM((_CHUNK, _DIM), jnp.float32),
          pltpu.VMEM((_CHUNK, _DIM), jnp.float32),
          pltpu.VMEM((_CHUNK, _DIM), jnp.bfloat16),
          pltpu.VMEM((_CHUNK, _DIM), jnp.bfloat16),
          pltpu.VMEM((_CHUNK, _DIM), jnp.bfloat16),
          pltpu.VMEM((_CHUNK, _DIM), jnp.bfloat16),
          pltpu.SemaphoreType.DMA,
          pltpu.SemaphoreType.DMA,
          pltpu.SemaphoreType.DMA,
          pltpu.SemaphoreType.DMA,
          pltpu.SemaphoreType.DMA,
          pltpu.SemaphoreType.DMA,
          pltpu.SemaphoreType.DMA,
          pltpu.SemaphoreType.DMA,
      ],
  )
  def emb_kernel(idx_hbm, w0, w1, w2, o0, o1, o2, o3, o4, o5,
                 idx_v, in0, in1, in2, in3, ob0, ob1, ob2, ob3,
                 gs0, gs1, gs2, gs3, ss0, ss1, ss2, ss3):
    wid = lax.axis_index("s") * _NC + lax.axis_index("c")
    base = wid * _PER_W
    pltpu.sync_copy(idx_hbm.at[base // _S, pl.ds(base % _S, _PER_W)], idx_v)

    tables = (w0, w1, w2)
    outs = ((o0, o3), (o1, o4), (o2, o5))
    inbufs = (in0, in1, in2, in3)
    outbufs = (ob0, ob1, ob2, ob3)
    gsems = (gs0, gs1, gs2, gs3)
    ssems = (ss0, ss1, ss2, ss3)

    two_iota = lax.iota(jnp.int32, 16) * 2

    def start_gather(step, p):
      for t in range(3):
        @pl.when(jnp.logical_and(step >= t * _NCHUNK,
                                 step < (t + 1) * _NCHUNK))
        def _():
          c = step - t * _NCHUNK
          pltpu.async_copy(
              tables[t].at[idx_v.at[pl.ds(c * _CHUNK, _CHUNK)]],
              inbufs[p], gsems[p])

    def start_stores(step, p):
      for t in range(3):
        @pl.when(jnp.logical_and(step >= t * _NCHUNK,
                                 step < (t + 1) * _NCHUNK))
        def _():
          dst = pl.ds(base + (step - t * _NCHUNK) * _CHUNK, _CHUNK)
          for o in outs[t]:
            pltpu.async_copy(outbufs[p], o.at[dst], ssems[p])

    def wait_gather(p):
      pltpu.make_async_copy(
          tables[0].at[pl.ds(0, _CHUNK)], inbufs[p], gsems[p]).wait()

    def wait_stores(p):
      for _ in range(2):
        pltpu.make_async_copy(
            outbufs[p], outs[0][0].at[pl.ds(0, _CHUNK)], ssems[p]).wait()

    def convert(inb, outb):
      @plsc.parallel_loop(0, _CHUNK)
      def _rows(r):
        rr = jnp.full((16,), r, jnp.int32)

        @plsc.parallel_loop(0, _GROUPS, unroll=4)
        def _groups(k):
          col_e = k * 32 + two_iota
          a = plsc.load_gather(inb, [rr, col_e])
          b = plsc.load_gather(inb, [rr, col_e + 1])
          outb[r, pl.ds(k * 32, 32)] = plsc.pack(
              a, b, format=plsc.PackFormat.INTERLEAVED)

    for s in range(_AHEAD):
      start_gather(jnp.int32(s), s)

    @pl.loop(0, _NSTEPS // _NBUF)
    def _steps(i):
      for par in range(_NBUF):
        step = i * _NBUF + par
        wait_gather(par)

        @pl.when(step + _AHEAD < _NSTEPS)
        def _():
          start_gather(step + _AHEAD, (par + _AHEAD) % _NBUF)

        @pl.when(i >= 1)
        def _():
          wait_stores(par)

        convert(inbufs[par], outbufs[par])
        start_stores(step, par)

    for p in range(_NBUF):
      wait_stores(p)

  return emb_kernel


_emb_kernel = _make_kernel()


def kernel(inputs, W0, W1, W2):
  e0, e1, e2, e3, e4, e5 = _emb_kernel(inputs, W0, W1, W2)
  shape = (_B, _S, _DIM)
  return (e0.reshape(shape), e1.reshape(shape), e2.reshape(shape),
          e3.reshape(shape), e4.reshape(shape), e5.reshape(shape))

# --- scband reference (transcript-rebuilt; emitter-appended) ---
"""Pipeline reference for scband-value-embedding-52853867545138 (READ-ONLY COPY).

The authoritative reference and input builder live on the scoring server;
editing this copy changes nothing except your own understanding.
"""

import jax, jax.numpy as jnp
import numpy as np

VOCAB = 100000
DIM = 768
B = 4
S = 2048
NUM_LAYERS = 52


def setup_inputs(seed: int = 0) -> dict:
    key = jax.random.key(seed)
    k1, k2, k3, k4 = jax.random.split(key, 4)
    inputs = jax.random.randint(k1, (B, S), 0, VOCAB, dtype=jnp.int32)
    W0 = jax.random.normal(k2, (VOCAB, DIM), dtype=jnp.float32)
    W1 = jax.random.normal(k3, (VOCAB, DIM), dtype=jnp.float32)
    W2 = jax.random.normal(k4, (VOCAB, DIM), dtype=jnp.float32)
    return {"inputs": inputs, "W0": W0, "W1": W1, "W2": W2}


def reference(inputs, W0, W1, W2):
    # base = [emb(inputs).bfloat16() for emb in self.embed]
    base = [jnp.take(W, inputs, axis=0).astype(jnp.bfloat16) for W in (W0, W1, W2)]
    L = NUM_LAYERS
    half = L // 2
    encoder = [base[i] if i < 3 else None for i in range(half)]
    decoder = [base[i - (half - 3)] if i >= half - 3 else None for i in range(half)]
    full = encoder + decoder
    # Return only the non-None entries (indices 0,1,2 and half+half-3 .. half+half-1),
    # which are (base[0], base[1], base[2], base[0], base[1], base[2]).
    return tuple(t for t in full if t is not None)

if __name__ == "__main__":
    import jax
    _d = setup_inputs()
    print(jax.jit(kernel)(*tuple(_d.values())))

</pallas_src>

<mosaic_0001>
#map = affine_map<(d0, d1) -> (0, 0)>
module attributes {stable_mosaic.version = 14 : i64} {
  func.func @emb_kernel(%arg0: i32, %arg1: i32, %arg2: memref<4x2048xi32, #tpu.memory_space<hbm>>, %arg3: memref<100000x768xf32, #tpu.memory_space<hbm>>, %arg4: memref<100000x768xf32, #tpu.memory_space<hbm>>, %arg5: memref<100000x768xf32, #tpu.memory_space<hbm>>, %arg6: memref<8192x768xbf16, #tpu.memory_space<hbm>>, %arg7: memref<8192x768xbf16, #tpu.memory_space<hbm>>, %arg8: memref<8192x768xbf16, #tpu.memory_space<hbm>>, %arg9: memref<8192x768xbf16, #tpu.memory_space<hbm>>, %arg10: memref<8192x768xbf16, #tpu.memory_space<hbm>>, %arg11: memref<8192x768xbf16, #tpu.memory_space<hbm>>, %arg12: memref<256xi32, #tpu.memory_space<vmem>>, %arg13: memref<16x768xf32, #tpu.memory_space<vmem>>, %arg14: memref<16x768xf32, #tpu.memory_space<vmem>>, %arg15: memref<16x768xf32, #tpu.memory_space<vmem>>, %arg16: memref<16x768xf32, #tpu.memory_space<vmem>>, %arg17: memref<16x768xbf16, #tpu.memory_space<vmem>>, %arg18: memref<16x768xbf16, #tpu.memory_space<vmem>>, %arg19: memref<16x768xbf16, #tpu.memory_space<vmem>>, %arg20: memref<16x768xbf16, #tpu.memory_space<vmem>>, %arg21: memref<!tpu.dma_semaphore, #tpu.memory_space<semaphore_mem>>, %arg22: memref<!tpu.dma_semaphore, #tpu.memory_space<semaphore_mem>>, %arg23: memref<!tpu.dma_semaphore, #tpu.memory_space<semaphore_mem>>, %arg24: memref<!tpu.dma_semaphore, #tpu.memory_space<semaphore_mem>>, %arg25: memref<!tpu.dma_semaphore, #tpu.memory_space<semaphore_mem>>, %arg26: memref<!tpu.dma_semaphore, #tpu.memory_space<semaphore_mem>>, %arg27: memref<!tpu.dma_semaphore, #tpu.memory_space<semaphore_mem>>, %arg28: memref<!tpu.dma_semaphore, #tpu.memory_space<semaphore_mem>>) attributes {dimension_semantics = [#tpu.dimension_semantics<core_parallel>, #tpu.dimension_semantics<subcore_parallel>], iteration_bounds = array<i64: 2, 16>, scalar_prefetch = 0 : i64, scratch_operands = 17 : i64, tpu.core_type = #tpu.core_type<sc_vector_subcore>, window_params = [{transform_indices = #map}, {transform_indices = #map}, {transform_indices = #map}, {transform_indices = #map}, {transform_indices = #map}, {transform_indices = #map}, {transform_indices = #map}, {transform_indices = #map}, {transform_indices = #map}, {transform_indices = #map}]} {
    %mul3A = arith.constant 2 : i32
    %mul3A_0 = arith.muli %arg1, %mul3A : i32
    %add3A = arith.addi %mul3A_0, %arg0 : i32
    %mul3A_1 = arith.constant 256 : i32
    %mul3A_2 = arith.muli %add3A, %mul3A_1 : i32
    %jit3A = arith.constant 2048 : i32
    %div3A = arith.divsi %mul3A_2, %jit3A : i32
    %sign3A = arith.constant 0 : i32
    %sign3A_3 = arith.cmpi sgt, %mul3A_2, %sign3A : i32
    %sign3A_4 = arith.extui %sign3A_3 : i1 to i32
    %sign3A_5 = arith.constant 0 : i32
    %sign3A_6 = arith.cmpi slt, %mul3A_2, %sign3A_5 : i32
    %sign3A_7 = arith.extui %sign3A_6 : i1 to i32
    %sign3A_8 = arith.subi %sign3A_4, %sign3A_7 : i32
    %sign3A_9 = arith.constant 0 : i32
    %sign3A_10 = arith.cmpi sgt, %jit3A, %sign3A_9 : i32
    %sign3A_11 = arith.extui %sign3A_10 : i1 to i32
    %sign3A_12 = arith.constant 0 : i32
    %sign3A_13 = arith.cmpi slt, %jit3A, %sign3A_12 : i32
    %sign3A_14 = arith.extui %sign3A_13 : i1 to i32
    %sign3A_15 = arith.subi %sign3A_11, %sign3A_14 : i32
    %ne3A = arith.cmpi ne, %sign3A_8, %sign3A_15 : i32
    %rem3A = arith.remsi %mul3A_2, %jit3A : i32
    %ne3A_16 = arith.constant 0 : i32
    %ne3A_17 = arith.cmpi ne, %rem3A, %ne3A_16 : i32
    %and3A = arith.andi %ne3A, %ne3A_17 : i1
    %sub3A = arith.constant 1 : i32
    %sub3A_18 = arith.subi %div3A, %sub3A : i32
    %select_n3A = arith.select %and3A, %sub3A_18, %div3A : i32
    %jit3A_19 = arith.constant 2048 : i32
    %eq3A = arith.constant 0 : i32
    %eq3A_20 = arith.cmpi eq, %jit3A_19, %eq3A : i32
    %jit3A_21 = arith.constant 1 : i32
    %select_n3A_22 = arith.select %eq3A_20, %jit3A_21, %jit3A_19 : i32
    %rem3A_23 = arith.remsi %mul3A_2, %select_n3A_22 : i32
    %ne3A_24 = arith.constant 0 : i32
    %ne3A_25 = arith.cmpi ne, %rem3A_23, %ne3A_24 : i32
    %lt3A = arith.constant 0 : i32
    %lt3A_26 = arith.cmpi slt, %rem3A_23, %lt3A : i32
    %lt3A_27 = arith.constant 0 : i32
    %lt3A_28 = arith.cmpi slt, %select_n3A_22, %lt3A_27 : i32
    %ne3A_29 = arith.xori %lt3A_26, %lt3A_28 : i1
    %and3A_30 = arith.andi %ne3A_29, %ne3A_25 : i1
    %add3A_31 = arith.addi %rem3A_23, %select_n3A_22 : i32
    %select_n3A_32 = arith.select %and3A_30, %add3A_31, %rem3A_23 : i32
    "tpu.region"() ({
      %run_scoped3A = tpu.sem_alloc : memref<!tpu.dma_semaphore, #tpu.memory_space<semaphore_mem>>
      %dma_start3A = tpu.memref_slice %arg2[%select_n3A, %select_n3A_32] : memref<4x2048xi32, #tpu.memory_space<hbm>> -> memref<1x256xi32, #tpu.memory_space<hbm>>
      %dma_start3A_183 = tpu.memref_squeeze %dma_start3A : memref<1x256xi32, #tpu.memory_space<hbm>> -> memref<256xi32, #tpu.memory_space<hbm>>
      %dma_start3A_184 = tpu.memref_slice %arg2[%select_n3A, %select_n3A_32] : memref<4x2048xi32, #tpu.memory_space<hbm>> -> memref<1x256xi32, #tpu.memory_space<hbm>>
      %dma_start3A_185 = tpu.memref_squeeze %dma_start3A_184 : memref<1x256xi32, #tpu.memory_space<hbm>> -> memref<256xi32, #tpu.memory_space<hbm>>
      tpu.enqueue_dma source(%dma_start3A_185 : memref<256xi32, #tpu.memory_space<hbm>>) target(%arg12 : memref<256xi32, #tpu.memory_space<vmem>>) target_semaphore(%run_scoped3A : memref<!tpu.dma_semaphore, #tpu.memory_space<semaphore_mem>>)
      %dma_wait3A_186 = tpu.memref_slice %arg2[%select_n3A, %select_n3A_32] : memref<4x2048xi32, #tpu.memory_space<hbm>> -> memref<1x256xi32, #tpu.memory_space<hbm>>
      %dma_wait3A_187 = tpu.memref_squeeze %dma_wait3A_186 : memref<1x256xi32, #tpu.memory_space<hbm>> -> memref<256xi32, #tpu.memory_space<hbm>>
      %dma_wait3A_188 = tpu.memref_slice %arg2[%select_n3A, %select_n3A_32] : memref<4x2048xi32, #tpu.memory_space<hbm>> -> memref<1x256xi32, #tpu.memory_space<hbm>>
      %dma_wait3A_189 = tpu.memref_squeeze %dma_wait3A_188 : memref<1x256xi32, #tpu.memory_space<hbm>> -> memref<256xi32, #tpu.memory_space<hbm>>
      tpu.wait_dma2 semaphore(%run_scoped3A : memref<!tpu.dma_semaphore, #tpu.memory_space<semaphore_mem>>) src(%dma_wait3A_189 : memref<256xi32, #tpu.memory_space<hbm>>) dst(%arg12 : memref<256xi32, #tpu.memory_space<vmem>>)
      tpu.yield
    }) : () -> ()
    %iota3A = tpu.iota {dimensions = array<i32: 0>} : vector<16xi32>
    %mul3A_33 = arith.constant 2 : i32
    %mul3A_34 = vector.broadcast %mul3A_33 : i32 to vector<16xi32>
    %mul3A_35 = arith.muli %iota3A, %mul3A_34 : vector<16xi32>
    %ge3A = arith.constant 0 : i32
    %ge3A_36 = arith.constant 0 : i32
    %ge3A_37 = arith.cmpi sge, %ge3A, %ge3A_36 : i32
    %lt3A_38 = arith.constant 0 : i32
    %lt3A_39 = arith.constant 16 : i32
    %lt3A_40 = arith.cmpi slt, %lt3A_38, %lt3A_39 : i32
    %and3A_41 = arith.andi %ge3A_37, %lt3A_40 : i1
    %convert_element_type3A = arith.extui %and3A_41 : i1 to i32
    %cond3A = arith.constant 0 : i32
    %cond3A_42 = arith.constant 0 : i32
    %cond3A_43 = arith.cmpi ne, %convert_element_type3A, %cond3A_42 : i32
    scf.if %cond3A_43 {
      %sub3A_183 = arith.constant 0 : i32
      %sub3A_184 = arith.subi %cond3A, %sub3A_183 : i32
      %mul3A_185 = arith.constant 16 : i32
      %mul3A_186 = arith.muli %sub3A_184, %mul3A_185 : i32
      %dma_start3A = tpu.memref_slice %arg12[%mul3A_186] : memref<256xi32, #tpu.memory_space<vmem>> -> memref<16xi32, #tpu.memory_space<vmem>>
      %dma_start3A_187 = arith.constant 0 : i32
      %dma_start3A_188 = arith.constant 0 : i32
      %dma_start3A_189 = tpu.memref_slice %arg3[%dma_start3A_187, %dma_start3A_188] : memref<100000x768xf32, #tpu.memory_space<hbm>> -> memref<100000x768xf32, #tpu.memory_space<hbm>>
      tpu.enqueue_indirect_dma source(%dma_start3A_189 : memref<100000x768xf32, #tpu.memory_space<hbm>>) target(%arg13 : memref<16x768xf32, #tpu.memory_space<vmem>>) offsets(%dma_start3A : memref<16xi32, #tpu.memory_space<vmem>>) semaphore(%arg21 : memref<!tpu.dma_semaphore, #tpu.memory_space<semaphore_mem>>)
    } else {
    }
    %ge3A_44 = arith.constant 0 : i32
    %ge3A_45 = arith.constant 16 : i32
    %ge3A_46 = arith.cmpi sge, %ge3A_44, %ge3A_45 : i32
    %lt3A_47 = arith.constant 0 : i32
    %lt3A_48 = arith.constant 32 : i32
    %lt3A_49 = arith.cmpi slt, %lt3A_47, %lt3A_48 : i32
    %and3A_50 = arith.andi %ge3A_46, %lt3A_49 : i1
    %convert_element_type3A_51 = arith.extui %and3A_50 : i1 to i32
    %cond3A_52 = arith.constant 0 : i32
    %cond3A_53 = arith.constant 0 : i32
    %cond3A_54 = arith.cmpi ne, %convert_element_type3A_51, %cond3A_53 : i32
    scf.if %cond3A_54 {
      %sub3A_183 = arith.constant 16 : i32
      %sub3A_184 = arith.subi %cond3A_52, %sub3A_183 : i32
      %mul3A_185 = arith.constant 16 : i32
      %mul3A_186 = arith.muli %sub3A_184, %mul3A_185 : i32
      %dma_start3A = tpu.memref_slice %arg12[%mul3A_186] : memref<256xi32, #tpu.memory_space<vmem>> -> memref<16xi32, #tpu.memory_space<vmem>>
      %dma_start3A_187 = arith.constant 0 : i32
      %dma_start3A_188 = arith.constant 0 : i32
      %dma_start3A_189 = tpu.memref_slice %arg4[%dma_start3A_187, %dma_start3A_188] : memref<100000x768xf32, #tpu.memory_space<hbm>> -> memref<100000x768xf32, #tpu.memory_space<hbm>>
      tpu.enqueue_indirect_dma source(%dma_start3A_189 : memref<100000x768xf32, #tpu.memory_space<hbm>>) target(%arg13 : memref<16x768xf32, #tpu.memory_space<vmem>>) offsets(%dma_start3A : memref<16xi32, #tpu.memory_space<vmem>>) semaphore(%arg21 : memref<!tpu.dma_semaphore, #tpu.memory_space<semaphore_mem>>)
    } else {
    }
    %ge3A_55 = arith.constant 0 : i32
    %ge3A_56 = arith.constant 32 : i32
    %ge3A_57 = arith.cmpi sge, %ge3A_55, %ge3A_56 : i32
    %lt3A_58 = arith.constant 0 : i32
    %lt3A_59 = arith.constant 48 : i32
    %lt3A_60 = arith.cmpi slt, %lt3A_58, %lt3A_59 : i32
    %and3A_61 = arith.andi %ge3A_57, %lt3A_60 : i1
    %convert_element_type3A_62 = arith.extui %and3A_61 : i1 to i32
    %cond3A_63 = arith.constant 0 : i32
    %cond3A_64 = arith.constant 0 : i32
    %cond3A_65 = arith.cmpi ne, %convert_element_type3A_62, %cond3A_64 : i32
    scf.if %cond3A_65 {
      %sub3A_183 = arith.constant 32 : i32
      %sub3A_184 = arith.subi %cond3A_63, %sub3A_183 : i32
      %mul3A_185 = arith.constant 16 : i32
      %mul3A_186 = arith.muli %sub3A_184, %mul3A_185 : i32
      %dma_start3A = tpu.memref_slice %arg12[%mul3A_186] : memref<256xi32, #tpu.memory_space<vmem>> -> memref<16xi32, #tpu.memory_space<vmem>>
      %dma_start3A_187 = arith.constant 0 : i32
      %dma_start3A_188 = arith.constant 0 : i32
      %dma_start3A_189 = tpu.memref_slice %arg5[%dma_start3A_187, %dma_start3A_188] : memref<100000x768xf32, #tpu.memory_space<hbm>> -> memref<100000x768xf32, #tpu.memory_space<hbm>>
      tpu.enqueue_indirect_dma source(%dma_start3A_189 : memref<100000x768xf32, #tpu.memory_space<hbm>>) target(%arg13 : memref<16x768xf32, #tpu.memory_space<vmem>>) offsets(%dma_start3A : memref<16xi32, #tpu.memory_space<vmem>>) semaphore(%arg21 : memref<!tpu.dma_semaphore, #tpu.memory_space<semaphore_mem>>)
    } else {
    }
    %ge3A_66 = arith.constant 1 : i32
    %ge3A_67 = arith.constant 0 : i32
    %ge3A_68 = arith.cmpi sge, %ge3A_66, %ge3A_67 : i32
    %lt3A_69 = arith.constant 1 : i32
    %lt3A_70 = arith.constant 16 : i32
    %lt3A_71 = arith.cmpi slt, %lt3A_69, %lt3A_70 : i32
    %and3A_72 = arith.andi %ge3A_68, %lt3A_71 : i1
    %convert_element_type3A_73 = arith.extui %and3A_72 : i1 to i32
    %cond3A_74 = arith.constant 1 : i32
    %cond3A_75 = arith.constant 0 : i32
    %cond3A_76 = arith.cmpi ne, %convert_element_type3A_73, %cond3A_75 : i32
    scf.if %cond3A_76 {
      %sub3A_183 = arith.constant 0 : i32
      %sub3A_184 = arith.subi %cond3A_74, %sub3A_183 : i32
      %mul3A_185 = arith.constant 16 : i32
      %mul3A_186 = arith.muli %sub3A_184, %mul3A_185 : i32
      %dma_start3A = tpu.memref_slice %arg12[%mul3A_186] : memref<256xi32, #tpu.memory_space<vmem>> -> memref<16xi32, #tpu.memory_space<vmem>>
      %dma_start3A_187 = arith.constant 0 : i32
      %dma_start3A_188 = arith.constant 0 : i32
      %dma_start3A_189 = tpu.memref_slice %arg3[%dma_start3A_187, %dma_start3A_188] : memref<100000x768xf32, #tpu.memory_space<hbm>> -> memref<100000x768xf32, #tpu.memory_space<hbm>>
      tpu.enqueue_indirect_dma source(%dma_start3A_189 : memref<100000x768xf32, #tpu.memory_space<hbm>>) target(%arg14 : memref<16x768xf32, #tpu.memory_space<vmem>>) offsets(%dma_start3A : memref<16xi32, #tpu.memory_space<vmem>>) semaphore(%arg22 : memref<!tpu.dma_semaphore, #tpu.memory_space<semaphore_mem>>)
    } else {
    }
    %ge3A_77 = arith.constant 1 : i32
    %ge3A_78 = arith.constant 16 : i32
    %ge3A_79 = arith.cmpi sge, %ge3A_77, %ge3A_78 : i32
    %lt3A_80 = arith.constant 1 : i32
    %lt3A_81 = arith.constant 32 : i32
    %lt3A_82 = arith.cmpi slt, %lt3A_80, %lt3A_81 : i32
    %and3A_83 = arith.andi %ge3A_79, %lt3A_82 : i1
    %convert_element_type3A_84 = arith.extui %and3A_83 : i1 to i32
    %cond3A_85 = arith.constant 1 : i32
    %cond3A_86 = arith.constant 0 : i32
    %cond3A_87 = arith.cmpi ne, %convert_element_type3A_84, %cond3A_86 : i32
    scf.if %cond3A_87 {
      %sub3A_183 = arith.constant 16 : i32
      %sub3A_184 = arith.subi %cond3A_85, %sub3A_183 : i32
      %mul3A_185 = arith.constant 16 : i32
      %mul3A_186 = arith.muli %sub3A_184, %mul3A_185 : i32
      %dma_start3A = tpu.memref_slice %arg12[%mul3A_186] : memref<256xi32, #tpu.memory_space<vmem>> -> memref<16xi32, #tpu.memory_space<vmem>>
      %dma_start3A_187 = arith.constant 0 : i32
      %dma_start3A_188 = arith.constant 0 : i32
      %dma_start3A_189 = tpu.memref_slice %arg4[%dma_start3A_187, %dma_start3A_188] : memref<100000x768xf32, #tpu.memory_space<hbm>> -> memref<100000x768xf32, #tpu.memory_space<hbm>>
      tpu.enqueue_indirect_dma source(%dma_start3A_189 : memref<100000x768xf32, #tpu.memory_space<hbm>>) target(%arg14 : memref<16x768xf32, #tpu.memory_space<vmem>>) offsets(%dma_start3A : memref<16xi32, #tpu.memory_space<vmem>>) semaphore(%arg22 : memref<!tpu.dma_semaphore, #tpu.memory_space<semaphore_mem>>)
    } else {
    }
    %ge3A_88 = arith.constant 1 : i32
    %ge3A_89 = arith.constant 32 : i32
    %ge3A_90 = arith.cmpi sge, %ge3A_88, %ge3A_89 : i32
    %lt3A_91 = arith.constant 1 : i32
    %lt3A_92 = arith.constant 48 : i32
    %lt3A_93 = arith.cmpi slt, %lt3A_91, %lt3A_92 : i32
    %and3A_94 = arith.andi %ge3A_90, %lt3A_93 : i1
    %convert_element_type3A_95 = arith.extui %and3A_94 : i1 to i32
    %cond3A_96 = arith.constant 1 : i32
    %cond3A_97 = arith.constant 0 : i32
    %cond3A_98 = arith.cmpi ne, %convert_element_type3A_95, %cond3A_97 : i32
    scf.if %cond3A_98 {
      %sub3A_183 = arith.constant 32 : i32
      %sub3A_184 = arith.subi %cond3A_96, %sub3A_183 : i32
      %mul3A_185 = arith.constant 16 : i32
      %mul3A_186 = arith.muli %sub3A_184, %mul3A_185 : i32
      %dma_start3A = tpu.memref_slice %arg12[%mul3A_186] : memref<256xi32, #tpu.memory_space<vmem>> -> memref<16xi32, #tpu.memory_space<vmem>>
      %dma_start3A_187 = arith.constant 0 : i32
      %dma_start3A_188 = arith.constant 0 : i32
      %dma_start3A_189 = tpu.memref_slice %arg5[%dma_start3A_187, %dma_start3A_188] : memref<100000x768xf32, #tpu.memory_space<hbm>> -> memref<100000x768xf32, #tpu.memory_space<hbm>>
      tpu.enqueue_indirect_dma source(%dma_start3A_189 : memref<100000x768xf32, #tpu.memory_space<hbm>>) target(%arg14 : memref<16x768xf32, #tpu.memory_space<vmem>>) offsets(%dma_start3A : memref<16xi32, #tpu.memory_space<vmem>>) semaphore(%arg22 : memref<!tpu.dma_semaphore, #tpu.memory_space<semaphore_mem>>)
    } else {
    }
    %ge3A_99 = arith.constant 2 : i32
    %ge3A_100 = arith.constant 0 : i32
    %ge3A_101 = arith.cmpi sge, %ge3A_99, %ge3A_100 : i32
    %lt3A_102 = arith.constant 2 : i32
    %lt3A_103 = arith.constant 16 : i32
    %lt3A_104 = arith.cmpi slt, %lt3A_102, %lt3A_103 : i32
    %and3A_105 = arith.andi %ge3A_101, %lt3A_104 : i1
    %convert_element_type3A_106 = arith.extui %and3A_105 : i1 to i32
    %cond3A_107 = arith.constant 2 : i32
    %cond3A_108 = arith.constant 0 : i32
    %cond3A_109 = arith.cmpi ne, %convert_element_type3A_106, %cond3A_108 : i32
    scf.if %cond3A_109 {
      %sub3A_183 = arith.constant 0 : i32
      %sub3A_184 = arith.subi %cond3A_107, %sub3A_183 : i32
      %mul3A_185 = arith.constant 16 : i32
      %mul3A_186 = arith.muli %sub3A_184, %mul3A_185 : i32
      %dma_start3A = tpu.memref_slice %arg12[%mul3A_186] : memref<256xi32, #tpu.memory_space<vmem>> -> memref<16xi32, #tpu.memory_space<vmem>>
      %dma_start3A_187 = arith.constant 0 : i32
      %dma_start3A_188 = arith.constant 0 : i32
      %dma_start3A_189 = tpu.memref_slice %arg3[%dma_start3A_187, %dma_start3A_188] : memref<100000x768xf32, #tpu.memory_space<hbm>> -> memref<100000x768xf32, #tpu.memory_space<hbm>>
      tpu.enqueue_indirect_dma source(%dma_start3A_189 : memref<100000x768xf32, #tpu.memory_space<hbm>>) target(%arg15 : memref<16x768xf32, #tpu.memory_space<vmem>>) offsets(%dma_start3A : memref<16xi32, #tpu.memory_space<vmem>>) semaphore(%arg23 : memref<!tpu.dma_semaphore, #tpu.memory_space<semaphore_mem>>)
    } else {
    }
    %ge3A_110 = arith.constant 2 : i32
    %ge3A_111 = arith.constant 16 : i32
    %ge3A_112 = arith.cmpi sge, %ge3A_110, %ge3A_111 : i32
    %lt3A_113 = arith.constant 2 : i32
    %lt3A_114 = arith.constant 32 : i32
    %lt3A_115 = arith.cmpi slt, %lt3A_113, %lt3A_114 : i32
    %and3A_116 = arith.andi %ge3A_112, %lt3A_115 : i1
    %convert_element_type3A_117 = arith.extui %and3A_116 : i1 to i32
    %cond3A_118 = arith.constant 2 : i32
    %cond3A_119 = arith.constant 0 : i32
    %cond3A_120 = arith.cmpi ne, %convert_element_type3A_117, %cond3A_119 : i32
    scf.if %cond3A_120 {
      %sub3A_183 = arith.constant 16 : i32
      %sub3A_184 = arith.subi %cond3A_118, %sub3A_183 : i32
      %mul3A_185 = arith.constant 16 : i32
      %mul3A_186 = arith.muli %sub3A_184, %mul3A_185 : i32
      %dma_start3A = tpu.memref_slice %arg12[%mul3A_186] : memref<256xi32, #tpu.memory_space<vmem>> -> memref<16xi32, #tpu.memory_space<vmem>>
      %dma_start3A_187 = arith.constant 0 : i32
      %dma_start3A_188 = arith.constant 0 : i32
      %dma_start3A_189 = tpu.memref_slice %arg4[%dma_start3A_187, %dma_start3A_188] : memref<100000x768xf32, #tpu.memory_space<hbm>> -> memref<100000x768xf32, #tpu.memory_space<hbm>>
      tpu.enqueue_indirect_dma source(%dma_start3A_189 : memref<100000x768xf32, #tpu.memory_space<hbm>>) target(%arg15 : memref<16x768xf32, #tpu.memory_space<vmem>>) offsets(%dma_start3A : memref<16xi32, #tpu.memory_space<vmem>>) semaphore(%arg23 : memref<!tpu.dma_semaphore, #tpu.memory_space<semaphore_mem>>)
    } else {
    }
    %ge3A_121 = arith.constant 2 : i32
    %ge3A_122 = arith.constant 32 : i32
    %ge3A_123 = arith.cmpi sge, %ge3A_121, %ge3A_122 : i32
    %lt3A_124 = arith.constant 2 : i32
    %lt3A_125 = arith.constant 48 : i32
    %lt3A_126 = arith.cmpi slt, %lt3A_124, %lt3A_125 : i32
    %and3A_127 = arith.andi %ge3A_123, %lt3A_126 : i1
    %convert_element_type3A_128 = arith.extui %and3A_127 : i1 to i32
    %cond3A_129 = arith.constant 2 : i32
    %cond3A_130 = arith.constant 0 : i32
    %cond3A_131 = arith.cmpi ne, %convert_element_type3A_128, %cond3A_130 : i32
    scf.if %cond3A_131 {
      %sub3A_183 = arith.constant 32 : i32
      %sub3A_184 = arith.subi %cond3A_129, %sub3A_183 : i32
      %mul3A_185 = arith.constant 16 : i32
      %mul3A_186 = arith.muli %sub3A_184, %mul3A_185 : i32
      %dma_start3A = tpu.memref_slice %arg12[%mul3A_186] : memref<256xi32, #tpu.memory_space<vmem>> -> memref<16xi32, #tpu.memory_space<vmem>>
      %dma_start3A_187 = arith.constant 0 : i32
      %dma_start3A_188 = arith.constant 0 : i32
      %dma_start3A_189 = tpu.memref_slice %arg5[%dma_start3A_187, %dma_start3A_188] : memref<100000x768xf32, #tpu.memory_space<hbm>> -> memref<100000x768xf32, #tpu.memory_space<hbm>>
      tpu.enqueue_indirect_dma source(%dma_start3A_189 : memref<100000x768xf32, #tpu.memory_space<hbm>>) target(%arg15 : memref<16x768xf32, #tpu.memory_space<vmem>>) offsets(%dma_start3A : memref<16xi32, #tpu.memory_space<vmem>>) semaphore(%arg23 : memref<!tpu.dma_semaphore, #tpu.memory_space<semaphore_mem>>)
    } else {
    }
    %scan3A = arith.constant 0 : i32
    %scan3A_132 = arith.constant 12 : i32
    %scan3A_133 = arith.addi %scan3A, %scan3A_132 : i32
    %scan3A_134 = arith.constant 1 : i32
    scf.for %scan3A_183 = %scan3A to %scan3A_133 step %scan3A_134  : i32 {
      %mul3A_184 = arith.constant 1 : i32
      %mul3A_185 = arith.muli %scan3A_183, %mul3A_184 : i32
      %add3A_186 = arith.constant 0 : i32
      %add3A_187 = arith.addi %add3A_186, %mul3A_185 : i32
      %mul3A_188 = arith.constant 4 : i32
      %mul3A_189 = arith.muli %add3A_187, %mul3A_188 : i32
      %add3A_190 = arith.constant 0 : i32
      %add3A_191 = arith.addi %mul3A_189, %add3A_190 : i32
      %dma_wait3A_192 = arith.constant 0 : i32
      %dma_wait3A_193 = arith.constant 0 : i32
      %dma_wait3A_194 = tpu.memref_slice %arg3[%dma_wait3A_192, %dma_wait3A_193] : memref<100000x768xf32, #tpu.memory_space<hbm>> -> memref<16x768xf32, #tpu.memory_space<hbm>>
      %dma_wait3A_195 = arith.constant 0 : i32
      %dma_wait3A_196 = arith.constant 0 : i32
      %dma_wait3A_197 = tpu.memref_slice %arg3[%dma_wait3A_195, %dma_wait3A_196] : memref<100000x768xf32, #tpu.memory_space<hbm>> -> memref<16x768xf32, #tpu.memory_space<hbm>>
      tpu.wait_dma2 semaphore(%arg21 : memref<!tpu.dma_semaphore, #tpu.memory_space<semaphore_mem>>) src(%dma_wait3A_197 : memref<16x768xf32, #tpu.memory_space<hbm>>) dst(%arg13 : memref<16x768xf32, #tpu.memory_space<vmem>>)
      %add3A_198 = arith.constant 3 : i32
      %add3A_199 = arith.addi %add3A_191, %add3A_198 : i32
      %lt3A_200 = arith.constant 48 : i32
      %lt3A_201 = arith.cmpi slt, %add3A_199, %lt3A_200 : i32
      %convert_element_type3A_202 = arith.extui %lt3A_201 : i1 to i32
      %cond3A_203 = arith.constant 0 : i32
      %cond3A_204 = arith.cmpi ne, %convert_element_type3A_202, %cond3A_203 : i32
      scf.if %cond3A_204 {
        %add3A_383 = arith.constant 3 : i32
        %add3A_384 = arith.addi %add3A_191, %add3A_383 : i32
        %ge3A_385 = arith.constant 0 : i32
        %ge3A_386 = arith.cmpi sge, %add3A_384, %ge3A_385 : i32
        %lt3A_387 = arith.constant 16 : i32
        %lt3A_388 = arith.cmpi slt, %add3A_384, %lt3A_387 : i32
        %and3A_389 = arith.andi %ge3A_386, %lt3A_388 : i1
        %convert_element_type3A_390 = arith.extui %and3A_389 : i1 to i32
        %cond3A_391 = arith.constant 0 : i32
        %cond3A_392 = arith.cmpi ne, %convert_element_type3A_390, %cond3A_391 : i32
        scf.if %cond3A_392 {
          %sub3A_409 = arith.constant 0 : i32
          %sub3A_410 = arith.subi %add3A_384, %sub3A_409 : i32
          %mul3A_411 = arith.constant 16 : i32
          %mul3A_412 = arith.muli %sub3A_410, %mul3A_411 : i32
          %dma_start3A = tpu.memref_slice %arg12[%mul3A_412] : memref<256xi32, #tpu.memory_space<vmem>> -> memref<16xi32, #tpu.memory_space<vmem>>
          %dma_start3A_413 = arith.constant 0 : i32
          %dma_start3A_414 = arith.constant 0 : i32
          %dma_start3A_415 = tpu.memref_slice %arg3[%dma_start3A_413, %dma_start3A_414] : memref<100000x768xf32, #tpu.memory_space<hbm>> -> memref<100000x768xf32, #tpu.memory_space<hbm>>
          tpu.enqueue_indirect_dma source(%dma_start3A_415 : memref<100000x768xf32, #tpu.memory_space<hbm>>) target(%arg16 : memref<16x768xf32, #tpu.memory_space<vmem>>) offsets(%dma_start3A : memref<16xi32, #tpu.memory_space<vmem>>) semaphore(%arg24 : memref<!tpu.dma_semaphore, #tpu.memory_space<semaphore_mem>>)
        } else {
        }
        %ge3A_393 = arith.constant 16 : i32
        %ge3A_394 = arith.cmpi sge, %add3A_384, %ge3A_393 : i32
        %lt3A_395 = arith.constant 32 : i32
        %lt3A_396 = arith.cmpi slt, %add3A_384, %lt3A_395 : i32
        %and3A_397 = arith.andi %ge3A_394, %lt3A_396 : i1
        %convert_element_type3A_398 = arith.extui %and3A_397 : i1 to i32
        %cond3A_399 = arith.constant 0 : i32
        %cond3A_400 = arith.cmpi ne, %convert_element_type3A_398, %cond3A_399 : i32
        scf.if %cond3A_400 {
          %sub3A_409 = arith.constant 16 : i32
          %sub3A_410 = arith.subi %add3A_384, %sub3A_409 : i32
          %mul3A_411 = arith.constant 16 : i32
          %mul3A_412 = arith.muli %sub3A_410, %mul3A_411 : i32
          %dma_start3A = tpu.memref_slice %arg12[%mul3A_412] : memref<256xi32, #tpu.memory_space<vmem>> -> memref<16xi32, #tpu.memory_space<vmem>>
          %dma_start3A_413 = arith.constant 0 : i32
          %dma_start3A_414 = arith.constant 0 : i32
          %dma_start3A_415 = tpu.memref_slice %arg4[%dma_start3A_413, %dma_start3A_414] : memref<100000x768xf32, #tpu.memory_space<hbm>> -> memref<100000x768xf32, #tpu.memory_space<hbm>>
          tpu.enqueue_indirect_dma source(%dma_start3A_415 : memref<100000x768xf32, #tpu.memory_space<hbm>>) target(%arg16 : memref<16x768xf32, #tpu.memory_space<vmem>>) offsets(%dma_start3A : memref<16xi32, #tpu.memory_space<vmem>>) semaphore(%arg24 : memref<!tpu.dma_semaphore, #tpu.memory_space<semaphore_mem>>)
        } else {
        }
        %ge3A_401 = arith.constant 32 : i32
        %ge3A_402 = arith.cmpi sge, %add3A_384, %ge3A_401 : i32
        %lt3A_403 = arith.constant 48 : i32
        %lt3A_404 = arith.cmpi slt, %add3A_384, %lt3A_403 : i32
        %and3A_405 = arith.andi %ge3A_402, %lt3A_404 : i1
        %convert_element_type3A_406 = arith.extui %and3A_405 : i1 to i32
        %cond3A_407 = arith.constant 0 : i32
        %cond3A_408 = arith.cmpi ne, %convert_element_type3A_406, %cond3A_407 : i32
        scf.if %cond3A_408 {
          %sub3A_409 = arith.constant 32 : i32
          %sub3A_410 = arith.subi %add3A_384, %sub3A_409 : i32
          %mul3A_411 = arith.constant 16 : i32
          %mul3A_412 = arith.muli %sub3A_410, %mul3A_411 : i32
          %dma_start3A = tpu.memref_slice %arg12[%mul3A_412] : memref<256xi32, #tpu.memory_space<vmem>> -> memref<16xi32, #tpu.memory_space<vmem>>
          %dma_start3A_413 = arith.constant 0 : i32
          %dma_start3A_414 = arith.constant 0 : i32
          %dma_start3A_415 = tpu.memref_slice %arg5[%dma_start3A_413, %dma_start3A_414] : memref<100000x768xf32, #tpu.memory_space<hbm>> -> memref<100000x768xf32, #tpu.memory_space<hbm>>
          tpu.enqueue_indirect_dma source(%dma_start3A_415 : memref<100000x768xf32, #tpu.memory_space<hbm>>) target(%arg16 : memref<16x768xf32, #tpu.memory_space<vmem>>) offsets(%dma_start3A : memref<16xi32, #tpu.memory_space<vmem>>) semaphore(%arg24 : memref<!tpu.dma_semaphore, #tpu.memory_space<semaphore_mem>>)
        } else {
        }
      } else {
      }
      %ge3A_205 = arith.constant 1 : i32
      %ge3A_206 = arith.cmpi sge, %add3A_187, %ge3A_205 : i32
      %convert_element_type3A_207 = arith.extui %ge3A_206 : i1 to i32
      %cond3A_208 = arith.constant 0 : i32
      %cond3A_209 = arith.cmpi ne, %convert_element_type3A_207, %cond3A_208 : i32
      scf.if %cond3A_209 {
        %dma_wait3A_383 = arith.constant 0 : i32
        %dma_wait3A_384 = arith.constant 0 : i32
        %dma_wait3A_385 = tpu.memref_slice %arg6[%dma_wait3A_383, %dma_wait3A_384] : memref<8192x768xbf16, #tpu.memory_space<hbm>> -> memref<16x768xbf16, #tpu.memory_space<hbm>>
        %dma_wait3A_386 = arith.constant 0 : i32
        %dma_wait3A_387 = arith.constant 0 : i32
        %dma_wait3A_388 = tpu.memref_slice %arg6[%dma_wait3A_386, %dma_wait3A_387] : memref<8192x768xbf16, #tpu.memory_space<hbm>> -> memref<16x768xbf16, #tpu.memory_space<hbm>>
        tpu.wait_dma2 semaphore(%arg25 : memref<!tpu.dma_semaphore, #tpu.memory_space<semaphore_mem>>) src(%arg17 : memref<16x768xbf16, #tpu.memory_space<vmem>>) dst(%dma_wait3A_388 : memref<16x768xbf16, #tpu.memory_space<hbm>>)
        %dma_wait3A_389 = arith.constant 0 : i32
        %dma_wait3A_390 = arith.constant 0 : i32
        %dma_wait3A_391 = tpu.memref_slice %arg6[%dma_wait3A_389, %dma_wait3A_390] : memref<8192x768xbf16, #tpu.memory_space<hbm>> -> memref<16x768xbf16, #tpu.memory_space<hbm>>
        %dma_wait3A_392 = arith.constant 0 : i32
        %dma_wait3A_393 = arith.constant 0 : i32
        %dma_wait3A_394 = tpu.memref_slice %arg6[%dma_wait3A_392, %dma_wait3A_393] : memref<8192x768xbf16, #tpu.memory_space<hbm>> -> memref<16x768xbf16, #tpu.memory_space<hbm>>
        tpu.wait_dma2 semaphore(%arg25 : memref<!tpu.dma_semaphore, #tpu.memory_space<semaphore_mem>>) src(%arg17 : memref<16x768xbf16, #tpu.memory_space<vmem>>) dst(%dma_wait3A_394 : memref<16x768xbf16, #tpu.memory_space<hbm>>)
      } else {
      }
      %parallel_loop3A = arith.constant 0 : i32
      %parallel_loop3A_210 = arith.constant 16 : i32
      %parallel_loop3A_211 = arith.constant 1 : i32
      scf.for %parallel_loop3A_383 = %parallel_loop3A to %parallel_loop3A_210 step %parallel_loop3A_211  : i32 {
        %parallel_loop3A_384 = vector.broadcast %parallel_loop3A_383 : i32 to vector<16xi32>
        %parallel_loop3A_385 = arith.constant 0 : i32
        %parallel_loop3A_386 = arith.constant 24 : i32
        %parallel_loop3A_387 = arith.constant 1 : i32
        scf.for %parallel_loop3A_388 = %parallel_loop3A_385 to %parallel_loop3A_386 step %parallel_loop3A_387  : i32 {
          %parallel_loop3A_389 = arith.constant 32 : i32
          %parallel_loop3A_390 = arith.muli %parallel_loop3A_388, %parallel_loop3A_389 : i32
          %parallel_loop3A_391 = vector.broadcast %parallel_loop3A_390 : i32 to vector<16xi32>
          %parallel_loop3A_392 = arith.addi %parallel_loop3A_391, %mul3A_35 : vector<16xi32>
          %parallel_loop3A_393 = tpu.vector_load_idx %arg13[%parallel_loop3A_384, %parallel_loop3A_392] : memref<16x768xf32, #tpu.memory_space<vmem>>[vector<16xi32>, vector<16xi32>], vector<16xf32>,
          %parallel_loop3A_394 = arith.constant 1 : i32
          %parallel_loop3A_395 = vector.broadcast %parallel_loop3A_394 : i32 to vector<16xi32>
          %parallel_loop3A_396 = arith.addi %parallel_loop3A_392, %parallel_loop3A_395 : vector<16xi32>
          %parallel_loop3A_397 = tpu.vector_load_idx %arg13[%parallel_loop3A_384, %parallel_loop3A_396] : memref<16x768xf32, #tpu.memory_space<vmem>>[vector<16xi32>, vector<16xi32>], vector<16xf32>,
          %parallel_loop3A_398 = tpu.pack_subelements %parallel_loop3A_393, %parallel_loop3A_397 {pack_format = #tpu.pack_format<interleaved>, positions = array<i32: 0, 1>} : vector<16xf32>, vector<16xf32> -> vector<32xbf16>
          %parallel_loop3A_399 = arith.constant 32 : i32
          %parallel_loop3A_400 = arith.muli %parallel_loop3A_388, %parallel_loop3A_399 : i32
          %parallel_loop3A_401 = arith.index_cast %parallel_loop3A_383 : i32 to index
          %parallel_loop3A_402 = arith.index_cast %parallel_loop3A_400 : i32 to index
          %parallel_loop3A_403 = tpu.vector_load %arg17[%parallel_loop3A_401, %parallel_loop3A_402] {strides = array<i32>} : memref<16x768xbf16, #tpu.memory_space<vmem>>, vector<32xbf16>,
          tpu.vector_store %arg17[%parallel_loop3A_401, %parallel_loop3A_402], %parallel_loop3A_398 {strides = array<i32>} : memref<16x768xbf16, #tpu.memory_space<vmem>>, vector<32xbf16>,
        } {sc.loop_unroll_factor = 4 : i64, sc.parallel_access}
      } {sc.loop_unroll_factor = 1 : i64, sc.parallel_access}
      %ge3A_212 = arith.constant 0 : i32
      %ge3A_213 = arith.cmpi sge, %add3A_191, %ge3A_212 : i32
      %lt3A_214 = arith.constant 16 : i32
      %lt3A_215 = arith.cmpi slt, %add3A_191, %lt3A_214 : i32
      %and3A_216 = arith.andi %ge3A_213, %lt3A_215 : i1
      %convert_element_type3A_217 = arith.extui %and3A_216 : i1 to i32
      %cond3A_218 = arith.constant 0 : i32
      %cond3A_219 = arith.cmpi ne, %convert_element_type3A_217, %cond3A_218 : i32
      scf.if %cond3A_219 {
        %sub3A_383 = arith.constant 0 : i32
        %sub3A_384 = arith.subi %add3A_191, %sub3A_383 : i32
        %mul3A_385 = arith.constant 16 : i32
        %mul3A_386 = arith.muli %sub3A_384, %mul3A_385 : i32
        %add3A_387 = arith.addi %mul3A_2, %mul3A_386 : i32
        %dma_start3A = arith.constant 0 : i32
        %dma_start3A_388 = tpu.memref_slice %arg6[%add3A_387, %dma_start3A] : memref<8192x768xbf16, #tpu.memory_space<hbm>> -> memref<16x768xbf16, #tpu.memory_space<hbm>>
        %dma_start3A_389 = arith.constant 0 : i32
        %dma_start3A_390 = tpu.memref_slice %arg6[%add3A_387, %dma_start3A_389] : memref<8192x768xbf16, #tpu.memory_space<hbm>> -> memref<16x768xbf16, #tpu.memory_space<hbm>>
        tpu.enqueue_dma source(%arg17 : memref<16x768xbf16, #tpu.memory_space<vmem>>) target(%dma_start3A_390 : memref<16x768xbf16, #tpu.memory_space<hbm>>) target_semaphore(%arg25 : memref<!tpu.dma_semaphore, #tpu.memory_space<semaphore_mem>>)
        %dma_start3A_391 = arith.constant 0 : i32
        %dma_start3A_392 = tpu.memref_slice %arg9[%add3A_387, %dma_start3A_391] : memref<8192x768xbf16, #tpu.memory_space<hbm>> -> memref<16x768xbf16, #tpu.memory_space<hbm>>
        %dma_start3A_393 = arith.constant 0 : i32
        %dma_start3A_394 = tpu.memref_slice %arg9[%add3A_387, %dma_start3A_393] : memref<8192x768xbf16, #tpu.memory_space<hbm>> -> memref<16x768xbf16, #tpu.memory_space<hbm>>
        tpu.enqueue_dma source(%arg17 : memref<16x768xbf16, #tpu.memory_space<vmem>>) target(%dma_start3A_394 : memref<16x768xbf16, #tpu.memory_space<hbm>>) target_semaphore(%arg25 : memref<!tpu.dma_semaphore, #tpu.memory_space<semaphore_mem>>)
      } else {
      }
      %ge3A_220 = arith.constant 16 : i32
      %ge3A_221 = arith.cmpi sge, %add3A_191, %ge3A_220 : i32
      %lt3A_222 = arith.constant 32 : i32
      %lt3A_223 = arith.cmpi slt, %add3A_191, %lt3A_222 : i32
      %and3A_224 = arith.andi %ge3A_221, %lt3A_223 : i1
      %convert_element_type3A_225 = arith.extui %and3A_224 : i1 to i32
      %cond3A_226 = arith.constant 0 : i32
      %cond3A_227 = arith.cmpi ne, %convert_element_type3A_225, %cond3A_226 : i32
      scf.if %cond3A_227 {
        %sub3A_383 = arith.constant 16 : i32
        %sub3A_384 = arith.subi %add3A_191, %sub3A_383 : i32
        %mul3A_385 = arith.constant 16 : i32
        %mul3A_386 = arith.muli %sub3A_384, %mul3A_385 : i32
        %add3A_387 = arith.addi %mul3A_2, %mul3A_386 : i32
        %dma_start3A = arith.constant 0 : i32
        %dma_start3A_388 = tpu.memref_slice %arg7[%add3A_387, %dma_start3A] : memref<8192x768xbf16, #tpu.memory_space<hbm>> -> memref<16x768xbf16, #tpu.memory_space<hbm>>
        %dma_start3A_389 = arith.constant 0 : i32
        %dma_start3A_390 = tpu.memref_slice %arg7[%add3A_387, %dma_start3A_389] : memref<8192x768xbf16, #tpu.memory_space<hbm>> -> memref<16x768xbf16, #tpu.memory_space<hbm>>
        tpu.enqueue_dma source(%arg17 : memref<16x768xbf16, #tpu.memory_space<vmem>>) target(%dma_start3A_390 : memref<16x768xbf16, #tpu.memory_space<hbm>>) target_semaphore(%arg25 : memref<!tpu.dma_semaphore, #tpu.memory_space<semaphore_mem>>)
        %dma_start3A_391 = arith.constant 0 : i32
        %dma_start3A_392 = tpu.memref_slice %arg10[%add3A_387, %dma_start3A_391] : memref<8192x768xbf16, #tpu.memory_space<hbm>> -> memref<16x768xbf16, #tpu.memory_space<hbm>>
        %dma_start3A_393 = arith.constant 0 : i32
        %dma_start3A_394 = tpu.memref_slice %arg10[%add3A_387, %dma_start3A_393] : memref<8192x768xbf16, #tpu.memory_space<hbm>> -> memref<16x768xbf16, #tpu.memory_space<hbm>>
        tpu.enqueue_dma source(%arg17 : memref<16x768xbf16, #tpu.memory_space<vmem>>) target(%dma_start3A_394 : memref<16x768xbf16, #tpu.memory_space<hbm>>) target_semaphore(%arg25 : memref<!tpu.dma_semaphore, #tpu.memory_space<semaphore_mem>>)
      } else {
      }
      %ge3A_228 = arith.constant 32 : i32
      %ge3A_229 = arith.cmpi sge, %add3A_191, %ge3A_228 : i32
      %lt3A_230 = arith.constant 48 : i32
      %lt3A_231 = arith.cmpi slt, %add3A_191, %lt3A_230 : i32
      %and3A_232 = arith.andi %ge3A_229, %lt3A_231 : i1
      %convert_element_type3A_233 = arith.extui %and3A_232 : i1 to i32
      %cond3A_234 = arith.constant 0 : i32
      %cond3A_235 = arith.cmpi ne, %convert_element_type3A_233, %cond3A_234 : i32
      scf.if %cond3A_235 {
        %sub3A_383 = arith.constant 32 : i32
        %sub3A_384 = arith.subi %add3A_191, %sub3A_383 : i32
        %mul3A_385 = arith.constant 16 : i32
        %mul3A_386 = arith.muli %sub3A_384, %mul3A_385 : i32
        %add3A_387 = arith.addi %mul3A_2, %mul3A_386 : i32
        %dma_start3A = arith.constant 0 : i32
        %dma_start3A_388 = tpu.memref_slice %arg8[%add3A_387, %dma_start3A] : memref<8192x768xbf16, #tpu.memory_space<hbm>> -> memref<16x768xbf16, #tpu.memory_space<hbm>>
        %dma_start3A_389 = arith.constant 0 : i32
        %dma_start3A_390 = tpu.memref_slice %arg8[%add3A_387, %dma_start3A_389] : memref<8192x768xbf16, #tpu.memory_space<hbm>> -> memref<16x768xbf16, #tpu.memory_space<hbm>>
        tpu.enqueue_dma source(%arg17 : memref<16x768xbf16, #tpu.memory_space<vmem>>) target(%dma_start3A_390 : memref<16x768xbf16, #tpu.memory_space<hbm>>) target_semaphore(%arg25 : memref<!tpu.dma_semaphore, #tpu.memory_space<semaphore_mem>>)
        %dma_start3A_391 = arith.constant 0 : i32
        %dma_start3A_392 = tpu.memref_slice %arg11[%add3A_387, %dma_start3A_391] : memref<8192x768xbf16, #tpu.memory_space<hbm>> -> memref<16x768xbf16, #tpu.memory_space<hbm>>
        %dma_start3A_393 = arith.constant 0 : i32
        %dma_start3A_394 = tpu.memref_slice %arg11[%add3A_387, %dma_start3A_393] : memref<8192x768xbf16, #tpu.memory_space<hbm>> -> memref<16x768xbf16, #tpu.memory_space<hbm>>
        tpu.enqueue_dma source(%arg17 : memref<16x768xbf16, #tpu.memory_space<vmem>>) target(%dma_start3A_394 : memref<16x768xbf16, #tpu.memory_space<hbm>>) target_semaphore(%arg25 : memref<!tpu.dma_semaphore, #tpu.memory_space<semaphore_mem>>)
      } else {
      }
      %mul3A_236 = arith.constant 4 : i32
      %mul3A_237 = arith.muli %add3A_187, %mul3A_236 : i32
      %add3A_238 = arith.constant 1 : i32
      %add3A_239 = arith.addi %mul3A_237, %add3A_238 : i32
      %dma_wait3A_240 = arith.constant 0 : i32
      %dma_wait3A_241 = arith.constant 0 : i32
      %dma_wait3A_242 = tpu.memref_slice %arg3[%dma_wait3A_240, %dma_wait3A_241] : memref<100000x768xf32, #tpu.memory_space<hbm>> -> memref<16x768xf32, #tpu.memory_space<hbm>>
      %dma_wait3A_243 = arith.constant 0 : i32
      %dma_wait3A_244 = arith.constant 0 : i32
      %dma_wait3A_245 = tpu.memref_slice %arg3[%dma_wait3A_243, %dma_wait3A_244] : memref<100000x768xf32, #tpu.memory_space<hbm>> -> memref<16x768xf32, #tpu.memory_space<hbm>>
      tpu.wait_dma2 semaphore(%arg22 : memref<!tpu.dma_semaphore, #tpu.memory_space<semaphore_mem>>) src(%dma_wait3A_245 : memref<16x768xf32, #tpu.memory_space<hbm>>) dst(%arg14 : memref<16x768xf32, #tpu.memory_space<vmem>>)
      %add3A_246 = arith.constant 3 : i32
      %add3A_247 = arith.addi %add3A_239, %add3A_246 : i32
      %lt3A_248 = arith.constant 48 : i32
      %lt3A_249 = arith.cmpi slt, %add3A_247, %lt3A_248 : i32
      %convert_element_type3A_250 = arith.extui %lt3A_249 : i1 to i32
      %cond3A_251 = arith.constant 0 : i32
      %cond3A_252 = arith.cmpi ne, %convert_element_type3A_250, %cond3A_251 : i32
      scf.if %cond3A_252 {
        %add3A_383 = arith.constant 3 : i32
        %add3A_384 = arith.addi %add3A_239, %add3A_383 : i32
        %ge3A_385 = arith.constant 0 : i32
        %ge3A_386 = arith.cmpi sge, %add3A_384, %ge3A_385 : i32
        %lt3A_387 = arith.constant 16 : i32
        %lt3A_388 = arith.cmpi slt, %add3A_384, %lt3A_387 : i32
        %and3A_389 = arith.andi %ge3A_386, %lt3A_388 : i1
        %convert_element_type3A_390 = arith.extui %and3A_389 : i1 to i32
        %cond3A_391 = arith.constant 0 : i32
        %cond3A_392 = arith.cmpi ne, %convert_element_type3A_390, %cond3A_391 : i32
        scf.if %cond3A_392 {
          %sub3A_409 = arith.constant 0 : i32
          %sub3A_410 = arith.subi %add3A_384, %sub3A_409 : i32
          %mul3A_411 = arith.constant 16 : i32
          %mul3A_412 = arith.muli %sub3A_410, %mul3A_411 : i32
          %dma_start3A = tpu.memref_slice %arg12[%mul3A_412] : memref<256xi32, #tpu.memory_space<vmem>> -> memref<16xi32, #tpu.memory_space<vmem>>
          %dma_start3A_413 = arith.constant 0 : i32
          %dma_start3A_414 = arith.constant 0 : i32
          %dma_start3A_415 = tpu.memref_slice %arg3[%dma_start3A_413, %dma_start3A_414] : memref<100000x768xf32, #tpu.memory_space<hbm>> -> memref<100000x768xf32, #tpu.memory_space<hbm>>
          tpu.enqueue_indirect_dma source(%dma_start3A_415 : memref<100000x768xf32, #tpu.memory_space<hbm>>) target(%arg13 : memref<16x768xf32, #tpu.memory_space<vmem>>) offsets(%dma_start3A : memref<16xi32, #tpu.memory_space<vmem>>) semaphore(%arg21 : memref<!tpu.dma_semaphore, #tpu.memory_space<semaphore_mem>>)
        } else {
        }
        %ge3A_393 = arith.constant 16 : i32
        %ge3A_394 = arith.cmpi sge, %add3A_384, %ge3A_393 : i32
        %lt3A_395 = arith.constant 32 : i32
        %lt3A_396 = arith.cmpi slt, %add3A_384, %lt3A_395 : i32
        %and3A_397 = arith.andi %ge3A_394, %lt3A_396 : i1
        %convert_element_type3A_398 = arith.extui %and3A_397 : i1 to i32
        %cond3A_399 = arith.constant 0 : i32
        %cond3A_400 = arith.cmpi ne, %convert_element_type3A_398, %cond3A_399 : i32
        scf.if %cond3A_400 {
          %sub3A_409 = arith.constant 16 : i32
          %sub3A_410 = arith.subi %add3A_384, %sub3A_409 : i32
          %mul3A_411 = arith.constant 16 : i32
          %mul3A_412 = arith.muli %sub3A_410, %mul3A_411 : i32
          %dma_start3A = tpu.memref_slice %arg12[%mul3A_412] : memref<256xi32, #tpu.memory_space<vmem>> -> memref<16xi32, #tpu.memory_space<vmem>>
          %dma_start3A_413 = arith.constant 0 : i32
          %dma_start3A_414 = arith.constant 0 : i32
          %dma_start3A_415 = tpu.memref_slice %arg4[%dma_start3A_413, %dma_start3A_414] : memref<100000x768xf32, #tpu.memory_space<hbm>> -> memref<100000x768xf32, #tpu.memory_space<hbm>>
          tpu.enqueue_indirect_dma source(%dma_start3A_415 : memref<100000x768xf32, #tpu.memory_space<hbm>>) target(%arg13 : memref<16x768xf32, #tpu.memory_space<vmem>>) offsets(%dma_start3A : memref<16xi32, #tpu.memory_space<vmem>>) semaphore(%arg21 : memref<!tpu.dma_semaphore, #tpu.memory_space<semaphore_mem>>)
        } else {
        }
        %ge3A_401 = arith.constant 32 : i32
        %ge3A_402 = arith.cmpi sge, %add3A_384, %ge3A_401 : i32
        %lt3A_403 = arith.constant 48 : i32
        %lt3A_404 = arith.cmpi slt, %add3A_384, %lt3A_403 : i32
        %and3A_405 = arith.andi %ge3A_402, %lt3A_404 : i1
        %convert_element_type3A_406 = arith.extui %and3A_405 : i1 to i32
        %cond3A_407 = arith.constant 0 : i32
        %cond3A_408 = arith.cmpi ne, %convert_element_type3A_406, %cond3A_407 : i32
        scf.if %cond3A_408 {
          %sub3A_409 = arith.constant 32 : i32
          %sub3A_410 = arith.subi %add3A_384, %sub3A_409 : i32
          %mul3A_411 = arith.constant 16 : i32
          %mul3A_412 = arith.muli %sub3A_410, %mul3A_411 : i32
          %dma_start3A = tpu.memref_slice %arg12[%mul3A_412] : memref<256xi32, #tpu.memory_space<vmem>> -> memref<16xi32, #tpu.memory_space<vmem>>
          %dma_start3A_413 = arith.constant 0 : i32
          %dma_start3A_414 = arith.constant 0 : i32
          %dma_start3A_415 = tpu.memref_slice %arg5[%dma_start3A_413, %dma_start3A_414] : memref<100000x768xf32, #tpu.memory_space<hbm>> -> memref<100000x768xf32, #tpu.memory_space<hbm>>
          tpu.enqueue_indirect_dma source(%dma_start3A_415 : memref<100000x768xf32, #tpu.memory_space<hbm>>) target(%arg13 : memref<16x768xf32, #tpu.memory_space<vmem>>) offsets(%dma_start3A : memref<16xi32, #tpu.memory_space<vmem>>) semaphore(%arg21 : memref<!tpu.dma_semaphore, #tpu.memory_space<semaphore_mem>>)
        } else {
        }
      } else {
      }
      %ge3A_253 = arith.constant 1 : i32
      %ge3A_254 = arith.cmpi sge, %add3A_187, %ge3A_253 : i32
      %convert_element_type3A_255 = arith.extui %ge3A_254 : i1 to i32
      %cond3A_256 = arith.constant 0 : i32
      %cond3A_257 = arith.cmpi ne, %convert_element_type3A_255, %cond3A_256 : i32
      scf.if %cond3A_257 {
        %dma_wait3A_383 = arith.constant 0 : i32
        %dma_wait3A_384 = arith.constant 0 : i32
        %dma_wait3A_385 = tpu.memref_slice %arg6[%dma_wait3A_383, %dma_wait3A_384] : memref<8192x768xbf16, #tpu.memory_space<hbm>> -> memref<16x768xbf16, #tpu.memory_space<hbm>>
        %dma_wait3A_386 = arith.constant 0 : i32
        %dma_wait3A_387 = arith.constant 0 : i32
        %dma_wait3A_388 = tpu.memref_slice %arg6[%dma_wait3A_386, %dma_wait3A_387] : memref<8192x768xbf16, #tpu.memory_space<hbm>> -> memref<16x768xbf16, #tpu.memory_space<hbm>>
        tpu.wait_dma2 semaphore(%arg26 : memref<!tpu.dma_semaphore, #tpu.memory_space<semaphore_mem>>) src(%arg18 : memref<16x768xbf16, #tpu.memory_space<vmem>>) dst(%dma_wait3A_388 : memref<16x768xbf16, #tpu.memory_space<hbm>>)
        %dma_wait3A_389 = arith.constant 0 : i32
        %dma_wait3A_390 = arith.constant 0 : i32
        %dma_wait3A_391 = tpu.memref_slice %arg6[%dma_wait3A_389, %dma_wait3A_390] : memref<8192x768xbf16, #tpu.memory_space<hbm>> -> memref<16x768xbf16, #tpu.memory_space<hbm>>
        %dma_wait3A_392 = arith.constant 0 : i32
        %dma_wait3A_393 = arith.constant 0 : i32
        %dma_wait3A_394 = tpu.memref_slice %arg6[%dma_wait3A_392, %dma_wait3A_393] : memref<8192x768xbf16, #tpu.memory_space<hbm>> -> memref<16x768xbf16, #tpu.memory_space<hbm>>
        tpu.wait_dma2 semaphore(%arg26 : memref<!tpu.dma_semaphore, #tpu.memory_space<semaphore_mem>>) src(%arg18 : memref<16x768xbf16, #tpu.memory_space<vmem>>) dst(%dma_wait3A_394 : memref<16x768xbf16, #tpu.memory_space<hbm>>)
      } else {
      }
      %parallel_loop3A_258 = arith.constant 0 : i32
      %parallel_loop3A_259 = arith.constant 16 : i32
      %parallel_loop3A_260 = arith.constant 1 : i32
      scf.for %parallel_loop3A_383 = %parallel_loop3A_258 to %parallel_loop3A_259 step %parallel_loop3A_260  : i32 {
        %parallel_loop3A_384 = vector.broadcast %parallel_loop3A_383 : i32 to vector<16xi32>
        %parallel_loop3A_385 = arith.constant 0 : i32
        %parallel_loop3A_386 = arith.constant 24 : i32
        %parallel_loop3A_387 = arith.constant 1 : i32
        scf.for %parallel_loop3A_388 = %parallel_loop3A_385 to %parallel_loop3A_386 step %parallel_loop3A_387  : i32 {
          %parallel_loop3A_389 = arith.constant 32 : i32
          %parallel_loop3A_390 = arith.muli %parallel_loop3A_388, %parallel_loop3A_389 : i32
          %parallel_loop3A_391 = vector.broadcast %parallel_loop3A_390 : i32 to vector<16xi32>
          %parallel_loop3A_392 = arith.addi %parallel_loop3A_391, %mul3A_35 : vector<16xi32>
          %parallel_loop3A_393 = tpu.vector_load_idx %arg14[%parallel_loop3A_384, %parallel_loop3A_392] : memref<16x768xf32, #tpu.memory_space<vmem>>[vector<16xi32>, vector<16xi32>], vector<16xf32>,
          %parallel_loop3A_394 = arith.constant 1 : i32
          %parallel_loop3A_395 = vector.broadcast %parallel_loop3A_394 : i32 to vector<16xi32>
          %parallel_loop3A_396 = arith.addi %parallel_loop3A_392, %parallel_loop3A_395 : vector<16xi32>
          %parallel_loop3A_397 = tpu.vector_load_idx %arg14[%parallel_loop3A_384, %parallel_loop3A_396] : memref<16x768xf32, #tpu.memory_space<vmem>>[vector<16xi32>, vector<16xi32>], vector<16xf32>,
          %parallel_loop3A_398 = tpu.pack_subelements %parallel_loop3A_393, %parallel_loop3A_397 {pack_format = #tpu.pack_format<interleaved>, positions = array<i32: 0, 1>} : vector<16xf32>, vector<16xf32> -> vector<32xbf16>
          %parallel_loop3A_399 = arith.constant 32 : i32
          %parallel_loop3A_400 = arith.muli %parallel_loop3A_388, %parallel_loop3A_399 : i32
          %parallel_loop3A_401 = arith.index_cast %parallel_loop3A_383 : i32 to index
          %parallel_loop3A_402 = arith.index_cast %parallel_loop3A_400 : i32 to index
          %parallel_loop3A_403 = tpu.vector_load %arg18[%parallel_loop3A_401, %parallel_loop3A_402] {strides = array<i32>} : memref<16x768xbf16, #tpu.memory_space<vmem>>, vector<32xbf16>,
          tpu.vector_store %arg18[%parallel_loop3A_401, %parallel_loop3A_402], %parallel_loop3A_398 {strides = array<i32>} : memref<16x768xbf16, #tpu.memory_space<vmem>>, vector<32xbf16>,
        } {sc.loop_unroll_factor = 4 : i64, sc.parallel_access}
      } {sc.loop_unroll_factor = 1 : i64, sc.parallel_access}
      %ge3A_261 = arith.constant 0 : i32
      %ge3A_262 = arith.cmpi sge, %add3A_239, %ge3A_261 : i32
      %lt3A_263 = arith.constant 16 : i32
      %lt3A_264 = arith.cmpi slt, %add3A_239, %lt3A_263 : i32
      %and3A_265 = arith.andi %ge3A_262, %lt3A_264 : i1
      %convert_element_type3A_266 = arith.extui %and3A_265 : i1 to i32
      %cond3A_267 = arith.constant 0 : i32
      %cond3A_268 = arith.cmpi ne, %convert_element_type3A_266, %cond3A_267 : i32
      scf.if %cond3A_268 {
        %sub3A_383 = arith.constant 0 : i32
        %sub3A_384 = arith.subi %add3A_239, %sub3A_383 : i32
        %mul3A_385 = arith.constant 16 : i32
        %mul3A_386 = arith.muli %sub3A_384, %mul3A_385 : i32
        %add3A_387 = arith.addi %mul3A_2, %mul3A_386 : i32
        %dma_start3A = arith.constant 0 : i32
        %dma_start3A_388 = tpu.memref_slice %arg6[%add3A_387, %dma_start3A] : memref<8192x768xbf16, #tpu.memory_space<hbm>> -> memref<16x768xbf16, #tpu.memory_space<hbm>>
        %dma_start3A_389 = arith.constant 0 : i32
        %dma_start3A_390 = tpu.memref_slice %arg6[%add3A_387, %dma_start3A_389] : memref<8192x768xbf16, #tpu.memory_space<hbm>> -> memref<16x768xbf16, #tpu.memory_space<hbm>>
        tpu.enqueue_dma source(%arg18 : memref<16x768xbf16, #tpu.memory_space<vmem>>) target(%dma_start3A_390 : memref<16x768xbf16, #tpu.memory_space<hbm>>) target_semaphore(%arg26 : memref<!tpu.dma_semaphore, #tpu.memory_space<semaphore_mem>>)
        %dma_start3A_391 = arith.constant 0 : i32
        %dma_start3A_392 = tpu.memref_slice %arg9[%add3A_387, %dma_start3A_391] : memref<8192x768xbf16, #tpu.memory_space<hbm>> -> memref<16x768xbf16, #tpu.memory_space<hbm>>
        %dma_start3A_393 = arith.constant 0 : i32
        %dma_start3A_394 = tpu.memref_slice %arg9[%add3A_387, %dma_start3A_393] : memref<8192x768xbf16, #tpu.memory_space<hbm>> -> memref<16x768xbf16, #tpu.memory_space<hbm>>
        tpu.enqueue_dma source(%arg18 : memref<16x768xbf16, #tpu.memory_space<vmem>>) target(%dma_start3A_394 : memref<16x768xbf16, #tpu.memory_space<hbm>>) target_semaphore(%arg26 : memref<!tpu.dma_semaphore, #tpu.memory_space<semaphore_mem>>)
      } else {
      }
      %ge3A_269 = arith.constant 16 : i32
      %ge3A_270 = arith.cmpi sge, %add3A_239, %ge3A_269 : i32
      %lt3A_271 = arith.constant 32 : i32
      %lt3A_272 = arith.cmpi slt, %add3A_239, %lt3A_271 : i32
      %and3A_273 = arith.andi %ge3A_270, %lt3A_272 : i1
      %convert_element_type3A_274 = arith.extui %and3A_273 : i1 to i32
      %cond3A_275 = arith.constant 0 : i32
      %cond3A_276 = arith.cmpi ne, %convert_element_type3A_274, %cond3A_275 : i32
      scf.if %cond3A_276 {
        %sub3A_383 = arith.constant 16 : i32
        %sub3A_384 = arith.subi %add3A_239, %sub3A_383 : i32
        %mul3A_385 = arith.constant 16 : i32
        %mul3A_386 = arith.muli %sub3A_384, %mul3A_385 : i32
        %add3A_387 = arith.addi %mul3A_2, %mul3A_386 : i32
        %dma_start3A = arith.constant 0 : i32
        %dma_start3A_388 = tpu.memref_slice %arg7[%add3A_387, %dma_start3A] : memref<8192x768xbf16, #tpu.memory_space<hbm>> -> memref<16x768xbf16, #tpu.memory_space<hbm>>
        %dma_start3A_389 = arith.constant 0 : i32
        %dma_start3A_390 = tpu.memref_slice %arg7[%add3A_387, %dma_start3A_389] : memref<8192x768xbf16, #tpu.memory_space<hbm>> -> memref<16x768xbf16, #tpu.memory_space<hbm>>
        tpu.enqueue_dma source(%arg18 : memref<16x768xbf16, #tpu.memory_space<vmem>>) target(%dma_start3A_390 : memref<16x768xbf16, #tpu.memory_space<hbm>>) target_semaphore(%arg26 : memref<!tpu.dma_semaphore, #tpu.memory_space<semaphore_mem>>)
        %dma_start3A_391 = arith.constant 0 : i32
        %dma_start3A_392 = tpu.memref_slice %arg10[%add3A_387, %dma_start3A_391] : memref<8192x768xbf16, #tpu.memory_space<hbm>> -> memref<16x768xbf16, #tpu.memory_space<hbm>>
        %dma_start3A_393 = arith.constant 0 : i32
        %dma_start3A_394 = tpu.memref_slice %arg10[%add3A_387, %dma_start3A_393] : memref<8192x768xbf16, #tpu.memory_space<hbm>> -> memref<16x768xbf16, #tpu.memory_space<hbm>>
        tpu.enqueue_dma source(%arg18 : memref<16x768xbf16, #tpu.memory_space<vmem>>) target(%dma_start3A_394 : memref<16x768xbf16, #tpu.memory_space<hbm>>) target_semaphore(%arg26 : memref<!tpu.dma_semaphore, #tpu.memory_space<semaphore_mem>>)
      } else {
      }
      %ge3A_277 = arith.constant 32 : i32
      %ge3A_278 = arith.cmpi sge, %add3A_239, %ge3A_277 : i32
      %lt3A_279 = arith.constant 48 : i32
      %lt3A_280 = arith.cmpi slt, %add3A_239, %lt3A_279 : i32
      %and3A_281 = arith.andi %ge3A_278, %lt3A_280 : i1
      %convert_element_type3A_282 = arith.extui %and3A_281 : i1 to i32
      %cond3A_283 = arith.constant 0 : i32
      %cond3A_284 = arith.cmpi ne, %convert_element_type3A_282, %cond3A_283 : i32
      scf.if %cond3A_284 {
        %sub3A_383 = arith.constant 32 : i32
        %sub3A_384 = arith.subi %add3A_239, %sub3A_383 : i32
        %mul3A_385 = arith.constant 16 : i32
        %mul3A_386 = arith.muli %sub3A_384, %mul3A_385 : i32
        %add3A_387 = arith.addi %mul3A_2, %mul3A_386 : i32
        %dma_start3A = arith.constant 0 : i32
        %dma_start3A_388 = tpu.memref_slice %arg8[%add3A_387, %dma_start3A] : memref<8192x768xbf16, #tpu.memory_space<hbm>> -> memref<16x768xbf16, #tpu.memory_space<hbm>>
        %dma_start3A_389 = arith.constant 0 : i32
        %dma_start3A_390 = tpu.memref_slice %arg8[%add3A_387, %dma_start3A_389] : memref<8192x768xbf16, #tpu.memory_space<hbm>> -> memref<16x768xbf16, #tpu.memory_space<hbm>>
        tpu.enqueue_dma source(%arg18 : memref<16x768xbf16, #tpu.memory_space<vmem>>) target(%dma_start3A_390 : memref<16x768xbf16, #tpu.memory_space<hbm>>) target_semaphore(%arg26 : memref<!tpu.dma_semaphore, #tpu.memory_space<semaphore_mem>>)
        %dma_start3A_391 = arith.constant 0 : i32
        %dma_start3A_392 = tpu.memref_slice %arg11[%add3A_387, %dma_start3A_391] : memref<8192x768xbf16, #tpu.memory_space<hbm>> -> memref<16x768xbf16, #tpu.memory_space<hbm>>
        %dma_start3A_393 = arith.constant 0 : i32
        %dma_start3A_394 = tpu.memref_slice %arg11[%add3A_387, %dma_start3A_393] : memref<8192x768xbf16, #tpu.memory_space<hbm>> -> memref<16x768xbf16, #tpu.memory_space<hbm>>
        tpu.enqueue_dma source(%arg18 : memref<16x768xbf16, #tpu.memory_space<vmem>>) target(%dma_start3A_394 : memref<16x768xbf16, #tpu.memory_space<hbm>>) target_semaphore(%arg26 : memref<!tpu.dma_semaphore, #tpu.memory_space<semaphore_mem>>)
      } else {
      }
      %mul3A_285 = arith.constant 4 : i32
      %mul3A_286 = arith.muli %add3A_187, %mul3A_285 : i32
      %add3A_287 = arith.constant 2 : i32
      %add3A_288 = arith.addi %mul3A_286, %add3A_287 : i32
      %dma_wait3A_289 = arith.constant 0 : i32
      %dma_wait3A_290 = arith.constant 0 : i32
      %dma_wait3A_291 = tpu.memref_slice %arg3[%dma_wait3A_289, %dma_wait3A_290] : memref<100000x768xf32, #tpu.memory_space<hbm>> -> memref<16x768xf32, #tpu.memory_space<hbm>>
      %dma_wait3A_292 = arith.constant 0 : i32
      %dma_wait3A_293 = arith.constant 0 : i32
      %dma_wait3A_294 = tpu.memref_slice %arg3[%dma_wait3A_292, %dma_wait3A_293] : memref<100000x768xf32, #tpu.memory_space<hbm>> -> memref<16x768xf32, #tpu.memory_space<hbm>>
      tpu.wait_dma2 semaphore(%arg23 : memref<!tpu.dma_semaphore, #tpu.memory_space<semaphore_mem>>) src(%dma_wait3A_294 : memref<16x768xf32, #tpu.memory_space<hbm>>) dst(%arg15 : memref<16x768xf32, #tpu.memory_space<vmem>>)
      %add3A_295 = arith.constant 3 : i32
      %add3A_296 = arith.addi %add3A_288, %add3A_295 : i32
      %lt3A_297 = arith.constant 48 : i32
      %lt3A_298 = arith.cmpi slt, %add3A_296, %lt3A_297 : i32
      %convert_element_type3A_299 = arith.extui %lt3A_298 : i1 to i32
      %cond3A_300 = arith.constant 0 : i32
      %cond3A_301 = arith.cmpi ne, %convert_element_type3A_299, %cond3A_300 : i32
      scf.if %cond3A_301 {
        %add3A_383 = arith.constant 3 : i32
        %add3A_384 = arith.addi %add3A_288, %add3A_383 : i32
        %ge3A_385 = arith.constant 0 : i32
        %ge3A_386 = arith.cmpi sge, %add3A_384, %ge3A_385 : i32
        %lt3A_387 = arith.constant 16 : i32
        %lt3A_388 = arith.cmpi slt, %add3A_384, %lt3A_387 : i32
        %and3A_389 = arith.andi %ge3A_386, %lt3A_388 : i1
        %convert_element_type3A_390 = arith.extui %and3A_389 : i1 to i32
        %cond3A_391 = arith.constant 0 : i32
        %cond3A_392 = arith.cmpi ne, %convert_element_type3A_390, %cond3A_391 : i32
        scf.if %cond3A_392 {
          %sub3A_409 = arith.constant 0 : i32
          %sub3A_410 = arith.subi %add3A_384, %sub3A_409 : i32
          %mul3A_411 = arith.constant 16 : i32
          %mul3A_412 = arith.muli %sub3A_410, %mul3A_411 : i32
          %dma_start3A = tpu.memref_slice %arg12[%mul3A_412] : memref<256xi32, #tpu.memory_space<vmem>> -> memref<16xi32, #tpu.memory_space<vmem>>
          %dma_start3A_413 = arith.constant 0 : i32
          %dma_start3A_414 = arith.constant 0 : i32
          %dma_start3A_415 = tpu.memref_slice %arg3[%dma_start3A_413, %dma_start3A_414] : memref<100000x768xf32, #tpu.memory_space<hbm>> -> memref<100000x768xf32, #tpu.memory_space<hbm>>
          tpu.enqueue_indirect_dma source(%dma_start3A_415 : memref<100000x768xf32, #tpu.memory_space<hbm>>) target(%arg14 : memref<16x768xf32, #tpu.memory_space<vmem>>) offsets(%dma_start3A : memref<16xi32, #tpu.memory_space<vmem>>) semaphore(%arg22 : memref<!tpu.dma_semaphore, #tpu.memory_space<semaphore_mem>>)
        } else {
        }
        %ge3A_393 = arith.constant 16 : i32
        %ge3A_394 = arith.cmpi sge, %add3A_384, %ge3A_393 : i32
        %lt3A_395 = arith.constant 32 : i32
        %lt3A_396 = arith.cmpi slt, %add3A_384, %lt3A_395 : i32
        %and3A_397 = arith.andi %ge3A_394, %lt3A_396 : i1
        %convert_element_type3A_398 = arith.extui %and3A_397 : i1 to i32
        %cond3A_399 = arith.constant 0 : i32
        %cond3A_400 = arith.cmpi ne, %convert_element_type3A_398, %cond3A_399 : i32
        scf.if %cond3A_400 {
          %sub3A_409 = arith.constant 16 : i32
          %sub3A_410 = arith.subi %add3A_384, %sub3A_409 : i32
          %mul3A_411 = arith.constant 16 : i32
          %mul3A_412 = arith.muli %sub3A_410, %mul3A_411 : i32
          %dma_start3A = tpu.memref_slice %arg12[%mul3A_412] : memref<256xi32, #tpu.memory_space<vmem>> -> memref<16xi32, #tpu.memory_space<vmem>>
          %dma_start3A_413 = arith.constant 0 : i32
          %dma_start3A_414 = arith.constant 0 : i32
          %dma_start3A_415 = tpu.memref_slice %arg4[%dma_start3A_413, %dma_start3A_414] : memref<100000x768xf32, #tpu.memory_space<hbm>> -> memref<100000x768xf32, #tpu.memory_space<hbm>>
          tpu.enqueue_indirect_dma source(%dma_start3A_415 : memref<100000x768xf32, #tpu.memory_space<hbm>>) target(%arg14 : memref<16x768xf32, #tpu.memory_space<vmem>>) offsets(%dma_start3A : memref<16xi32, #tpu.memory_space<vmem>>) semaphore(%arg22 : memref<!tpu.dma_semaphore, #tpu.memory_space<semaphore_mem>>)
        } else {
        }
        %ge3A_401 = arith.constant 32 : i32
        %ge3A_402 = arith.cmpi sge, %add3A_384, %ge3A_401 : i32
        %lt3A_403 = arith.constant 48 : i32
        %lt3A_404 = arith.cmpi slt, %add3A_384, %lt3A_403 : i32
        %and3A_405 = arith.andi %ge3A_402, %lt3A_404 : i1
        %convert_element_type3A_406 = arith.extui %and3A_405 : i1 to i32
        %cond3A_407 = arith.constant 0 : i32
        %cond3A_408 = arith.cmpi ne, %convert_element_type3A_406, %cond3A_407 : i32
        scf.if %cond3A_408 {
          %sub3A_409 = arith.constant 32 : i32
          %sub3A_410 = arith.subi %add3A_384, %sub3A_409 : i32
          %mul3A_411 = arith.constant 16 : i32
          %mul3A_412 = arith.muli %sub3A_410, %mul3A_411 : i32
          %dma_start3A = tpu.memref_slice %arg12[%mul3A_412] : memref<256xi32, #tpu.memory_space<vmem>> -> memref<16xi32, #tpu.memory_space<vmem>>
          %dma_start3A_413 = arith.constant 0 : i32
          %dma_start3A_414 = arith.constant 0 : i32
          %dma_start3A_415 = tpu.memref_slice %arg5[%dma_start3A_413, %dma_start3A_414] : memref<100000x768xf32, #tpu.memory_space<hbm>> -> memref<100000x768xf32, #tpu.memory_space<hbm>>
          tpu.enqueue_indirect_dma source(%dma_start3A_415 : memref<100000x768xf32, #tpu.memory_space<hbm>>) target(%arg14 : memref<16x768xf32, #tpu.memory_space<vmem>>) offsets(%dma_start3A : memref<16xi32, #tpu.memory_space<vmem>>) semaphore(%arg22 : memref<!tpu.dma_semaphore, #tpu.memory_space<semaphore_mem>>)
        } else {
        }
      } else {
      }
      %ge3A_302 = arith.constant 1 : i32
      %ge3A_303 = arith.cmpi sge, %add3A_187, %ge3A_302 : i32
      %convert_element_type3A_304 = arith.extui %ge3A_303 : i1 to i32
      %cond3A_305 = arith.constant 0 : i32
      %cond3A_306 = arith.cmpi ne, %convert_element_type3A_304, %cond3A_305 : i32
      scf.if %cond3A_306 {
        %dma_wait3A_383 = arith.constant 0 : i32
        %dma_wait3A_384 = arith.constant 0 : i32
        %dma_wait3A_385 = tpu.memref_slice %arg6[%dma_wait3A_383, %dma_wait3A_384] : memref<8192x768xbf16, #tpu.memory_space<hbm>> -> memref<16x768xbf16, #tpu.memory_space<hbm>>
        %dma_wait3A_386 = arith.constant 0 : i32
        %dma_wait3A_387 = arith.constant 0 : i32
        %dma_wait3A_388 = tpu.memref_slice %arg6[%dma_wait3A_386, %dma_wait3A_387] : memref<8192x768xbf16, #tpu.memory_space<hbm>> -> memref<16x768xbf16, #tpu.memory_space<hbm>>
        tpu.wait_dma2 semaphore(%arg27 : memref<!tpu.dma_semaphore, #tpu.memory_space<semaphore_mem>>) src(%arg19 : memref<16x768xbf16, #tpu.memory_space<vmem>>) dst(%dma_wait3A_388 : memref<16x768xbf16, #tpu.memory_space<hbm>>)
        %dma_wait3A_389 = arith.constant 0 : i32
        %dma_wait3A_390 = arith.constant 0 : i32
        %dma_wait3A_391 = tpu.memref_slice %arg6[%dma_wait3A_389, %dma_wait3A_390] : memref<8192x768xbf16, #tpu.memory_space<hbm>> -> memref<16x768xbf16, #tpu.memory_space<hbm>>
        %dma_wait3A_392 = arith.constant 0 : i32
        %dma_wait3A_393 = arith.constant 0 : i32
        %dma_wait3A_394 = tpu.memref_slice %arg6[%dma_wait3A_392, %dma_wait3A_393] : memref<8192x768xbf16, #tpu.memory_space<hbm>> -> memref<16x768xbf16, #tpu.memory_space<hbm>>
        tpu.wait_dma2 semaphore(%arg27 : memref<!tpu.dma_semaphore, #tpu.memory_space<semaphore_mem>>) src(%arg19 : memref<16x768xbf16, #tpu.memory_space<vmem>>) dst(%dma_wait3A_394 : memref<16x768xbf16, #tpu.memory_space<hbm>>)
      } else {
      }
      %parallel_loop3A_307 = arith.constant 0 : i32
      %parallel_loop3A_308 = arith.constant 16 : i32
      %parallel_loop3A_309 = arith.constant 1 : i32
      scf.for %parallel_loop3A_383 = %parallel_loop3A_307 to %parallel_loop3A_308 step %parallel_loop3A_309  : i32 {
        %parallel_loop3A_384 = vector.broadcast %parallel_loop3A_383 : i32 to vector<16xi32>
        %parallel_loop3A_385 = arith.constant 0 : i32
        %parallel_loop3A_386 = arith.constant 24 : i32
        %parallel_loop3A_387 = arith.constant 1 : i32
        scf.for %parallel_loop3A_388 = %parallel_loop3A_385 to %parallel_loop3A_386 step %parallel_loop3A_387  : i32 {
          %parallel_loop3A_389 = arith.constant 32 : i32
          %parallel_loop3A_390 = arith.muli %parallel_loop3A_388, %parallel_loop3A_389 : i32
          %parallel_loop3A_391 = vector.broadcast %parallel_loop3A_390 : i32 to vector<16xi32>
          %parallel_loop3A_392 = arith.addi %parallel_loop3A_391, %mul3A_35 : vector<16xi32>
          %parallel_loop3A_393 = tpu.vector_load_idx %arg15[%parallel_loop3A_384, %parallel_loop3A_392] : memref<16x768xf32, #tpu.memory_space<vmem>>[vector<16xi32>, vector<16xi32>], vector<16xf32>,
          %parallel_loop3A_394 = arith.constant 1 : i32
          %parallel_loop3A_395 = vector.broadcast %parallel_loop3A_394 : i32 to vector<16xi32>
          %parallel_loop3A_396 = arith.addi %parallel_loop3A_392, %parallel_loop3A_395 : vector<16xi32>
          %parallel_loop3A_397 = tpu.vector_load_idx %arg15[%parallel_loop3A_384, %parallel_loop3A_396] : memref<16x768xf32, #tpu.memory_space<vmem>>[vector<16xi32>, vector<16xi32>], vector<16xf32>,
          %parallel_loop3A_398 = tpu.pack_subelements %parallel_loop3A_393, %parallel_loop3A_397 {pack_format = #tpu.pack_format<interleaved>, positions = array<i32: 0, 1>} : vector<16xf32>, vector<16xf32> -> vector<32xbf16>
          %parallel_loop3A_399 = arith.constant 32 : i32
          %parallel_loop3A_400 = arith.muli %parallel_loop3A_388, %parallel_loop3A_399 : i32
          %parallel_loop3A_401 = arith.index_cast %parallel_loop3A_383 : i32 to index
          %parallel_loop3A_402 = arith.index_cast %parallel_loop3A_400 : i32 to index
          %parallel_loop3A_403 = tpu.vector_load %arg19[%parallel_loop3A_401, %parallel_loop3A_402] {strides = array<i32>} : memref<16x768xbf16, #tpu.memory_space<vmem>>, vector<32xbf16>,
          tpu.vector_store %arg19[%parallel_loop3A_401, %parallel_loop3A_402], %parallel_loop3A_398 {strides = array<i32>} : memref<16x768xbf16, #tpu.memory_space<vmem>>, vector<32xbf16>,
        } {sc.loop_unroll_factor = 4 : i64, sc.parallel_access}
      } {sc.loop_unroll_factor = 1 : i64, sc.parallel_access}
      %ge3A_310 = arith.constant 0 : i32
      %ge3A_311 = arith.cmpi sge, %add3A_288, %ge3A_310 : i32
      %lt3A_312 = arith.constant 16 : i32
      %lt3A_313 = arith.cmpi slt, %add3A_288, %lt3A_312 : i32
      %and3A_314 = arith.andi %ge3A_311, %lt3A_313 : i1
      %convert_element_type3A_315 = arith.extui %and3A_314 : i1 to i32
      %cond3A_316 = arith.constant 0 : i32
      %cond3A_317 = arith.cmpi ne, %convert_element_type3A_315, %cond3A_316 : i32
      scf.if %cond3A_317 {
        %sub3A_383 = arith.constant 0 : i32
        %sub3A_384 = arith.subi %add3A_288, %sub3A_383 : i32
        %mul3A_385 = arith.constant 16 : i32
        %mul3A_386 = arith.muli %sub3A_384, %mul3A_385 : i32
        %add3A_387 = arith.addi %mul3A_2, %mul3A_386 : i32
        %dma_start3A = arith.constant 0 : i32
        %dma_start3A_388 = tpu.memref_slice %arg6[%add3A_387, %dma_start3A] : memref<8192x768xbf16, #tpu.memory_space<hbm>> -> memref<16x768xbf16, #tpu.memory_space<hbm>>
        %dma_start3A_389 = arith.constant 0 : i32
        %dma_start3A_390 = tpu.memref_slice %arg6[%add3A_387, %dma_start3A_389] : memref<8192x768xbf16, #tpu.memory_space<hbm>> -> memref<16x768xbf16, #tpu.memory_space<hbm>>
        tpu.enqueue_dma source(%arg19 : memref<16x768xbf16, #tpu.memory_space<vmem>>) target(%dma_start3A_390 : memref<16x768xbf16, #tpu.memory_space<hbm>>) target_semaphore(%arg27 : memref<!tpu.dma_semaphore, #tpu.memory_space<semaphore_mem>>)
        %dma_start3A_391 = arith.constant 0 : i32
        %dma_start3A_392 = tpu.memref_slice %arg9[%add3A_387, %dma_start3A_391] : memref<8192x768xbf16, #tpu.memory_space<hbm>> -> memref<16x768xbf16, #tpu.memory_space<hbm>>
        %dma_start3A_393 = arith.constant 0 : i32
        %dma_start3A_394 = tpu.memref_slice %arg9[%add3A_387, %dma_start3A_393] : memref<8192x768xbf16, #tpu.memory_space<hbm>> -> memref<16x768xbf16, #tpu.memory_space<hbm>>
        tpu.enqueue_dma source(%arg19 : memref<16x768xbf16, #tpu.memory_space<vmem>>) target(%dma_start3A_394 : memref<16x768xbf16, #tpu.memory_space<hbm>>) target_semaphore(%arg27 : memref<!tpu.dma_semaphore, #tpu.memory_space<semaphore_mem>>)
      } else {
      }
      %ge3A_318 = arith.constant 16 : i32
      %ge3A_319 = arith.cmpi sge, %add3A_288, %ge3A_318 : i32
      %lt3A_320 = arith.constant 32 : i32
      %lt3A_321 = arith.cmpi slt, %add3A_288, %lt3A_320 : i32
      %and3A_322 = arith.andi %ge3A_319, %lt3A_321 : i1
      %convert_element_type3A_323 = arith.extui %and3A_322 : i1 to i32
      %cond3A_324 = arith.constant 0 : i32
      %cond3A_325 = arith.cmpi ne, %convert_element_type3A_323, %cond3A_324 : i32
      scf.if %cond3A_325 {
        %sub3A_383 = arith.constant 16 : i32
        %sub3A_384 = arith.subi %add3A_288, %sub3A_383 : i32
        %mul3A_385 = arith.constant 16 : i32
        %mul3A_386 = arith.muli %sub3A_384, %mul3A_385 : i32
        %add3A_387 = arith.addi %mul3A_2, %mul3A_386 : i32
        %dma_start3A = arith.constant 0 : i32
        %dma_start3A_388 = tpu.memref_slice %arg7[%add3A_387, %dma_start3A] : memref<8192x768xbf16, #tpu.memory_space<hbm>> -> memref<16x768xbf16, #tpu.memory_space<hbm>>
        %dma_start3A_389 = arith.constant 0 : i32
        %dma_start3A_390 = tpu.memref_slice %arg7[%add3A_387, %dma_start3A_389] : memref<8192x768xbf16, #tpu.memory_space<hbm>> -> memref<16x768xbf16, #tpu.memory_space<hbm>>
        tpu.enqueue_dma source(%arg19 : memref<16x768xbf16, #tpu.memory_space<vmem>>) target(%dma_start3A_390 : memref<16x768xbf16, #tpu.memory_space<hbm>>) target_semaphore(%arg27 : memref<!tpu.dma_semaphore, #tpu.memory_space<semaphore_mem>>)
        %dma_start3A_391 = arith.constant 0 : i32
        %dma_start3A_392 = tpu.memref_slice %arg10[%add3A_387, %dma_start3A_391] : memref<8192x768xbf16, #tpu.memory_space<hbm>> -> memref<16x768xbf16, #tpu.memory_space<hbm>>
        %dma_start3A_393 = arith.constant 0 : i32
        %dma_start3A_394 = tpu.memref_slice %arg10[%add3A_387, %dma_start3A_393] : memref<8192x768xbf16, #tpu.memory_space<hbm>> -> memref<16x768xbf16, #tpu.memory_space<hbm>>
        tpu.enqueue_dma source(%arg19 : memref<16x768xbf16, #tpu.memory_space<vmem>>) target(%dma_start3A_394 : memref<16x768xbf16, #tpu.memory_space<hbm>>) target_semaphore(%arg27 : memref<!tpu.dma_semaphore, #tpu.memory_space<semaphore_mem>>)
      } else {
      }
      %ge3A_326 = arith.constant 32 : i32
      %ge3A_327 = arith.cmpi sge, %add3A_288, %ge3A_326 : i32
      %lt3A_328 = arith.constant 48 : i32
      %lt3A_329 = arith.cmpi slt, %add3A_288, %lt3A_328 : i32
      %and3A_330 = arith.andi %ge3A_327, %lt3A_329 : i1
      %convert_element_type3A_331 = arith.extui %and3A_330 : i1 to i32
      %cond3A_332 = arith.constant 0 : i32
      %cond3A_333 = arith.cmpi ne, %convert_element_type3A_331, %cond3A_332 : i32
      scf.if %cond3A_333 {
        %sub3A_383 = arith.constant 32 : i32
        %sub3A_384 = arith.subi %add3A_288, %sub3A_383 : i32
        %mul3A_385 = arith.constant 16 : i32
        %mul3A_386 = arith.muli %sub3A_384, %mul3A_385 : i32
        %add3A_387 = arith.addi %mul3A_2, %mul3A_386 : i32
        %dma_start3A = arith.constant 0 : i32
        %dma_start3A_388 = tpu.memref_slice %arg8[%add3A_387, %dma_start3A] : memref<8192x768xbf16, #tpu.memory_space<hbm>> -> memref<16x768xbf16, #tpu.memory_space<hbm>>
        %dma_start3A_389 = arith.constant 0 : i32
        %dma_start3A_390 = tpu.memref_slice %arg8[%add3A_387, %dma_start3A_389] : memref<8192x768xbf16, #tpu.memory_space<hbm>> -> memref<16x768xbf16, #tpu.memory_space<hbm>>
        tpu.enqueue_dma source(%arg19 : memref<16x768xbf16, #tpu.memory_space<vmem>>) target(%dma_start3A_390 : memref<16x768xbf16, #tpu.memory_space<hbm>>) target_semaphore(%arg27 : memref<!tpu.dma_semaphore, #tpu.memory_space<semaphore_mem>>)
        %dma_start3A_391 = arith.constant 0 : i32
        %dma_start3A_392 = tpu.memref_slice %arg11[%add3A_387, %dma_start3A_391] : memref<8192x768xbf16, #tpu.memory_space<hbm>> -> memref<16x768xbf16, #tpu.memory_space<hbm>>
        %dma_start3A_393 = arith.constant 0 : i32
        %dma_start3A_394 = tpu.memref_slice %arg11[%add3A_387, %dma_start3A_393] : memref<8192x768xbf16, #tpu.memory_space<hbm>> -> memref<16x768xbf16, #tpu.memory_space<hbm>>
        tpu.enqueue_dma source(%arg19 : memref<16x768xbf16, #tpu.memory_space<vmem>>) target(%dma_start3A_394 : memref<16x768xbf16, #tpu.memory_space<hbm>>) target_semaphore(%arg27 : memref<!tpu.dma_semaphore, #tpu.memory_space<semaphore_mem>>)
      } else {
      }
      %mul3A_334 = arith.constant 4 : i32
      %mul3A_335 = arith.muli %add3A_187, %mul3A_334 : i32
      %add3A_336 = arith.constant 3 : i32
      %add3A_337 = arith.addi %mul3A_335, %add3A_336 : i32
      %dma_wait3A_338 = arith.constant 0 : i32
      %dma_wait3A_339 = arith.constant 0 : i32
      %dma_wait3A_340 = tpu.memref_slice %arg3[%dma_wait3A_338, %dma_wait3A_339] : memref<100000x768xf32, #tpu.memory_space<hbm>> -> memref<16x768xf32, #tpu.memory_space<hbm>>
      %dma_wait3A_341 = arith.constant 0 : i32
      %dma_wait3A_342 = arith.constant 0 : i32
      %dma_wait3A_343 = tpu.memref_slice %arg3[%dma_wait3A_341, %dma_wait3A_342] : memref<100000x768xf32, #tpu.memory_space<hbm>> -> memref<16x768xf32, #tpu.memory_space<hbm>>
      tpu.wait_dma2 semaphore(%arg24 : memref<!tpu.dma_semaphore, #tpu.memory_space<semaphore_mem>>) src(%dma_wait3A_343 : memref<16x768xf32, #tpu.memory_space<hbm>>) dst(%arg16 : memref<16x768xf32, #tpu.memory_space<vmem>>)
      %add3A_344 = arith.constant 3 : i32
      %add3A_345 = arith.addi %add3A_337, %add3A_344 : i32
      %lt3A_346 = arith.constant 48 : i32
      %lt3A_347 = arith.cmpi slt, %add3A_345, %lt3A_346 : i32
      %convert_element_type3A_348 = arith.extui %lt3A_347 : i1 to i32
      %cond3A_349 = arith.constant 0 : i32
      %cond3A_350 = arith.cmpi ne, %convert_element_type3A_348, %cond3A_349 : i32
      scf.if %cond3A_350 {
        %add3A_383 = arith.constant 3 : i32
        %add3A_384 = arith.addi %add3A_337, %add3A_383 : i32
        %ge3A_385 = arith.constant 0 : i32
        %ge3A_386 = arith.cmpi sge, %add3A_384, %ge3A_385 : i32
        %lt3A_387 = arith.constant 16 : i32
        %lt3A_388 = arith.cmpi slt, %add3A_384, %lt3A_387 : i32
        %and3A_389 = arith.andi %ge3A_386, %lt3A_388 : i1
        %convert_element_type3A_390 = arith.extui %and3A_389 : i1 to i32
        %cond3A_391 = arith.constant 0 : i32
        %cond3A_392 = arith.cmpi ne, %convert_element_type3A_390, %cond3A_391 : i32
        scf.if %cond3A_392 {
          %sub3A_409 = arith.constant 0 : i32
          %sub3A_410 = arith.subi %add3A_384, %sub3A_409 : i32
          %mul3A_411 = arith.constant 16 : i32
          %mul3A_412 = arith.muli %sub3A_410, %mul3A_411 : i32
          %dma_start3A = tpu.memref_slice %arg12[%mul3A_412] : memref<256xi32, #tpu.memory_space<vmem>> -> memref<16xi32, #tpu.memory_space<vmem>>
          %dma_start3A_413 = arith.constant 0 : i32
          %dma_start3A_414 = arith.constant 0 : i32
          %dma_start3A_415 = tpu.memref_slice %arg3[%dma_start3A_413, %dma_start3A_414] : memref<100000x768xf32, #tpu.memory_space<hbm>> -> memref<100000x768xf32, #tpu.memory_space<hbm>>
          tpu.enqueue_indirect_dma source(%dma_start3A_415 : memref<100000x768xf32, #tpu.memory_space<hbm>>) target(%arg15 : memref<16x768xf32, #tpu.memory_space<vmem>>) offsets(%dma_start3A : memref<16xi32, #tpu.memory_space<vmem>>) semaphore(%arg23 : memref<!tpu.dma_semaphore, #tpu.memory_space<semaphore_mem>>)
        } else {
        }
        %ge3A_393 = arith.constant 16 : i32
        %ge3A_394 = arith.cmpi sge, %add3A_384, %ge3A_393 : i32
        %lt3A_395 = arith.constant 32 : i32
        %lt3A_396 = arith.cmpi slt, %add3A_384, %lt3A_395 : i32
        %and3A_397 = arith.andi %ge3A_394, %lt3A_396 : i1
        %convert_element_type3A_398 = arith.extui %and3A_397 : i1 to i32
        %cond3A_399 = arith.constant 0 : i32
        %cond3A_400 = arith.cmpi ne, %convert_element_type3A_398, %cond3A_399 : i32
        scf.if %cond3A_400 {
          %sub3A_409 = arith.constant 16 : i32
          %sub3A_410 = arith.subi %add3A_384, %sub3A_409 : i32
          %mul3A_411 = arith.constant 16 : i32
          %mul3A_412 = arith.muli %sub3A_410, %mul3A_411 : i32
          %dma_start3A = tpu.memref_slice %arg12[%mul3A_412] : memref<256xi32, #tpu.memory_space<vmem>> -> memref<16xi32, #tpu.memory_space<vmem>>
          %dma_start3A_413 = arith.constant 0 : i32
          %dma_start3A_414 = arith.constant 0 : i32
          %dma_start3A_415 = tpu.memref_slice %arg4[%dma_start3A_413, %dma_start3A_414] : memref<100000x768xf32, #tpu.memory_space<hbm>> -> memref<100000x768xf32, #tpu.memory_space<hbm>>
          tpu.enqueue_indirect_dma source(%dma_start3A_415 : memref<100000x768xf32, #tpu.memory_space<hbm>>) target(%arg15 : memref<16x768xf32, #tpu.memory_space<vmem>>) offsets(%dma_start3A : memref<16xi32, #tpu.memory_space<vmem>>) semaphore(%arg23 : memref<!tpu.dma_semaphore, #tpu.memory_space<semaphore_mem>>)
        } else {
        }
        %ge3A_401 = arith.constant 32 : i32
        %ge3A_402 = arith.cmpi sge, %add3A_384, %ge3A_401 : i32
        %lt3A_403 = arith.constant 48 : i32
        %lt3A_404 = arith.cmpi slt, %add3A_384, %lt3A_403 : i32
        %and3A_405 = arith.andi %ge3A_402, %lt3A_404 : i1
        %convert_element_type3A_406 = arith.extui %and3A_405 : i1 to i32
        %cond3A_407 = arith.constant 0 : i32
        %cond3A_408 = arith.cmpi ne, %convert_element_type3A_406, %cond3A_407 : i32
        scf.if %cond3A_408 {
          %sub3A_409 = arith.constant 32 : i32
          %sub3A_410 = arith.subi %add3A_384, %sub3A_409 : i32
          %mul3A_411 = arith.constant 16 : i32
          %mul3A_412 = arith.muli %sub3A_410, %mul3A_411 : i32
          %dma_start3A = tpu.memref_slice %arg12[%mul3A_412] : memref<256xi32, #tpu.memory_space<vmem>> -> memref<16xi32, #tpu.memory_space<vmem>>
          %dma_start3A_413 = arith.constant 0 : i32
          %dma_start3A_414 = arith.constant 0 : i32
          %dma_start3A_415 = tpu.memref_slice %arg5[%dma_start3A_413, %dma_start3A_414] : memref<100000x768xf32, #tpu.memory_space<hbm>> -> memref<100000x768xf32, #tpu.memory_space<hbm>>
          tpu.enqueue_indirect_dma source(%dma_start3A_415 : memref<100000x768xf32, #tpu.memory_space<hbm>>) target(%arg15 : memref<16x768xf32, #tpu.memory_space<vmem>>) offsets(%dma_start3A : memref<16xi32, #tpu.memory_space<vmem>>) semaphore(%arg23 : memref<!tpu.dma_semaphore, #tpu.memory_space<semaphore_mem>>)
        } else {
        }
      } else {
      }
      %ge3A_351 = arith.constant 1 : i32
      %ge3A_352 = arith.cmpi sge, %add3A_187, %ge3A_351 : i32
      %convert_element_type3A_353 = arith.extui %ge3A_352 : i1 to i32
      %cond3A_354 = arith.constant 0 : i32
      %cond3A_355 = arith.cmpi ne, %convert_element_type3A_353, %cond3A_354 : i32
      scf.if %cond3A_355 {
        %dma_wait3A_383 = arith.constant 0 : i32
        %dma_wait3A_384 = arith.constant 0 : i32
        %dma_wait3A_385 = tpu.memref_slice %arg6[%dma_wait3A_383, %dma_wait3A_384] : memref<8192x768xbf16, #tpu.memory_space<hbm>> -> memref<16x768xbf16, #tpu.memory_space<hbm>>
        %dma_wait3A_386 = arith.constant 0 : i32
        %dma_wait3A_387 = arith.constant 0 : i32
        %dma_wait3A_388 = tpu.memref_slice %arg6[%dma_wait3A_386, %dma_wait3A_387] : memref<8192x768xbf16, #tpu.memory_space<hbm>> -> memref<16x768xbf16, #tpu.memory_space<hbm>>
        tpu.wait_dma2 semaphore(%arg28 : memref<!tpu.dma_semaphore, #tpu.memory_space<semaphore_mem>>) src(%arg20 : memref<16x768xbf16, #tpu.memory_space<vmem>>) dst(%dma_wait3A_388 : memref<16x768xbf16, #tpu.memory_space<hbm>>)
        %dma_wait3A_389 = arith.constant 0 : i32
        %dma_wait3A_390 = arith.constant 0 : i32
        %dma_wait3A_391 = tpu.memref_slice %arg6[%dma_wait3A_389, %dma_wait3A_390] : memref<8192x768xbf16, #tpu.memory_space<hbm>> -> memref<16x768xbf16, #tpu.memory_space<hbm>>
        %dma_wait3A_392 = arith.constant 0 : i32
        %dma_wait3A_393 = arith.constant 0 : i32
        %dma_wait3A_394 = tpu.memref_slice %arg6[%dma_wait3A_392, %dma_wait3A_393] : memref<8192x768xbf16, #tpu.memory_space<hbm>> -> memref<16x768xbf16, #tpu.memory_space<hbm>>
        tpu.wait_dma2 semaphore(%arg28 : memref<!tpu.dma_semaphore, #tpu.memory_space<semaphore_mem>>) src(%arg20 : memref<16x768xbf16, #tpu.memory_space<vmem>>) dst(%dma_wait3A_394 : memref<16x768xbf16, #tpu.memory_space<hbm>>)
      } else {
      }
      %parallel_loop3A_356 = arith.constant 0 : i32
      %parallel_loop3A_357 = arith.constant 16 : i32
      %parallel_loop3A_358 = arith.constant 1 : i32
      scf.for %parallel_loop3A_383 = %parallel_loop3A_356 to %parallel_loop3A_357 step %parallel_loop3A_358  : i32 {
        %parallel_loop3A_384 = vector.broadcast %parallel_loop3A_383 : i32 to vector<16xi32>
        %parallel_loop3A_385 = arith.constant 0 : i32
        %parallel_loop3A_386 = arith.constant 24 : i32
        %parallel_loop3A_387 = arith.constant 1 : i32
        scf.for %parallel_loop3A_388 = %parallel_loop3A_385 to %parallel_loop3A_386 step %parallel_loop3A_387  : i32 {
          %parallel_loop3A_389 = arith.constant 32 : i32
          %parallel_loop3A_390 = arith.muli %parallel_loop3A_388, %parallel_loop3A_389 : i32
          %parallel_loop3A_391 = vector.broadcast %parallel_loop3A_390 : i32 to vector<16xi32>
          %parallel_loop3A_392 = arith.addi %parallel_loop3A_391, %mul3A_35 : vector<16xi32>
          %parallel_loop3A_393 = tpu.vector_load_idx %arg16[%parallel_loop3A_384, %parallel_loop3A_392] : memref<16x768xf32, #tpu.memory_space<vmem>>[vector<16xi32>, vector<16xi32>], vector<16xf32>,
          %parallel_loop3A_394 = arith.constant 1 : i32
          %parallel_loop3A_395 = vector.broadcast %parallel_loop3A_394 : i32 to vector<16xi32>
          %parallel_loop3A_396 = arith.addi %parallel_loop3A_392, %parallel_loop3A_395 : vector<16xi32>
          %parallel_loop3A_397 = tpu.vector_load_idx %arg16[%parallel_loop3A_384, %parallel_loop3A_396] : memref<16x768xf32, #tpu.memory_space<vmem>>[vector<16xi32>, vector<16xi32>], vector<16xf32>,
          %parallel_loop3A_398 = tpu.pack_subelements %parallel_loop3A_393, %parallel_loop3A_397 {pack_format = #tpu.pack_format<interleaved>, positions = array<i32: 0, 1>} : vector<16xf32>, vector<16xf32> -> vector<32xbf16>
          %parallel_loop3A_399 = arith.constant 32 : i32
          %parallel_loop3A_400 = arith.muli %parallel_loop3A_388, %parallel_loop3A_399 : i32
          %parallel_loop3A_401 = arith.index_cast %parallel_loop3A_383 : i32 to index
          %parallel_loop3A_402 = arith.index_cast %parallel_loop3A_400 : i32 to index
          %parallel_loop3A_403 = tpu.vector_load %arg20[%parallel_loop3A_401, %parallel_loop3A_402] {strides = array<i32>} : memref<16x768xbf16, #tpu.memory_space<vmem>>, vector<32xbf16>,
          tpu.vector_store %arg20[%parallel_loop3A_401, %parallel_loop3A_402], %parallel_loop3A_398 {strides = array<i32>} : memref<16x768xbf16, #tpu.memory_space<vmem>>, vector<32xbf16>,
        } {sc.loop_unroll_factor = 4 : i64, sc.parallel_access}
      } {sc.loop_unroll_factor = 1 : i64, sc.parallel_access}
      %ge3A_359 = arith.constant 0 : i32
      %ge3A_360 = arith.cmpi sge, %add3A_337, %ge3A_359 : i32
      %lt3A_361 = arith.constant 16 : i32
      %lt3A_362 = arith.cmpi slt, %add3A_337, %lt3A_361 : i32
      %and3A_363 = arith.andi %ge3A_360, %lt3A_362 : i1
      %convert_element_type3A_364 = arith.extui %and3A_363 : i1 to i32
      %cond3A_365 = arith.constant 0 : i32
      %cond3A_366 = arith.cmpi ne, %convert_element_type3A_364, %cond3A_365 : i32
      scf.if %cond3A_366 {
        %sub3A_383 = arith.constant 0 : i32
        %sub3A_384 = arith.subi %add3A_337, %sub3A_383 : i32
        %mul3A_385 = arith.constant 16 : i32
        %mul3A_386 = arith.muli %sub3A_384, %mul3A_385 : i32
        %add3A_387 = arith.addi %mul3A_2, %mul3A_386 : i32
        %dma_start3A = arith.constant 0 : i32
        %dma_start3A_388 = tpu.memref_slice %arg6[%add3A_387, %dma_start3A] : memref<8192x768xbf16, #tpu.memory_space<hbm>> -> memref<16x768xbf16, #tpu.memory_space<hbm>>
        %dma_start3A_389 = arith.constant 0 : i32
        %dma_start3A_390 = tpu.memref_slice %arg6[%add3A_387, %dma_start3A_389] : memref<8192x768xbf16, #tpu.memory_space<hbm>> -> memref<16x768xbf16, #tpu.memory_space<hbm>>
        tpu.enqueue_dma source(%arg20 : memref<16x768xbf16, #tpu.memory_space<vmem>>) target(%dma_start3A_390 : memref<16x768xbf16, #tpu.memory_space<hbm>>) target_semaphore(%arg28 : memref<!tpu.dma_semaphore, #tpu.memory_space<semaphore_mem>>)
        %dma_start3A_391 = arith.constant 0 : i32
        %dma_start3A_392 = tpu.memref_slice %arg9[%add3A_387, %dma_start3A_391] : memref<8192x768xbf16, #tpu.memory_space<hbm>> -> memref<16x768xbf16, #tpu.memory_space<hbm>>
        %dma_start3A_393 = arith.constant 0 : i32
        %dma_start3A_394 = tpu.memref_slice %arg9[%add3A_387, %dma_start3A_393] : memref<8192x768xbf16, #tpu.memory_space<hbm>> -> memref<16x768xbf16, #tpu.memory_space<hbm>>
        tpu.enqueue_dma source(%arg20 : memref<16x768xbf16, #tpu.memory_space<vmem>>) target(%dma_start3A_394 : memref<16x768xbf16, #tpu.memory_space<hbm>>) target_semaphore(%arg28 : memref<!tpu.dma_semaphore, #tpu.memory_space<semaphore_mem>>)
      } else {
      }
      %ge3A_367 = arith.constant 16 : i32
      %ge3A_368 = arith.cmpi sge, %add3A_337, %ge3A_367 : i32
      %lt3A_369 = arith.constant 32 : i32
      %lt3A_370 = arith.cmpi slt, %add3A_337, %lt3A_369 : i32
      %and3A_371 = arith.andi %ge3A_368, %lt3A_370 : i1
      %convert_element_type3A_372 = arith.extui %and3A_371 : i1 to i32
      %cond3A_373 = arith.constant 0 : i32
      %cond3A_374 = arith.cmpi ne, %convert_element_type3A_372, %cond3A_373 : i32
      scf.if %cond3A_374 {
        %sub3A_383 = arith.constant 16 : i32
        %sub3A_384 = arith.subi %add3A_337, %sub3A_383 : i32
        %mul3A_385 = arith.constant 16 : i32
        %mul3A_386 = arith.muli %sub3A_384, %mul3A_385 : i32
        %add3A_387 = arith.addi %mul3A_2, %mul3A_386 : i32
        %dma_start3A = arith.constant 0 : i32
        %dma_start3A_388 = tpu.memref_slice %arg7[%add3A_387, %dma_start3A] : memref<8192x768xbf16, #tpu.memory_space<hbm>> -> memref<16x768xbf16, #tpu.memory_space<hbm>>
        %dma_start3A_389 = arith.constant 0 : i32
        %dma_start3A_390 = tpu.memref_slice %arg7[%add3A_387, %dma_start3A_389] : memref<8192x768xbf16, #tpu.memory_space<hbm>> -> memref<16x768xbf16, #tpu.memory_space<hbm>>
        tpu.enqueue_dma source(%arg20 : memref<16x768xbf16, #tpu.memory_space<vmem>>) target(%dma_start3A_390 : memref<16x768xbf16, #tpu.memory_space<hbm>>) target_semaphore(%arg28 : memref<!tpu.dma_semaphore, #tpu.memory_space<semaphore_mem>>)
        %dma_start3A_391 = arith.constant 0 : i32
        %dma_start3A_392 = tpu.memref_slice %arg10[%add3A_387, %dma_start3A_391] : memref<8192x768xbf16, #tpu.memory_space<hbm>> -> memref<16x768xbf16, #tpu.memory_space<hbm>>
        %dma_start3A_393 = arith.constant 0 : i32
        %dma_start3A_394 = tpu.memref_slice %arg10[%add3A_387, %dma_start3A_393] : memref<8192x768xbf16, #tpu.memory_space<hbm>> -> memref<16x768xbf16, #tpu.memory_space<hbm>>
        tpu.enqueue_dma source(%arg20 : memref<16x768xbf16, #tpu.memory_space<vmem>>) target(%dma_start3A_394 : memref<16x768xbf16, #tpu.memory_space<hbm>>) target_semaphore(%arg28 : memref<!tpu.dma_semaphore, #tpu.memory_space<semaphore_mem>>)
      } else {
      }
      %ge3A_375 = arith.constant 32 : i32
      %ge3A_376 = arith.cmpi sge, %add3A_337, %ge3A_375 : i32
      %lt3A_377 = arith.constant 48 : i32
      %lt3A_378 = arith.cmpi slt, %add3A_337, %lt3A_377 : i32
      %and3A_379 = arith.andi %ge3A_376, %lt3A_378 : i1
      %convert_element_type3A_380 = arith.extui %and3A_379 : i1 to i32
      %cond3A_381 = arith.constant 0 : i32
      %cond3A_382 = arith.cmpi ne, %convert_element_type3A_380, %cond3A_381 : i32
      scf.if %cond3A_382 {
        %sub3A_383 = arith.constant 32 : i32
        %sub3A_384 = arith.subi %add3A_337, %sub3A_383 : i32
        %mul3A_385 = arith.constant 16 : i32
        %mul3A_386 = arith.muli %sub3A_384, %mul3A_385 : i32
        %add3A_387 = arith.addi %mul3A_2, %mul3A_386 : i32
        %dma_start3A = arith.constant 0 : i32
        %dma_start3A_388 = tpu.memref_slice %arg8[%add3A_387, %dma_start3A] : memref<8192x768xbf16, #tpu.memory_space<hbm>> -> memref<16x768xbf16, #tpu.memory_space<hbm>>
        %dma_start3A_389 = arith.constant 0 : i32
        %dma_start3A_390 = tpu.memref_slice %arg8[%add3A_387, %dma_start3A_389] : memref<8192x768xbf16, #tpu.memory_space<hbm>> -> memref<16x768xbf16, #tpu.memory_space<hbm>>
        tpu.enqueue_dma source(%arg20 : memref<16x768xbf16, #tpu.memory_space<vmem>>) target(%dma_start3A_390 : memref<16x768xbf16, #tpu.memory_space<hbm>>) target_semaphore(%arg28 : memref<!tpu.dma_semaphore, #tpu.memory_space<semaphore_mem>>)
        %dma_start3A_391 = arith.constant 0 : i32
        %dma_start3A_392 = tpu.memref_slice %arg11[%add3A_387, %dma_start3A_391] : memref<8192x768xbf16, #tpu.memory_space<hbm>> -> memref<16x768xbf16, #tpu.memory_space<hbm>>
        %dma_start3A_393 = arith.constant 0 : i32
        %dma_start3A_394 = tpu.memref_slice %arg11[%add3A_387, %dma_start3A_393] : memref<8192x768xbf16, #tpu.memory_space<hbm>> -> memref<16x768xbf16, #tpu.memory_space<hbm>>
        tpu.enqueue_dma source(%arg20 : memref<16x768xbf16, #tpu.memory_space<vmem>>) target(%dma_start3A_394 : memref<16x768xbf16, #tpu.memory_space<hbm>>) target_semaphore(%arg28 : memref<!tpu.dma_semaphore, #tpu.memory_space<semaphore_mem>>)
      } else {
      }
    }
    %scan3A_135 = arith.constant 12 : i32
    %dma_wait3A = arith.constant 0 : i32
    %dma_wait3A_136 = arith.constant 0 : i32
    %dma_wait3A_137 = tpu.memref_slice %arg6[%dma_wait3A, %dma_wait3A_136] : memref<8192x768xbf16, #tpu.memory_space<hbm>> -> memref<16x768xbf16, #tpu.memory_space<hbm>>
    %dma_wait3A_138 = arith.constant 0 : i32
    %dma_wait3A_139 = arith.constant 0 : i32
    %dma_wait3A_140 = tpu.memref_slice %arg6[%dma_wait3A_138, %dma_wait3A_139] : memref<8192x768xbf16, #tpu.memory_space<hbm>> -> memref<16x768xbf16, #tpu.memory_space<hbm>>
    tpu.wait_dma2 semaphore(%arg25 : memref<!tpu.dma_semaphore, #tpu.memory_space<semaphore_mem>>) src(%arg17 : memref<16x768xbf16, #tpu.memory_space<vmem>>) dst(%dma_wait3A_140 : memref<16x768xbf16, #tpu.memory_space<hbm>>)
    %dma_wait3A_141 = arith.constant 0 : i32
    %dma_wait3A_142 = arith.constant 0 : i32
    %dma_wait3A_143 = tpu.memref_slice %arg6[%dma_wait3A_141, %dma_wait3A_142] : memref<8192x768xbf16, #tpu.memory_space<hbm>> -> memref<16x768xbf16, #tpu.memory_space<hbm>>
    %dma_wait3A_144 = arith.constant 0 : i32
    %dma_wait3A_145 = arith.constant 0 : i32
    %dma_wait3A_146 = tpu.memref_slice %arg6[%dma_wait3A_144, %dma_wait3A_145] : memref<8192x768xbf16, #tpu.memory_space<hbm>> -> memref<16x768xbf16, #tpu.memory_space<hbm>>
    tpu.wait_dma2 semaphore(%arg25 : memref<!tpu.dma_semaphore, #tpu.memory_space<semaphore_mem>>) src(%arg17 : memref<16x768xbf16, #tpu.memory_space<vmem>>) dst(%dma_wait3A_146 : memref<16x768xbf16, #tpu.memory_space<hbm>>)
    %dma_wait3A_147 = arith.constant 0 : i32
    %dma_wait3A_148 = arith.constant 0 : i32
    %dma_wait3A_149 = tpu.memref_slice %arg6[%dma_wait3A_147, %dma_wait3A_148] : memref<8192x768xbf16, #tpu.memory_space<hbm>> -> memref<16x768xbf16, #tpu.memory_space<hbm>>
    %dma_wait3A_150 = arith.constant 0 : i32
    %dma_wait3A_151 = arith.constant 0 : i32
    %dma_wait3A_152 = tpu.memref_slice %arg6[%dma_wait3A_150, %dma_wait3A_151] : memref<8192x768xbf16, #tpu.memory_space<hbm>> -> memref<16x768xbf16, #tpu.memory_space<hbm>>
    tpu.wait_dma2 semaphore(%arg26 : memref<!tpu.dma_semaphore, #tpu.memory_space<semaphore_mem>>) src(%arg18 : memref<16x768xbf16, #tpu.memory_space<vmem>>) dst(%dma_wait3A_152 : memref<16x768xbf16, #tpu.memory_space<hbm>>)
    %dma_wait3A_153 = arith.constant 0 : i32
    %dma_wait3A_154 = arith.constant 0 : i32
    %dma_wait3A_155 = tpu.memref_slice %arg6[%dma_wait3A_153, %dma_wait3A_154] : memref<8192x768xbf16, #tpu.memory_space<hbm>> -> memref<16x768xbf16, #tpu.memory_space<hbm>>
    %dma_wait3A_156 = arith.constant 0 : i32
    %dma_wait3A_157 = arith.constant 0 : i32
    %dma_wait3A_158 = tpu.memref_slice %arg6[%dma_wait3A_156, %dma_wait3A_157] : memref<8192x768xbf16, #tpu.memory_space<hbm>> -> memref<16x768xbf16, #tpu.memory_space<hbm>>
    tpu.wait_dma2 semaphore(%arg26 : memref<!tpu.dma_semaphore, #tpu.memory_space<semaphore_mem>>) src(%arg18 : memref<16x768xbf16, #tpu.memory_space<vmem>>) dst(%dma_wait3A_158 : memref<16x768xbf16, #tpu.memory_space<hbm>>)
    %dma_wait3A_159 = arith.constant 0 : i32
    %dma_wait3A_160 = arith.constant 0 : i32
    %dma_wait3A_161 = tpu.memref_slice %arg6[%dma_wait3A_159, %dma_wait3A_160] : memref<8192x768xbf16, #tpu.memory_space<hbm>> -> memref<16x768xbf16, #tpu.memory_space<hbm>>
    %dma_wait3A_162 = arith.constant 0 : i32
    %dma_wait3A_163 = arith.constant 0 : i32
    %dma_wait3A_164 = tpu.memref_slice %arg6[%dma_wait3A_162, %dma_wait3A_163] : memref<8192x768xbf16, #tpu.memory_space<hbm>> -> memref<16x768xbf16, #tpu.memory_space<hbm>>
    tpu.wait_dma2 semaphore(%arg27 : memref<!tpu.dma_semaphore, #tpu.memory_space<semaphore_mem>>) src(%arg19 : memref<16x768xbf16, #tpu.memory_space<vmem>>) dst(%dma_wait3A_164 : memref<16x768xbf16, #tpu.memory_space<hbm>>)
    %dma_wait3A_165 = arith.constant 0 : i32
    %dma_wait3A_166 = arith.constant 0 : i32
    %dma_wait3A_167 = tpu.memref_slice %arg6[%dma_wait3A_165, %dma_wait3A_166] : memref<8192x768xbf16, #tpu.memory_space<hbm>> -> memref<16x768xbf16, #tpu.memory_space<hbm>>
    %dma_wait3A_168 = arith.constant 0 : i32
    %dma_wait3A_169 = arith.constant 0 : i32
    %dma_wait3A_170 = tpu.memref_slice %arg6[%dma_wait3A_168, %dma_wait3A_169] : memref<8192x768xbf16, #tpu.memory_space<hbm>> -> memref<16x768xbf16, #tpu.memory_space<hbm>>
    tpu.wait_dma2 semaphore(%arg27 : memref<!tpu.dma_semaphore, #tpu.memory_space<semaphore_mem>>) src(%arg19 : memref<16x768xbf16, #tpu.memory_space<vmem>>) dst(%dma_wait3A_170 : memref<16x768xbf16, #tpu.memory_space<hbm>>)
    %dma_wait3A_171 = arith.constant 0 : i32
    %dma_wait3A_172 = arith.constant 0 : i32
    %dma_wait3A_173 = tpu.memref_slice %arg6[%dma_wait3A_171, %dma_wait3A_172] : memref<8192x768xbf16, #tpu.memory_space<hbm>> -> memref<16x768xbf16, #tpu.memory_space<hbm>>
    %dma_wait3A_174 = arith.constant 0 : i32
    %dma_wait3A_175 = arith.constant 0 : i32
    %dma_wait3A_176 = tpu.memref_slice %arg6[%dma_wait3A_174, %dma_wait3A_175] : memref<8192x768xbf16, #tpu.memory_space<hbm>> -> memref<16x768xbf16, #tpu.memory_space<hbm>>
    tpu.wait_dma2 semaphore(%arg28 : memref<!tpu.dma_semaphore, #tpu.memory_space<semaphore_mem>>) src(%arg20 : memref<16x768xbf16, #tpu.memory_space<vmem>>) dst(%dma_wait3A_176 : memref<16x768xbf16, #tpu.memory_space<hbm>>)
    %dma_wait3A_177 = arith.constant 0 : i32
    %dma_wait3A_178 = arith.constant 0 : i32
    %dma_wait3A_179 = tpu.memref_slice %arg6[%dma_wait3A_177, %dma_wait3A_178] : memref<8192x768xbf16, #tpu.memory_space<hbm>> -> memref<16x768xbf16, #tpu.memory_space<hbm>>
    %dma_wait3A_180 = arith.constant 0 : i32
    %dma_wait3A_181 = arith.constant 0 : i32
    %dma_wait3A_182 = tpu.memref_slice %arg6[%dma_wait3A_180, %dma_wait3A_181] : memref<8192x768xbf16, #tpu.memory_space<hbm>> -> memref<16x768xbf16, #tpu.memory_space<hbm>>
    tpu.wait_dma2 semaphore(%arg28 : memref<!tpu.dma_semaphore, #tpu.memory_space<semaphore_mem>>) src(%arg20 : memref<16x768xbf16, #tpu.memory_space<vmem>>) dst(%dma_wait3A_182 : memref<16x768xbf16, #tpu.memory_space<hbm>>)
    return
  }
}

</mosaic_0001>

<sc_bundles>
// kernel: kernel.3.cloned.1.call-start
scs
__scs_entry_jumppad:
0x0: {  	(pc) =	sbr.rel $0x88, $3  }
0x1: {  	(tag) =	ssettag $0x0;
	lr =	simm.s32 $0x1  }
0x2: {  	[smem:$0x3F9D] =	sst lr;
	_ =	strace $0xD0000000  }
0x3: {  	_ = 	snop  }
0x4: {  	_ = 	snop  }
0x5: {  	_ = 	snop  }
0x6: {  	_ = 	snop  }
0x7: {  	_ = 	snop  }
__scs_overlays_trampoline_lowered:
0x8: {  	[smem:$0x3FAC] =	sst s0  }
0x9: {  	[smem:$0x3FAD] =	sst s1  }
0xa: {  	[smem:$0x3FAE] =	sst s2  }
0xb: {  	[smem:$0x3FAF] =	sst s3  }
0xc: {  	[smem:$0x3FB0] =	sst s4  }
0xd: {  	[smem:$0x3FB1] =	sst s5  }
0xe: {  	[smem:$0x3FB2] =	sst s6  }
0xf: {  	[smem:$0x3FB3] =	sst s7  }
0x10: {  	[smem:$0x3FB4] =	sst s8  }
0x11: {  	[smem:$0x3FB5] =	sst s9;
	s0 =	simm.s32 @!p0 $0x0  }
0x12: {  	s1 =	sld [smem:$0x3F9B];
	s0 =	simm.s32 @p0 $0x1  }
0x13: {  	[smem:$0x3FB6] =	sst s0;
	s0 =	simm.s32 @!p1 $0x0  }
0x14: {  	s2 =	sld [smem:$0x3F9A];
	s0 =	simm.s32 @p1 $0x1  }
0x15: {  	[smem:$0x3FB7] =	sst s0;
	s0 =	simm.s32 @!p2 $0x0  }
0x16: {  	s3 =	sld [smem:$0x3FDB];
	s0 =	simm.s32 @p2 $0x1  }
0x17: {  	s4 =	simm.s32 $0x1BF5;
	[smem:$0x3FB9] =	sst s0  }
0x18: {  	s0 =	sld [smem:$0x3F9C];
	_ =	swait.ge [sflag:s4], $0x0  }
0x19: {  	s7 =	sld [smem:$0x3F9D]  }
0x1a: {  	s8 =	sadd.s32 $0xFFFFE003, lr  }
0x1b: {  	s9 =	sadd.s32 $0xFFFFFEF7, lr;
	s5 =	simm.s32 $0xFFFFFFFF;
	p2 =	slt.u32 s8, $0xFFFFF086  }
0x1c: {  	p1 =	slt.u32 s9, $0xF7A;
	s5 =	simm.s32 @!p2 $0x0  }
0x1d: {  	s5 =	simm.s32 @p1 $0x1;
	p0 =	seq.s32 s7, s2  }
0x1e: {  	s7 =	smul.u32 @!p0 $0xF7A, s2;
	p2 =	seq.s32 @!p0 s5, $0x0  }
0x1f: {  	s9 =	smul.u32 $0xF7A, s1;
	s8 =	simm.s32 @!p0 $0x1BF5;
	p2 =	por !p2, p0  }
0x20: {  	[sflag:s8] =	ssyncset.s32 @!p0 $0xFFFFF086;
	s6 =	sadd.s32 @!p0 s3, s7;
	s7 =	simm.s32 @!p0 $0x108  }
0x21: {  	s3 =	sadd.s32 s3, s9;
	s6 =	sadd.s32 @!p0 $0x88, s6;
	s7 =	simm.s32 @p2 $0x1082  }
0x22: {  	[simem:s7], [sflag:s8] =	dma.local @!p0 [hbm:s6], $0xF7A  }
0x23: {  	s9 =	sor.u32 $0xD0000000, s2;
	s6 =	simm.s32 $0x108;
	_ =	swait.ge @!p0 [sflag:s8], $0x0  }
0x24: {  	s3 =	sadd.s32 $0x88, s3;
	s6 =	simm.s32 @!p1 $0x1082;
	[sflag:s4] =	ssyncset.s32 $0xFFFFF086  }
0x25: {  	[simem:s6], [sflag:s4] =	dma.local [hbm:s3], $0xF7A  }
0x26: {  	[smem:$0x3F9D] =	sst s1;
	(tag) =	ssettag s2;
	_ =	strace s9  }
0x27: {  	s1 =	sld [smem:$0x3FAD]  }
0x28: {  	s2 =	sld [smem:$0x3FAE]  }
0x29: {  	s4 =	sld [smem:$0x3FB0]  }
0x2a: {  	p0 =	seq.s32 s5, $0x0;
	s5 =	sld [smem:$0x3FB1]  }
0x2b: {  	s6 =	sld [smem:$0x3FB2]  }
0x2c: {  	s7 =	sld [smem:$0x3FB3]  }
0x2d: {  	s3 =	simm.s32 $0x108;
	s8 =	sld [smem:$0x3FB4]  }
0x2e: {  	s3 =	simm.s32 @!p0 $0x1082;
	s9 =	sld [smem:$0x3FB5]  }
0x2f: {  	lr =	sadd.s32 s0, s3;
	s0 =	sld [smem:$0x3FAC]  }
0x30: {  	s3 =	sld [smem:$0x3FAF]  }
0x31: {  	[smem:$0x3FB8] =	sst s10  }
0x32: {  	s10 =	sld [smem:$0x3FB6];
	_ =	sdelay $0x3  }
0x33: {  	p0 =	seq.s32 s10, $0x1;
	s10 =	sld [smem:$0x3FB8];
	_ =	sdelay $0x3  }
0x34: {  	[smem:$0x3FB8] =	sst s10  }
0x35: {  	s10 =	sld [smem:$0x3FB7];
	_ =	sdelay $0x3  }
0x36: {  	p1 =	seq.s32 s10, $0x1;
	s10 =	sld [smem:$0x3FB8];
	_ =	sdelay $0x3  }
0x37: {  	[smem:$0x3FB8] =	sst s10  }
0x38: {  	s10 =	sld [smem:$0x3FB9]  }
0x39: {  	_ = 	snop;
	(pc) =	sbr.ind lr, $3  }
0x3a: {  	_ = 	snop  }
0x3b: {  	_ = 	snop  }
0x3c: {  	p2 =	seq.s32 s10, $0x1;
	s10 =	sld [smem:$0x3FB8]  }
0x3d: {  	_ =	shalt  }
0x3e: {  	_ =	shalt  }
0x3f: {  	_ =	shalt  }
0x40: {  	_ =	shalt  }
0x41: {  	_ =	shalt  }
0x42: {  	_ =	shalt  }
0x43: {  	_ =	shalt  }
0x44: {  	_ =	shalt  }
0x45: {  	_ =	shalt  }
0x46: {  	_ =	shalt  }
0x47: {  	_ =	shalt  }
0x48: {  	_ =	shalt  }
0x49: {  	_ =	shalt  }
0x4a: {  	_ =	shalt  }
0x4b: {  	_ =	shalt  }
0x4c: {  	_ =	shalt  }
0x4d: {  	_ =	shalt  }
0x4e: {  	_ =	shalt  }
0x4f: {  	_ =	shalt  }
0x50: {  	_ =	shalt  }
0x51: {  	_ =	shalt  }
0x52: {  	_ =	shalt  }
0x53: {  	_ =	shalt  }
0x54: {  	_ =	shalt  }
0x55: {  	_ =	shalt  }
0x56: {  	_ =	shalt  }
0x57: {  	_ =	shalt  }
0x58: {  	_ =	shalt  }
0x59: {  	_ =	shalt  }
0x5a: {  	_ =	shalt  }
0x5b: {  	_ =	shalt  }
0x5c: {  	_ =	shalt  }
0x5d: {  	_ =	shalt  }
0x5e: {  	_ =	shalt  }
0x5f: {  	_ =	shalt  }
0x60: {  	_ =	shalt  }
0x61: {  	_ =	shalt  }
0x62: {  	_ =	shalt  }
0x63: {  	_ =	shalt  }
0x64: {  	_ =	shalt  }
0x65: {  	_ =	shalt  }
0x66: {  	_ =	shalt  }
0x67: {  	_ =	shalt  }
0x68: {  	_ =	shalt  }
0x69: {  	_ =	shalt  }
0x6a: {  	_ =	shalt  }
0x6b: {  	_ =	shalt  }
0x6c: {  	_ =	shalt  }
0x6d: {  	_ =	shalt  }
0x6e: {  	_ =	shalt  }
0x6f: {  	_ =	shalt  }
0x70: {  	_ =	shalt  }
0x71: {  	_ =	shalt  }
0x72: {  	_ =	shalt  }
0x73: {  	_ =	shalt  }
0x74: {  	_ =	shalt  }
0x75: {  	_ =	shalt  }
0x76: {  	_ =	shalt  }
0x77: {  	_ =	shalt  }
0x78: {  	_ =	shalt  }
0x79: {  	_ =	shalt  }
0x7a: {  	_ =	shalt  }
0x7b: {  	_ =	shalt  }
0x7c: {  	_ =	shalt  }
0x7d: {  	_ =	shalt  }
0x7e: {  	_ =	shalt  }
0x7f: {  	_ =	shalt  }
0x80: {  	_ =	shalt  }
0x81: {  	_ =	shalt  }
0x82: {  	_ =	shalt  }
0x83: {  	_ =	shalt  }
0x84: {  	_ =	shalt  }
0x85: {  	_ =	shalt  }
0x86: {  	_ =	shalt  }
0x87: {  	_ =	shalt  }
.Lfunc_end0:
.L_simem_size_0:
called_computation_lowered:
.L_overlay_start_0:
0x88: {  	s2 =	sld [smem:$0x3FD9]  }
0x89: {  	s3 =	sld [smem:$0x3FFE];
	_ =	sdelay $0x1  }
0x8a: {  	s1 =	srdreg.scid  }
0x8b: {  	s0 =	sand.u32 $0x1, s1  }
0x8c: {  	s15 =	sshll.u32 s0, $0xA;
	s2 =	sadd.s32 s3, s2  }
0x8d: {  	s2 =	sadd.s32 s2, s15  }
0x8e: {  	[smem:$0x3FC4] =	sst s2  }
0x8f: {  	_ = 	snop  }
0x90: {  	s2 =	sld [smem:$0x3FC9]  }
0x91: {  	s16 =	sld [smem:$0x3FD0]  }
0x92: {  	s4 =	sld [smem:$0x3FC8]  }
0x93: {  	s5 =	sld [smem:$0x3FC7]  }
0x94: {  	s7 =	simm.s32 $0xA;
	s8 =	simm.s32 $0x10;
	s6 =	sld [smem:$0x3FC6]  }
0x95: {  	[smem:s8], [sflag:s7] =	dma.local [hbm:s16], $0x1  }
0x96: {  	_ =	swait.eq [sflag:s7], $0x1  }
0x97: {  	s17 =	sld [smem:$0x10]  }
0x98: {  	s18 =	sld [smem:$0x11]  }
0x99: {  	s9 =	sld [smem:$0x12]  }
0x9a: {  	s10 =	sld [smem:$0x13];
	[sflag:s7] =	ssyncset.done $0x0  }
0x9b: {  	s11 =	sld [smem:$0x14];
	[sflag:s7] =	ssyncadd.s32 $0xFFFFFFFF  }
0x9c: {  	s19 =	sld [smem:$0x15];
	(tm) =	ssettm $0x1  }
0x9d: {  	s12 =	sld [smem:$0x3FFB];
	_ =	sdelay $0x3  }
0x9e: {  	_ =	strace s12  }
0x9f: {  	s12 =	sld [smem:$0x3FFC];
	_ =	sdelay $0x3  }
0xa0: {  	_ =	strace s12  }
0xa1: {  	s12 =	sld [smem:$0x3FFD];
	_ =	sdelay $0x3  }
0xa2: {  	_ =	strace s12  }
0xa3: {  	_ =	strace $0x8FFFFFFF  }
0xa4: {  	s20 =	sld [smem:$0x3FDB];
	_ =	sdelay $0x1  }
0xa5: {  	s13 =	simm.s32 $_scs_section_size  }
0xa6: {  	s14 =	simm.s32 $_size__tile_overlayer_lowered;
	s15 =	simm.s32 $_tile_overlayer_lowered  }
0xa7: {  	s23 =	simm.s32 $0x1BFF;
	s22 =	sshll.u32 s15, $0x1;
	s12 =	sadd.s32 s13, s20  }
0xa8: {  	s21 =	sshll.u32 s14, $0x1;
	s16 =	simm.s32 $0x0;
	s14 =	sadd.s32 s22, s12  }
0xa9: {  	[timem:s16], [sflag:s23] =	dma.local [hbm:s14], s21  }
0xaa: {  	_ =	swait.ge [sflag:s23], s21  }
0xab: {  	s13 =	ssub.s32 $0x0, s21;
	[sflag:s23] =	ssyncset.done $0x0  }
0xac: {  	[sflag:s23] =	ssyncadd.s32 s13;
	_ =	sdelay $0x1  }
0xad: {  	s24 =	simm.s32 $0x1B8B  }
0xae: {  	_ =	swait.ge [sflag:s24], $0x1  }
0xaf: {  	[sflag:s24] =	ssyncset.done $0x0  }
0xb0: {  	s25 =	simm.s32 $0x1B8E;
	[sflag:s24] =	ssyncadd.s32 $0xFFFFFFFF  }
0xb1: {  	s26 =	simm.s32 $execute0_lowered;
	[smem:$0x3FD2] =	sst s25  }
0xb2: {  	s13 =	sshll.u32 s26, $0x1;
	_ =	strace $0x80000046;
	[dreg:$0x1] =	wrdreg $0xFFFFFFFF  }
0xb3: {  	s28 =	simm.s32 $_size_execute0_lowered;
	s12 =	sadd.s32 s12, s13;
	[dreg:$0x0] =	wrdreg $0x0  }
0xb4: {  	s13 =	sshll.u32 s28, $0x1;
	[dreg:$0x2] =	wrdreg s12  }
0xb5: {  	[dreg:$0x3] =	wrdreg s13  }
0xb6: {  	[dreg:$0x4] =	wrdreg $0xC0  }
0xb7: {  	_ =	task [dreg:s16], $0x5FFFF  }
0xb8: {  	[dreg:$0x1] =	wrdreg $0xFFFFFFFF  }
0xb9: {  	[dreg:$0x0] =	wrdreg $0x60  }
0xba: {  	[dreg:$0x2] =	wrdreg s2  }
0xbb: {  	[dreg:$0x3] =	wrdreg s4  }
0xbc: {  	[dreg:$0x4] =	wrdreg s5  }
0xbd: {  	[dreg:$0x5] =	wrdreg s6  }
0xbe: {  	[dreg:$0x6] =	wrdreg s17  }
0xbf: {  	[dreg:$0x7] =	wrdreg s18  }
0xc0: {  	[dreg:$0x8] =	wrdreg s9  }
0xc1: {  	[dreg:$0x9] =	wrdreg s10  }
0xc2: {  	[dreg:$0xa] =	wrdreg s11  }
0xc3: {  	[dreg:$0xb] =	wrdreg s19  }
0xc4: {  	[dreg:$0xc] =	wrdreg $0x9  }
0xc5: {  	_ =	task.clear_ibuf [dreg:s16], $0xDFFFF;
	_ =	strace $0x90000046  }
0xc6: {  	s29 =	simm.s32 $0x9;
	_ =	strace $0x80000048  }
0xc7: {  	_ =	swait.ge [sflag:s29], $0x1  }
0xc8: {  	[sflag:s29] =	ssyncadd.s32 $0xFFFFFFFF  }
0xc9: {  	_ =	strace $0x90000048  }
0xca: {  	_ =	sfence  }
0xcb: {  	s30 =	sld [smem:$0x0];
	_ =	sdelay $0x2  }
0xcc: {  	s31 =	sshll.u32 s1, $0xD;
	s1 =	sshrl.u32 s1, $0x2  }
0xcd: {  	s3 =	sand.u32 $0x4000, s31;
	s1 =	sadd.s32 s1, s30  }
0xce: {  	s0 =	sor.u32 s3, s0;
	s1 =	sshll.u32 s1, $0x11  }
0xcf: {  	s0 =	sor.u32 s1, s0  }
0xd0: {  	s0 =	sadd.s32 $0x8F2B, s0  }
0xd1: {  	[sflag:s0] =	ssyncadd.remote.s32 $0x1  }
0xd2: {  	_ =	sfence.sel $0xFFFF  }
0xd3: {  	[dreg:$0x0] =	wrdreg $0xFFFFFFFF;
	(pc) =	sbr.abs _section_cstart, $3  }
0xd4: {  	[dreg:$0x1] =	wrdreg $0xFFFFFFFF  }
0xd5: {  	_ =	task.clear_ibuf [dreg:s16], $0x2FFFF;
	_ =	strace $0x9FFFFFFF  }
0xd6: {  	(tm) =	ssettm $0x7FFFFFFF  }
0xd7: {  	_ =	shalt  }
tec
execute0_lowered:
.L_overlay_start_1:
0x0: {  	(tag) =	ssettag $0x1  }
0x1: {  	s3 =	rddreg [dreg:$0x0]  }
0x2: {  	s0 =	rddreg [dreg:$0x1]  }
0x3: {  	s1 =	rddreg [dreg:$0x2]  }
0x4: {  	s2 =	rddreg [dreg:$0x3]  }
0x5: {  	s4 =	srdreg.scid;
	s7 =	stileid.u32;
	s11 =	simm.s32 $0x0  }
0x6: {  	s31 =	simm.s32 $0x5;
	s4 =	sand.u32 $0x1, s4;
	s5 =	sshll.u32 s7, $0x9  }
0x7: {  	s10 =	sshll.u32 s7, $0x5;
	[smem:$0x7FF] =	sst s11;
	s14 =	sadd.s32 $0x100, s0  }
0x8: {  	s15 =	sadd.s32 $0x200, s0;
	s26 =	sadd.s32 $0x100, s1;
	s6 =	sshll.u32 s4, $0x8  }
0x9: {  	s28 =	sadd.s32 $0x200, s1;
	s29 =	sadd.s32 $0x100, s2;
	s8 =	sor.u32 s6, s5  }
0xa: {  	_ =	strace $0x80000047;
	s13 =	sadd.s32 $0xFFFFFF00, s8;
	[dreg:$0xb] =	wrdreg s8  }
0xb: {  	s30 =	sadd.s32 $0x200, s2;
	s16 =	sadd.s32 $0xFFFFFE00, s8;
	[dreg:$0xd] =	wrdreg s13  }
0xc: {  	s4 =	ssub.s32 $0x2, s4;
	s17 =	sor.u32 $0x10, s8;
	[dreg:$0xe] =	wrdreg s16  }
0xd: {  	s12 =	sshrl.u32 s4, $0x1;
	s18 =	sadd.s32 $0xFFFFFF10, s8;
	[dreg:$0xf] =	wrdreg s17  }
0xe: {  	s5 =	sshll.u32 s8, $0x2;
	s19 =	sor.u32 $0x20, s8;
	[dreg:$0x10] =	wrdreg s18  }
0xf: {  	s4 =	ssub.s32 s4, s12;
	s20 =	sadd.s32 $0xFFFFFF20, s8;
	[dreg:$0x11] =	wrdreg s19  }
0x10: {  	s21 =	sadd.s32 $0xFFFFFE20, s8;
	s22 =	sadd.s32 $0xFFFFFF30, s8;
	[dreg:$0x12] =	wrdreg s20  }
0x11: {  	s23 =	sadd.s32 $0xFFFFFE30, s8;
	s25 =	sadd.s32 $0xFFFFFE10, s8;
	[dreg:$0x13] =	wrdreg s21  }
0x12: {  	v3 =	vlaneseq.u32;
	s8 =	simm.s32 $0x6100;
	s5 =	sor.u32 s10, s5;
	[dreg:$0x14] =	wrdreg s22  }
.Ltmp0:
0x13: {  	v0 =	vmul.u32 $0x2, v3;
	[dreg:$0x15] =	wrdreg s23;
	s24 =	smax.u32 s4, $0x1;
	(pc) =	sbr.rel .LBB2_1-.Ltmp0, $4  }
0x14: {  	vm0 =	vmmov $0xffff;
	v2 =	vshrl.u32 v3, $0x3;
	v1 =	vand.u32 $0x7, v3;
	[dreg:$0x17] =	wrdreg s25;
	s13 =	simm.s32 $0x100;
	s5 =	sand.u32 $0x1D80, s5  }
0x15: {  	v3 =	vor.u32 $0x8, v3;
	v2 =	vmul.u32 $0x8, v2;
	v4 =	vor.u32 $0x20, v0;
	s25 =	simm.s32 $0x3100;
	s22 =	simm.s32 $0x9100;
	s5 =	sshrl.u32 s5, $0x3  }
0x16: {  	v5 =	vor.u32 $0x21, v0;
	v6 =	vor.u32 $0x40, v0;
	v7 =	vor.u32 $0x41, v0;
	s18 =	simm.s32 $0xC00;
	[dreg:$0x16] =	wrdreg s24;
	s3 =	sadd.s32 s3, s5  }
0x17: {  	v8 =	vor.u32 $0x60, v0;
	v9 =	vor.u32 $0x61, v0;
	v10 =	vor.u32 $0x1, v0;
	s5 =	simm.s32 $0x0;
	[dreg:$0xc] =	wrdreg s3;
	s3 =	simm.s32 $0x200  }
.LBB2_38:
0x18: {  	_ =	swait.ge [sflag:s31], $0x1800  }
0x19: {  	[sflag:s31] =	ssyncset.done $0x0  }
0x1a: {  	[sflag:s31] =	ssyncadd.s32 $0xFFFFE800  }
0x1b: {  	_ =	swait.ge [sflag:s31], $0x1800  }
0x1c: {  	[sflag:s31] =	ssyncset.done $0x0  }
0x1d: {  	s2 =	simm.s32 $0x6;
	[sflag:s31] =	ssyncadd.s32 $0xFFFFE800  }
0x1e: {  	_ =	swait.ge [sflag:s2], $0x1800  }
0x1f: {  	[sflag:s2] =	ssyncset.done $0x0  }
0x20: {  	[sflag:s2] =	ssyncadd.s32 $0xFFFFE800  }
0x21: {  	_ =	swait.ge [sflag:s2], $0x1800  }
0x22: {  	[sflag:s2] =	ssyncset.done $0x0  }
0x23: {  	s23 =	simm.s32 $0x7;
	[sflag:s2] =	ssyncadd.s32 $0xFFFFE800  }
0x24: {  	_ =	swait.ge [sflag:s23], $0x1800  }
0x25: {  	[sflag:s23] =	ssyncset.done $0x0  }
0x26: {  	[sflag:s23] =	ssyncadd.s32 $0xFFFFE800  }
0x27: {  	_ =	swait.ge [sflag:s23], $0x1800  }
0x28: {  	[sflag:s23] =	ssyncset.done $0x0  }
0x29: {  	s4 =	simm.s32 $0x8;
	[sflag:s23] =	ssyncadd.s32 $0xFFFFE800  }
0x2a: {  	_ =	swait.ge [sflag:s4], $0x1800  }
0x2b: {  	[sflag:s4] =	ssyncset.done $0x0  }
0x2c: {  	[sflag:s4] =	ssyncadd.s32 $0xFFFFE800  }
0x2d: {  	_ =	swait.ge [sflag:s4], $0x1800  }
0x2e: {  	s5 =	rddreg [dreg:$0x18]  }
0x2f: {  	s24 =	rddreg [dreg:$0x16];
	s5 =	sadd.s32 $0x1, s5  }
0x30: {  	p0 =	sne.s32 s5, s24  }
.Ltmp1:
0x31: {  	_ = 	snop;
	(pc) =	sbr.rel @!p0 .LBB2_39-.Ltmp1, $3  }
0x32: {  	_ =	sdelay $0x1  }
0x33: {  	[sflag:s4] =	ssyncset.done $0x0  }
0x34: {  	[sflag:s4] =	ssyncadd.s32 $0xFFFFE800  }
.LBB2_1:
0x35: {  	[dreg:$0x18] =	wrdreg s5;
	s2 =	simm.s32 $0x0  }
0x36: {  	s4 =	rddreg [dreg:$0xc];
	s21 =	simm.s32 $0x80;
	s23 =	simm.s32 $0x9  }
0x37: {  	[tilespmem:s2], [sflag:$0x9] =	stream.strided.gather [hbm4b:s4+s21], $0x100, s3, s21, $0x38;
	[tilespmem:$0x12100] =	vst v63  }
0x38: {  	_ =	swait.ge [sflag:s23], $0x100  }
0x39: {  	[sflag:s23] =	ssyncset.done $0x0  }
0x3a: {  	[sflag:s23] =	ssyncadd.s32 $0xFFFFFF00  }
0x3b: {  	v11 =	vld [tilespmem:$0x0];
	_ =	sdelay $0x4  }
0x3c: {  	v12 =	vshrl.u32 v11, $0x3  }
0x3d: {  	v12 =	vmul.u32 $0x30, v12  }
0x3e: {  	v11 =	vand.u32 $0x7, v11  }
0x3f: {  	v11 =	vor.u32 v11, v12  }
0x40: {  	v12 =	vperm.xlane v11, v1;
	_ =	sdelay $0x1  }
0x41: {  	v12 =	vadd.s32 v2, v12;
	_ =	sdelay $0x3  }
0x42: {  	v11 =	vperm.xlane v11, v3  }
0x43: {  	[tilespmem:s13], [sflag:$0x1] =	stream.indirect_vreg.gather [hbm4b:s0+s2], $0x80, v12, vm0, $0xb8;
	[tilespmem:$0x12100] =	vst v63  }
0x44: {  	s24 =	simm.s32 $0x900;
	v11 =	vadd.s32 v2, v11  }
0x45: {  	[tilespmem:s24], [sflag:$0x1] =	stream.indirect_vreg.gather [hbm4b:s14+s2], $0x80, v12, vm0, $0xb8;
	[tilespmem:$0x12100] =	vst v63  }
0x46: {  	s5 =	simm.s32 $0x1100  }
0x47: {  	[tilespmem:s5], [sflag:$0x1] =	stream.indirect_vreg.gather [hbm4b:s15+s2], $0x80, v12, vm0, $0xb8;
	[tilespmem:$0x12100] =	vst v63  }
0x48: {  	s6 =	simm.s32 $0x1900  }
0x49: {  	[tilespmem:s6], [sflag:$0x1] =	stream.indirect_vreg.gather [hbm4b:s0+s2], $0x80, v11, vm0, $0xb8;
	[tilespmem:$0x12100] =	vst v63  }
0x4a: {  	s7 =	simm.s32 $0x2100  }
0x4b: {  	[tilespmem:s7], [sflag:$0x1] =	stream.indirect_vreg.gather [hbm4b:s14+s2], $0x80, v11, vm0, $0xb8;
	[tilespmem:$0x12100] =	vst v63  }
0x4c: {  	s9 =	simm.s32 $0x2900  }
0x4d: {  	[tilespmem:s9], [sflag:$0x1] =	stream.indirect_vreg.gather [hbm4b:s15+s2], $0x80, v11, vm0, $0xb8;
	[tilespmem:$0x12100] =	vst v63  }
0x4e: {  	v11 =	vld [tilespmem:$0x10];
	_ =	sdelay $0x4  }
0x4f: {  	v62 =	vshrl.u32 v11, $0x3  }
0x50: {  	v12 =	vmul.u32 $0x30, v62  }
0x51: {  	v11 =	vand.u32 $0x7, v11  }
0x52: {  	v11 =	vor.u32 v11, v12  }
0x53: {  	v12 =	vperm.xlane v11, v1;
	_ =	sdelay $0x1  }
0x54: {  	v12 =	vadd.s32 v2, v12;
	_ =	sdelay $0x3  }
0x55: {  	v11 =	vperm.xlane v11, v3  }
0x56: {  	[tilespmem:s25], [sflag:$0x2] =	stream.indirect_vreg.gather [hbm4b:s0+s2], $0x80, v12, vm0, $0xb8;
	[tilespmem:$0x12100] =	vst v63  }
0x57: {  	s10 =	simm.s32 $0x3900;
	v11 =	vadd.s32 v2, v11  }
0x58: {  	[tilespmem:s10], [sflag:$0x2] =	stream.indirect_vreg.gather [hbm4b:s14+s2], $0x80, v12, vm0, $0xb8;
	[tilespmem:$0x12100] =	vst v63  }
0x59: {  	s11 =	simm.s32 $0x4100  }
0x5a: {  	[tilespmem:s11], [sflag:$0x2] =	stream.indirect_vreg.gather [hbm4b:s15+s2], $0x80, v12, vm0, $0xb8;
	[tilespmem:$0x12100] =	vst v63  }
0x5b: {  	s12 =	simm.s32 $0x4900  }
0x5c: {  	[tilespmem:s12], [sflag:$0x2] =	stream.indirect_vreg.gather [hbm4b:s0+s2], $0x80, v11, vm0, $0xb8;
	[tilespmem:$0x12100] =	vst v63  }
0x5d: {  	s16 =	simm.s32 $0x5100  }
0x5e: {  	[tilespmem:s16], [sflag:$0x2] =	stream.indirect_vreg.gather [hbm4b:s14+s2], $0x80, v11, vm0, $0xb8;
	[tilespmem:$0x12100] =	vst v63  }
0x5f: {  	s17 =	simm.s32 $0x5900  }
0x60: {  	[tilespmem:s17], [sflag:$0x2] =	stream.indirect_vreg.gather [hbm4b:s15+s2], $0x80, v11, vm0, $0xb8;
	[tilespmem:$0x12100] =	vst v63  }
0x61: {  	v11 =	vld [tilespmem:$0x20];
	_ =	sdelay $0x4  }
0x62: {  	v63 =	vshrl.u32 v11, $0x3  }
0x63: {  	v12 =	vmul.u32 $0x30, v63  }
0x64: {  	v11 =	vand.u32 $0x7, v11  }
0x65: {  	v11 =	vor.u32 v11, v12  }
0x66: {  	v12 =	vperm.xlane v11, v1;
	_ =	sdelay $0x1  }
0x67: {  	v12 =	vadd.s32 v2, v12;
	_ =	sdelay $0x3  }
0x68: {  	v11 =	vperm.xlane v11, v3  }
0x69: {  	[tilespmem:s8], [sflag:$0x3] =	stream.indirect_vreg.gather [hbm4b:s0+s2], $0x80, v12, vm0, $0xb8;
	[tilespmem:$0x12100] =	vst v63  }
0x6a: {  	s19 =	simm.s32 $0x6900;
	v11 =	vadd.s32 v2, v11  }
0x6b: {  	[tilespmem:s19], [sflag:$0x3] =	stream.indirect_vreg.gather [hbm4b:s14+s2], $0x80, v12, vm0, $0xb8;
	[tilespmem:$0x12100] =	vst v63  }
0x6c: {  	s20 =	simm.s32 $0x7100  }
0x6d: {  	[tilespmem:s20], [sflag:$0x3] =	stream.indirect_vreg.gather [hbm4b:s15+s2], $0x80, v12, vm0, $0xb8;
	[tilespmem:$0x12100] =	vst v63  }
0x6e: {  	s21 =	simm.s32 $0x7900  }
0x6f: {  	[tilespmem:s21], [sflag:$0x3] =	stream.indirect_vreg.gather [hbm4b:s0+s2], $0x80, v11, vm0, $0xb8;
	[tilespmem:$0x12100] =	vst v63  }
0x70: {  	s23 =	simm.s32 $0x8100  }
0x71: {  	[tilespmem:s23], [sflag:$0x3] =	stream.indirect_vreg.gather [hbm4b:s14+s2], $0x80, v11, vm0, $0xb8;
	[tilespmem:$0x12100] =	vst v63  }
0x72: {  	s24 =	simm.s32 $0x8900;
	s23 =	simm.s32 $0x0  }
0x73: {  	[tilespmem:s24], [sflag:$0x3] =	stream.indirect_vreg.gather [hbm4b:s15+s2], $0x80, v11, vm0, $0xb8;
	[tilespmem:$0x12100] =	vst v63  }
.LBB2_2:
0x74: {  	s2 =	simm.s32 $0x1  }
0x75: {  	s4 =	sshllo.u32 s23, $0x2;
	p0 =	sgt.u32 s23, $0x3;
	_ =	swait.ge [sflag:s2], $0x3000  }
0x76: {  	s24 =	sshll.u32 @!p0 s4, $0x4;
	[sflag:s2] =	ssyncset.done $0x0  }
0x77: {  	s4 =	sand.u32 @!p0 $0x3FFFFFF0, s24;
	[sflag:s2] =	ssyncadd.s32 $0xFFFFD000  }
0x78: {  	v11 =	vld @!p0 [tilespmem:s4+$0x0];
	_ =	sdelay $0x4  }
0x79: {  	v12 =	vshrl.u32 @!p0 v11, $0x3  }
0x7a: {  	v12 =	vmul.u32 @!p0 $0x30, v12  }
0x7b: {  	v13 =	vlaneseq.u32 @!p0;
	v11 =	vand.u32 @!p0 $0x7, v11  }
0x7c: {  	v14 =	vshrl.u32 @!p0 v13, $0x3;
	v11 =	vor.u32 @!p0 v11, v12;
	v12 =	vand.u32 @!p0 $0x7, v13  }
0x7d: {  	v14 =	vmul.u32 @!p0 $0x8, v14;
	v12 =	vperm.xlane @!p0 v11, v12;
	_ =	sdelay $0x1  }
0x7e: {  	v12 =	vadd.s32 @!p0 v14, v12;
	_ =	sdelay $0x2  }
0x7f: {  	v13 =	vor.u32 @!p0 $0x8, v13  }
0x80: {  	vm1 =	vmmov @!p0 $0xffff;
	s5 =	simm.s32 @!p0 $0x9100;
	s4 =	simm.s32 @!p0 $0x0;
	v11 =	vperm.xlane @!p0 v11, v13  }
0x81: {  	[tilespmem:s5], [sflag:$0x4] =	stream.indirect_vreg.gather @!p0 [hbm4b:s0+s4], $0x80, v12, vm1, $0xb8;
	[tilespmem:$0x12100] =	vst v63  }
0x82: {  	v11 =	vadd.s32 @!p0 v14, v11;
	s5 =	simm.s32 @!p0 $0x9900  }
0x83: {  	[tilespmem:s5], [sflag:$0x4] =	stream.indirect_vreg.gather @!p0 [hbm4b:s14+s4], $0x80, v12, vm1, $0xb8;
	[tilespmem:$0x12100] =	vst v63  }
0x84: {  	s5 =	simm.s32 @!p0 $0xA100  }
0x85: {  	[tilespmem:s5], [sflag:$0x4] =	stream.indirect_vreg.gather @!p0 [hbm4b:s15+s4], $0x80, v12, vm1, $0xb8;
	[tilespmem:$0x12100] =	vst v63  }
0x86: {  	s5 =	simm.s32 @!p0 $0xA900  }
0x87: {  	[tilespmem:s5], [sflag:$0x4] =	stream.indirect_vreg.gather @!p0 [hbm4b:s0+s4], $0x80, v11, vm1, $0xb8;
	[tilespmem:$0x12100] =	vst v63  }
0x88: {  	s11 =	sand.u32 $0xC, s23;
	s5 =	simm.s32 @!p0 $0xB100  }
0x89: {  	[tilespmem:s5], [sflag:$0x4] =	stream.indirect_vreg.gather @!p0 [hbm4b:s14+s4], $0x80, v11, vm1, $0xb8;
	[tilespmem:$0x12100] =	vst v63  }
0x8a: {  	p3 =	sne.s32 s11, $0x4;
	s5 =	simm.s32 @!p0 $0xB900  }
0x8b: {  	[tilespmem:s5], [sflag:$0x4] =	stream.indirect_vreg.gather @!p0 [hbm4b:s15+s4], $0x80, v11, vm1, $0xb8;
	[tilespmem:$0x12100] =	vst v63  }
0x8c: {  	s4 =	sshll.u32 @!p3 s23, $0x6  }
0x8d: {  	s4 =	sand.u32 @!p3 $0x3FFFFFC0, s4  }
0x8e: {  	v11 =	vld @!p3 [tilespmem:s4+$0xFFFFFF30];
	_ =	sdelay $0x4  }
0x8f: {  	v12 =	vshrl.u32 @!p3 v11, $0x3  }
0x90: {  	v12 =	vmul.u32 @!p3 $0x30, v12  }
0x91: {  	v13 =	vlaneseq.u32 @!p3;
	v11 =	vand.u32 @!p3 $0x7, v11  }
0x92: {  	v14 =	vshrl.u32 @!p3 v13, $0x3;
	v11 =	vor.u32 @!p3 v11, v12;
	v12 =	vand.u32 @!p3 $0x7, v13  }
0x93: {  	v14 =	vmul.u32 @!p3 $0x8, v14;
	v12 =	vperm.xlane @!p3 v11, v12;
	_ =	sdelay $0x1  }
0x94: {  	v12 =	vadd.s32 @!p3 v14, v12;
	_ =	sdelay $0x2  }
0x95: {  	v13 =	vor.u32 @!p3 $0x8, v13  }
0x96: {  	vm1 =	vmmov @!p3 $0xffff;
	s5 =	simm.s32 @!p3 $0x9100;
	s4 =	simm.s32 @!p3 $0x0;
	v11 =	vperm.xlane @!p3 v11, v13  }
0x97: {  	[tilespmem:s5], [sflag:$0x4] =	stream.indirect_vreg.gather @!p3 [hbm4b:s1+s4], $0x80, v12, vm1, $0xb8;
	[tilespmem:$0x12100] =	vst v63  }
0x98: {  	v11 =	vadd.s32 @!p3 v14, v11;
	s5 =	simm.s32 @!p3 $0x9900  }
0x99: {  	[tilespmem:s5], [sflag:$0x4] =	stream.indirect_vreg.gather @!p3 [hbm4b:s26+s4], $0x80, v12, vm1, $0xb8;
	[tilespmem:$0x12100] =	vst v63  }
0x9a: {  	s5 =	simm.s32 @!p3 $0xA100  }
0x9b: {  	[tilespmem:s5], [sflag:$0x4] =	stream.indirect_vreg.gather @!p3 [hbm4b:s28+s4], $0x80, v12, vm1, $0xb8;
	[tilespmem:$0x12100] =	vst v63  }
0x9c: {  	p5 =	slt.u32 s23, $0x8;
	s5 =	simm.s32 @!p3 $0xA900  }
0x9d: {  	[tilespmem:s5], [sflag:$0x4] =	stream.indirect_vreg.gather @!p3 [hbm4b:s1+s4], $0x80, v11, vm1, $0xb8;
	[tilespmem:$0x12100] =	vst v63  }
.Ltmp2:
0x9e: {  	_ = 	snop;
	(pc) =	sbr.rel @p5 .LBB2_5-.Ltmp2, $4  }
0x9f: {  	s5 =	simm.s32 @!p3 $0xB100  }
0xa0: {  	[tilespmem:s5], [sflag:$0x4] =	stream.indirect_vreg.gather @!p3 [hbm4b:s26+s4], $0x80, v11, vm1, $0xb8;
	[tilespmem:$0x12100] =	vst v63  }
0xa1: {  	s6 =	sshll.u32 s23, $0x6;
	s5 =	simm.s32 @!p3 $0xB900  }
0xa2: {  	[tilespmem:s5], [sflag:$0x4] =	stream.indirect_vreg.gather @!p3 [hbm4b:s28+s4], $0x80, v11, vm1, $0xb8;
	[tilespmem:$0x12100] =	vst v63  }
0xa3: {  	s4 =	sand.u32 $0x3FFFFFC0, s6  }
0xa4: {  	v11 =	vld [tilespmem:s4+$0xFFFFFE30];
	_ =	sdelay $0x4  }
0xa5: {  	v12 =	vshrl.u32 v11, $0x3  }
0xa6: {  	v12 =	vmul.u32 $0x30, v12  }
0xa7: {  	v11 =	vand.u32 $0x7, v11  }
0xa8: {  	v11 =	vor.u32 v11, v12  }
0xa9: {  	v12 =	vperm.xlane v11, v1;
	_ =	sdelay $0x1  }
0xaa: {  	v12 =	vadd.s32 v2, v12;
	_ =	sdelay $0x3  }
0xab: {  	s2 =	rddreg [dreg:$0x3];
	s16 =	simm.s32 $0x0;
	v11 =	vperm.xlane v11, v3  }
0xac: {  	[tilespmem:s22], [sflag:$0x4] =	stream.indirect_vreg.gather [hbm4b:s2+s16], $0x80, v12, vm0, $0xb8;
	[tilespmem:$0x12100] =	vst v63  }
0xad: {  	s5 =	simm.s32 $0x9900;
	v11 =	vadd.s32 v2, v11  }
0xae: {  	[tilespmem:s5], [sflag:$0x4] =	stream.indirect_vreg.gather [hbm4b:s29+s16], $0x80, v12, vm0, $0xb8;
	[tilespmem:$0x12100] =	vst v63  }
0xaf: {  	s17 =	simm.s32 $0xA100  }
0xb0: {  	[tilespmem:s17], [sflag:$0x4] =	stream.indirect_vreg.gather [hbm4b:s30+s16], $0x80, v12, vm0, $0xb8;
	[tilespmem:$0x12100] =	vst v63  }
0xb1: {  	s19 =	simm.s32 $0xA900  }
0xb2: {  	[tilespmem:s19], [sflag:$0x4] =	stream.indirect_vreg.gather [hbm4b:s2+s16], $0x80, v11, vm0, $0xb8;
	[tilespmem:$0x12100] =	vst v63  }
.Ltmp3:
0xb3: {  	_ = 	snop;
	(pc) =	sbr.rel .LBB2_4-.Ltmp3, $4  }
0xb4: {  	s20 =	simm.s32 $0xB100  }
0xb5: {  	[tilespmem:s20], [sflag:$0x4] =	stream.indirect_vreg.gather [hbm4b:s29+s16], $0x80, v11, vm0, $0xb8;
	[tilespmem:$0x12100] =	vst v63  }
0xb6: {  	s21 =	simm.s32 $0xB900  }
0xb7: {  	[tilespmem:s21], [sflag:$0x4] =	stream.indirect_vreg.gather [hbm4b:s30+s16], $0x80, v11, vm0, $0xb8;
	[tilespmem:$0x12100] =	vst v63  }
.LBB2_5:
0xb8: {  	p1 =	seq.s32 s23, $0x0  }
.Ltmp4:
0xb9: {  	_ = 	snop;
	(pc) =	sbr.rel @p1 .LBB2_6-.Ltmp4, $1  }
0xba: {  	_ =	sdelay $0x3  }
.LBB2_4:
0xbb: {  	_ =	swait.ge [sflag:s31], $0x1800  }
0xbc: {  	[sflag:s31] =	ssyncset.done $0x0  }
0xbd: {  	[sflag:s31] =	ssyncadd.s32 $0xFFFFE800  }
0xbe: {  	_ =	swait.ge [sflag:s31], $0x1800  }
0xbf: {  	[sflag:s31] =	ssyncset.done $0x0  }
0xc0: {  	p2 =	por $0x0, $0x0;
	[sflag:s31] =	ssyncadd.s32 $0xFFFFE800  }
.LBB2_7:
0xc1: {  	s16 =	sshll.u32 s23, $0x2;
	s17 =	simm.s32 $0x0  }
0xc2: {  	p1 =	por $0x0, $0x0;
	s19 =	simm.s32 $0x0;
	s20 =	simm.s32 $0x0  }
.LBB2_8:
0xc3: {  	v12 =	vmov s20  }
0xc4: {  	v13 =	vmov s17;
	v11 =	vshrl.u32 v12, $0x3  }
0xc5: {  	v12 =	vshll.u32 v12, $0x7;
	v13 =	vshll.u32 v13, $0x3;
	v11 =	vmul.u32 $0x1800, v11  }
0xc6: {  	v18 =	vand.u32 $0x380, v12;
	v14 =	vbroadcast v13, $0x0  }
0xc7: {  	v13 =	vand.u32 $0x1C00, v13;
	v12 =	vor.u32 v18, v11  }
0xc8: {  	s4 =	simm.s32 $0x80;
	v15 =	vbroadcast v13, $0x0;
	v14 =	vadd.s32 v12, v14  }
0xc9: {  	v17 =	vmov s4;
	v19 =	vor.u32 v0, v14  }
0xca: {  	v20 =	vadd.s32 v11, v15;
	v15 =	vor.u32 v5, v18;
	v21 =	vor.u32 v10, v14  }
0xcb: {  	v24 =	vshll.u32 v17, $0x3;
	v13 =	vor.u32 v9, v18;
	v23 =	vor.u32 v15, v20  }
0xcc: {  	v16 =	vor.u32 v6, v18;
	v17 =	vor.u32 v8, v18;
	v22 =	vor.u32 v13, v20  }
0xcd: {  	v26 =	vbroadcast v24, $0x0;
	v24 =	vand.u32 $0x1C00, v24;
	v29 =	vor.u32 v17, v20  }
0xce: {  	v24 =	vbroadcast v24, $0x0;
	v14 =	vor.u32 v7, v18;
	v25 =	vor.u32 v16, v20;
	v27 =	vld.idx.msk [tilespmem:v19+s13+$0x0], $0xffff  }
0xcf: {  	v18 =	vor.u32 v4, v18;
	v19 =	vor.u32 v14, v20;
	v28 =	vld.idx.msk [tilespmem:v21+s13+$0x0], $0xffff  }
0xd0: {  	v20 =	vor.u32 v18, v20;
	v21 =	vld.idx.msk [tilespmem:v23+s13+$0x0], $0xffff;
	v23 =	vadd.s32 v11, v24  }
0xd1: {  	v26 =	vadd.s32 v12, v26;
	v33 =	vld.idx.msk [tilespmem:v22+s13+$0x0], $0xffff;
	v31 =	vor.u32 v13, v23  }
0xd2: {  	v22 =	vor.u32 v0, v26;
	v36 =	vld.idx.msk [tilespmem:v29+s13+$0x0], $0xffff  }
0xd3: {  	s12 =	simm.s32 $0x100;
	v24 =	vor.u32 v10, v26;
	v26 =	vld.idx.msk [tilespmem:v25+s13+$0x0], $0xffff  }
0xd4: {  	v38 =	vor.u32 v14, v23;
	v32 =	vld.idx.msk [tilespmem:v19+s13+$0x0], $0xffff;
	v19 =	vmov s12  }
0xd5: {  	s21 =	sshrl.u32 s19, $0x1;
	v35 =	vor.u32 v15, v23;
	v37 =	vor.u32 v16, v23;
	v20 =	vld.idx.msk [tilespmem:v20+s13+$0x0], $0xffff;
	v19 =	vshll.u32 v19, $0x3  }
0xd6: {  	s4 =	sand.u32 $0x3FFFFF80, s21;
	v30 =	vor.u32 v18, v23;
	v34 =	vor.u32 v17, v23;
	v23 =	vld.idx.msk [tilespmem:v31+s13+$0x0], $0xffff;
	v29 =	vbroadcast v19, $0x0  }
0xd7: {  	s21 =	sadd.s32 $0xC140, s4;
	v36 =	vpack.i.f32.bf16 v33, v36;
	v25 =	vand.u32 $0x1C00, v19;
	v19 =	vld.idx.msk [tilespmem:v22+s13+$0x0], $0xffff  }
0xd8: {  	[tilespmem:s21+$0x20] =	vst v36;
	v22 =	vpack.i.f32.bf16 v28, v27;
	v27 =	vbroadcast v25, $0x0;
	v25 =	vld.idx.msk [tilespmem:v24+s13+$0x0], $0xffff;
	v24 =	vadd.s32 v12, v29  }
0xd9: {  	v28 =	vld.idx.msk [tilespmem:v38+s13+$0x0], $0xffff;
	[tilespmem:s21+$0xFFFFFFC0] =	vst v22;
	v31 =	vor.u32 v0, v24  }
0xda: {  	v22 =	vld.idx.msk [tilespmem:v35+s13+$0x0], $0xffff;
	v29 =	vadd.s32 v11, v27;
	v35 =	vpack.i.f32.bf16 v32, v26;
	v32 =	vor.u32 v10, v24  }
0xdb: {  	s7 =	simm.s32 $0x180;
	s4 =	simm.s32 $0x8;
	s12 =	smov.u32 s21;
	v24 =	vld.idx.msk [tilespmem:v37+s13+$0x0], $0xffff;
	v26 =	vor.u32 v15, v29;
	v27 =	vor.u32 v18, v29;
	v33 =	vor.u32 v13, v29  }
.LBB2_9:
0xdc: {  	v36 =	vmov s7;
	s4 =	sadd.s32 $0x4, s4;
	v37 =	vld.idx.msk [tilespmem:v34+s13+$0x0], $0xffff;
	v21 =	vpack.i.f32.bf16 v21, v20;
	[tilespmem:s21+$0x0] =	vst v35;
	s12 =	sadd.s32 $0x400, s12  }
0xdd: {  	v25 =	vpack.i.f32.bf16 v25, v19;
	v34 =	vshll.u32 v36, $0x3;
	p4 =	slt.u32 s4, $0x14;
	v36 =	vor.u32 v16, v29;
	v20 =	vld.idx.msk [tilespmem:v30+s13+$0x0], $0xffff;
	[tilespmem:s21+$0xFFFFFFE0] =	vst v21;
	s21 =	smov.u32 s12  }
0xde: {  	v38 =	vor.u32 v14, v29;
	v39 =	vmovc v23;
	v35 =	vbroadcast v34, $0x0;
	v41 =	vand.u32 $0x1C00, v34;
	v19 =	vld.idx.msk [tilespmem:v31+s13+$0x0], $0xffff;
	[tilespmem:s12+$0xFFFFFFC0] =	vst v25  }
.Ltmp5:
0xdf: {  	v30 =	vmovc v27;
	v34 =	vor.u32 v17, v29;
	v40 =	vbroadcast v41, $0x0;
	v25 =	vld.idx.msk [tilespmem:v32+s13+$0x0], $0xffff;
	v21 =	vmov v22;
	(pc) =	sbr.rel @p4 .LBB2_9-.Ltmp5, $4  }
0xe0: {  	v27 =	vadd.s32 v12, v35;
	v23 =	vld.idx.msk [tilespmem:v33+s13+$0x0], $0xffff  }
0xe1: {  	v35 =	vpack.i.f32.bf16 v28, v24;
	v31 =	vor.u32 v0, v27;
	v29 =	vadd.s32 v11, v40;
	v22 =	vld.idx.msk [tilespmem:v26+s13+$0x0], $0xffff  }
0xe2: {  	v32 =	vor.u32 v10, v27;
	v26 =	vor.u32 v15, v29;
	v24 =	vld.idx.msk [tilespmem:v36+s13+$0x0], $0xffff;
	v36 =	vpack.i.f32.bf16 v39, v37  }
0xe3: {  	s7 =	sadd.s32 $0x80, s7;
	v27 =	vor.u32 v18, v29;
	v33 =	vor.u32 v13, v29;
	v28 =	vld.idx.msk [tilespmem:v38+s13+$0x0], $0xffff;
	[tilespmem:s12+$0x20] =	vst v36  }
0xe4: {  	_ =	sdelay $0x3  }
0xe5: {  	v11 =	vld.idx.msk [tilespmem:v34+s13+$0x0], $0xffff  }
0xe6: {  	v12 =	vor.u32 v16, v29;
	v13 =	vld.idx.msk [tilespmem:v30+s13+$0x0], $0xffff  }
0xe7: {  	v15 =	vld.idx.msk [tilespmem:v31+s13+$0x0], $0xffff;
	v60 =	vor.u32 v17, v29  }
0xe8: {  	v14 =	vor.u32 v14, v29;
	v61 =	vld.idx.msk [tilespmem:v32+s13+$0x0], $0xffff  }
0xe9: {  	v18 =	vld.idx.msk [tilespmem:v33+s13+$0x0], $0xffff  }
0xea: {  	v26 =	vld.idx.msk [tilespmem:v26+s13+$0x0], $0xffff  }
0xeb: {  	v20 =	vpack.i.f32.bf16 v21, v20;
	[tilespmem:s21+$0x0] =	vst v35;
	v12 =	vld.idx.msk [tilespmem:v12+s13+$0x0], $0xffff  }
0xec: {  	s4 =	sadd.s32 $0x400, s12;
	v19 =	vpack.i.f32.bf16 v25, v19;
	[tilespmem:s21+$0xFFFFFFE0] =	vst v20;
	v16 =	vld.idx.msk [tilespmem:v60+s13+$0x0], $0xffff  }
0xed: {  	[tilespmem:s4+$0xFFFFFFC0] =	vst v19;
	v11 =	vpack.i.f32.bf16 v23, v11;
	v14 =	vld.idx.msk [tilespmem:v14+s13+$0x0], $0xffff  }
0xee: {  	s20 =	sadd.s32 $0x1, s20;
	v62 =	vpack.i.f32.bf16 v28, v24;
	[tilespmem:s4+$0x20] =	vst v11;
	v11 =	vld.idx.msk [tilespmem:v27+s13+$0x0], $0xffff  }
0xef: {  	p4 =	sne.s32 s20, $0x10;
	v13 =	vpack.i.f32.bf16 v22, v13;
	[tilespmem:s4+$0x0] =	vst v62  }
.Ltmp6:
0xf0: {  	s5 =	sadd.s32 $0x400, s4;
	v15 =	vpack.i.f32.bf16 v61, v15;
	[tilespmem:s4+$0xFFFFFFE0] =	vst v13;
	(pc) =	sbr.rel @p4 .LBB2_8-.Ltmp6, $4  }
0xf1: {  	[tilespmem:s5+$0xFFFFFFC0] =	vst v15;
	v63 =	vpack.i.f32.bf16 v18, v16  }
0xf2: {  	v12 =	vpack.i.f32.bf16 v14, v12;
	[tilespmem:s5+$0x20] =	vst v63  }
0xf3: {  	v11 =	vpack.i.f32.bf16 v26, v11;
	[tilespmem:s5+$0x0] =	vst v12  }
0xf4: {  	s19 =	sadd.s32 $0x80, s19;
	p1 =	por !p1, !p1;
	[tilespmem:s5+$0xFFFFFFE0] =	vst v11  }
0xf5: {  	s17 =	sshll.u32 @!p0 s23, $0x6;
	s2 =	rddreg [dreg:$0xb]  }
0xf6: {  	s4 =	sor.u32 @!p0 s2, s17  }
0xf7: {  	s4 =	sshrl.u32 @!p0 s4, $0x3  }
0xf8: {  	s4 =	smul.u32 @!p0 $0x180, s4  }
0xf9: {  	s7 =	simm.s32 @!p0 $0x200;
	s2 =	rddreg [dreg:$0x4]  }
0xfa: {  	s12 =	simm.s32 @!p0 $0xC00;
	s19 =	simm.s32 @!p0 $0xC100;
	s5 =	sadd.s32 @!p0 s2, s4  }
0xfb: {  	[hbm4b:s5+s7] =	stream.strided.scatter @!p0 [tilespmem:s19], [sflag:$0x5], $0x400, s12, s7, $0x38;
	[tilespmem:$0x12100] =	vst v63  }
0xfc: {  	s21 =	simm.s32 @!p0 $0xC500;
	s20 =	sadd.s32 @!p0 $0x40, s5  }
0xfd: {  	[hbm4b:s20+s7] =	stream.strided.scatter @!p0 [tilespmem:s21], [sflag:$0x5], $0x400, s12, s7, $0x38;
	[tilespmem:$0x12100] =	vst v63  }
0xfe: {  	s10 =	simm.s32 @!p0 $0xC900;
	s20 =	sadd.s32 @!p0 $0x80, s5  }
0xff: {  	[hbm4b:s20+s7] =	stream.strided.scatter @!p0 [tilespmem:s10], [sflag:$0x5], $0x400, s12, s7, $0x38;
	[tilespmem:$0x12100] =	vst v63  }
0x100: {  	s9 =	simm.s32 @!p0 $0xCD00;
	s20 =	sadd.s32 @!p0 $0xC0, s5  }
0x101: {  	[hbm4b:s20+s7] =	stream.strided.scatter @!p0 [tilespmem:s9], [sflag:$0x5], $0x400, s12, s7, $0x38;
	[tilespmem:$0x12100] =	vst v63  }
0x102: {  	s2 =	simm.s32 @!p0 $0xD100;
	s20 =	sadd.s32 @!p0 $0x100, s5  }
0x103: {  	[hbm4b:s20+s7] =	stream.strided.scatter @!p0 [tilespmem:s2], [sflag:$0x5], $0x400, s12, s7, $0x38;
	[tilespmem:$0x12100] =	vst v63  }
0x104: {  	s5 =	sadd.s32 @!p0 $0x140, s5;
	s20 =	simm.s32 @!p0 $0xD500  }
0x105: {  	[hbm4b:s5+s7] =	stream.strided.scatter @!p0 [tilespmem:s20], [sflag:$0x5], $0x400, s12, s7, $0x38;
	[tilespmem:$0x12100] =	vst v63  }
0x106: {  	s5 =	rddreg [dreg:$0x7]  }
0x107: {  	s4 =	sadd.s32 @!p0 s5, s4  }
0x108: {  	[hbm4b:s4+s7] =	stream.strided.scatter @!p0 [tilespmem:s19], [sflag:$0x5], $0x400, s12, s7, $0x38;
	[tilespmem:$0x12100] =	vst v63  }
0x109: {  	s5 =	sadd.s32 @!p0 $0x40, s4  }
0x10a: {  	[hbm4b:s5+s7] =	stream.strided.scatter @!p0 [tilespmem:s21], [sflag:$0x5], $0x400, s12, s7, $0x38;
	[tilespmem:$0x12100] =	vst v63  }
0x10b: {  	s5 =	sadd.s32 @!p0 $0x80, s4  }
0x10c: {  	[hbm4b:s5+s7] =	stream.strided.scatter @!p0 [tilespmem:s10], [sflag:$0x5], $0x400, s12, s7, $0x38;
	[tilespmem:$0x12100] =	vst v63  }
0x10d: {  	s5 =	sadd.s32 @!p0 $0xC0, s4  }
0x10e: {  	[hbm4b:s5+s7] =	stream.strided.scatter @!p0 [tilespmem:s9], [sflag:$0x5], $0x400, s12, s7, $0x38;
	[tilespmem:$0x12100] =	vst v63  }
0x10f: {  	p1 =	seq.s32 s11, $0x4;
	s5 =	sadd.s32 @!p0 $0x100, s4  }
0x110: {  	[hbm4b:s5+s7] =	stream.strided.scatter @!p0 [tilespmem:s2], [sflag:$0x5], $0x400, s12, s7, $0x38;
	[tilespmem:$0x12100] =	vst v63  }
.Ltmp7:
0x111: {  	_ = 	snop;
	(pc) =	sbr.rel @p1 .LBB2_14-.Ltmp7, $4  }
0x112: {  	s5 =	rddreg [dreg:$0x5]  }
0x113: {  	s2 =	sadd.s32 @!p0 $0x140, s4;
	s4 =	rddreg [dreg:$0x8]  }
0x114: {  	[hbm4b:s2+s7] =	stream.strided.scatter @!p0 [tilespmem:s20], [sflag:$0x5], $0x400, s12, s7, $0x38;
	[tilespmem:$0x12100] =	vst v63  }
0x115: {  	s7 =	rddreg [dreg:$0xd]  }
0x116: {  	p4 =	sne.s32 s11, $0x8  }
.Ltmp8:
0x117: {  	_ = 	snop;
	(pc) =	sbr.rel @p4 .LBB2_15-.Ltmp8, $2  }
0x118: {  	_ =	sdelay $0x2  }
0x119: {  	p1 =	por $0x0, $0x0  }
0x11a: {  	s7 =	rddreg [dreg:$0xe]  }
0x11b: {  	s5 =	rddreg [dreg:$0x6]  }
0x11c: {  	s4 =	rddreg [dreg:$0x9]  }
.LBB2_14:
0x11d: {  	s2 =	sadd.s32 s7, s6  }
0x11e: {  	s2 =	sshrl.u32 s2, $0x3  }
0x11f: {  	s2 =	smul.u32 $0x180, s2;
	_ =	sdelay $0x1  }
0x120: {  	s9 =	simm.s32 $0xC100;
	s5 =	sadd.s32 s5, s2  }
0x121: {  	[hbm4b:s5+s3] =	stream.strided.scatter [tilespmem:s9], [sflag:$0x5], $0x400, s18, s3, $0x38;
	[tilespmem:$0x12100] =	vst v63  }
0x122: {  	s10 =	simm.s32 $0xC500;
	s12 =	sadd.s32 $0x40, s5  }
0x123: {  	[hbm4b:s12+s3] =	stream.strided.scatter [tilespmem:s10], [sflag:$0x5], $0x400, s18, s3, $0x38;
	[tilespmem:$0x12100] =	vst v63  }
0x124: {  	s19 =	sadd.s32 $0x80, s5;
	s12 =	simm.s32 $0xC900  }
0x125: {  	[hbm4b:s19+s3] =	stream.strided.scatter [tilespmem:s12], [sflag:$0x5], $0x400, s18, s3, $0x38;
	[tilespmem:$0x12100] =	vst v63  }
0x126: {  	s20 =	sadd.s32 $0xC0, s5;
	s19 =	simm.s32 $0xCD00  }
0x127: {  	[hbm4b:s20+s3] =	stream.strided.scatter [tilespmem:s19], [sflag:$0x5], $0x400, s18, s3, $0x38;
	[tilespmem:$0x12100] =	vst v63  }
0x128: {  	s21 =	sadd.s32 $0x100, s5;
	s20 =	simm.s32 $0xD100  }
0x129: {  	[hbm4b:s21+s3] =	stream.strided.scatter [tilespmem:s20], [sflag:$0x5], $0x400, s18, s3, $0x38;
	[tilespmem:$0x12100] =	vst v63  }
0x12a: {  	s7 =	simm.s32 $0xD500;
	s5 =	sadd.s32 $0x140, s5  }
0x12b: {  	[hbm4b:s5+s3] =	stream.strided.scatter [tilespmem:s7], [sflag:$0x5], $0x400, s18, s3, $0x38;
	[tilespmem:$0x12100] =	vst v63  }
0x12c: {  	s2 =	sadd.s32 s4, s2  }
0x12d: {  	[hbm4b:s2+s3] =	stream.strided.scatter [tilespmem:s9], [sflag:$0x5], $0x400, s18, s3, $0x38;
	[tilespmem:$0x12100] =	vst v63  }
0x12e: {  	s4 =	sadd.s32 $0x40, s2  }
0x12f: {  	[hbm4b:s4+s3] =	stream.strided.scatter [tilespmem:s10], [sflag:$0x5], $0x400, s18, s3, $0x38;
	[tilespmem:$0x12100] =	vst v63  }
0x130: {  	s10 =	sadd.s32 $0x80, s2  }
0x131: {  	[hbm4b:s10+s3] =	stream.strided.scatter [tilespmem:s12], [sflag:$0x5], $0x400, s18, s3, $0x38;
	[tilespmem:$0x12100] =	vst v63  }
0x132: {  	s12 =	sadd.s32 $0xC0, s2  }
0x133: {  	[hbm4b:s12+s3] =	stream.strided.scatter [tilespmem:s19], [sflag:$0x5], $0x400, s18, s3, $0x38;
	[tilespmem:$0x12100] =	vst v63  }
0x134: {  	s21 =	sadd.s32 $0x100, s2  }
0x135: {  	[hbm4b:s21+s3] =	stream.strided.scatter [tilespmem:s20], [sflag:$0x5], $0x400, s18, s3, $0x38;
	[tilespmem:$0x12100] =	vst v63  }
0x136: {  	p1 =	por p3, p3;
	s2 =	sadd.s32 $0x140, s2  }
0x137: {  	[hbm4b:s2+s3] =	stream.strided.scatter [tilespmem:s7], [sflag:$0x5], $0x400, s18, s3, $0x38;
	[tilespmem:$0x12100] =	vst v63  }
.LBB2_15:
0x138: {  	p4 =	seq.s32 s23, $0xB  }
.Ltmp9:
0x139: {  	_ = 	snop;
	(pc) =	sbr.rel @p4 .LBB2_17-.Ltmp9, $4  }
0x13a: {  	s2 =	simm.s32 $0x2  }
0x13b: {  	_ =	swait.ge [sflag:s2], $0x3000  }
0x13c: {  	[sflag:s2] =	ssyncset.done $0x0  }
0x13d: {  	[sflag:s2] =	ssyncadd.s32 $0xFFFFD000  }
0x13e: {  	p3 =	sgt.u32 s23, $0x2  }
0x13f: {  	s2 =	sshll.u32 @!p3 s23, $0x6  }
0x140: {  	s2 =	sand.u32 @!p3 $0x3FFFFFC0, s2  }
0x141: {  	v11 =	vld @!p3 [tilespmem:s2+$0x40];
	_ =	sdelay $0x4  }
0x142: {  	v12 =	vshrl.u32 @!p3 v11, $0x3  }
0x143: {  	v12 =	vmul.u32 @!p3 $0x30, v12  }
0x144: {  	v13 =	vlaneseq.u32 @!p3;
	v11 =	vand.u32 @!p3 $0x7, v11  }
0x145: {  	v14 =	vshrl.u32 @!p3 v13, $0x3;
	v11 =	vor.u32 @!p3 v11, v12;
	v12 =	vand.u32 @!p3 $0x7, v13  }
0x146: {  	v14 =	vmul.u32 @!p3 $0x8, v14;
	v12 =	vperm.xlane @!p3 v11, v12;
	_ =	sdelay $0x1  }
0x147: {  	v12 =	vadd.s32 @!p3 v14, v12;
	_ =	sdelay $0x2  }
0x148: {  	v13 =	vor.u32 @!p3 $0x8, v13  }
0x149: {  	vm1 =	vmmov @!p3 $0xffff;
	s4 =	simm.s32 @!p3 $0x100;
	s2 =	simm.s32 @!p3 $0x0;
	v11 =	vperm.xlane @!p3 v11, v13  }
0x14a: {  	[tilespmem:s4], [sflag:$0x1] =	stream.indirect_vreg.gather @!p3 [hbm4b:s0+s2], $0x80, v12, vm1, $0xb8;
	[tilespmem:$0x12100] =	vst v63  }
0x14b: {  	v11 =	vadd.s32 @!p3 v14, v11;
	s4 =	simm.s32 @!p3 $0x900  }
0x14c: {  	[tilespmem:s4], [sflag:$0x1] =	stream.indirect_vreg.gather @!p3 [hbm4b:s14+s2], $0x80, v12, vm1, $0xb8;
	[tilespmem:$0x12100] =	vst v63  }
0x14d: {  	s4 =	simm.s32 @!p3 $0x1100  }
0x14e: {  	[tilespmem:s4], [sflag:$0x1] =	stream.indirect_vreg.gather @!p3 [hbm4b:s15+s2], $0x80, v12, vm1, $0xb8;
	[tilespmem:$0x12100] =	vst v63  }
0x14f: {  	s4 =	simm.s32 @!p3 $0x1900  }
0x150: {  	[tilespmem:s4], [sflag:$0x1] =	stream.indirect_vreg.gather @!p3 [hbm4b:s0+s2], $0x80, v11, vm1, $0xb8;
	[tilespmem:$0x12100] =	vst v63  }
0x151: {  	s4 =	simm.s32 @!p3 $0x2100  }
0x152: {  	[tilespmem:s4], [sflag:$0x1] =	stream.indirect_vreg.gather @!p3 [hbm4b:s14+s2], $0x80, v11, vm1, $0xb8;
	[tilespmem:$0x12100] =	vst v63  }
0x153: {  	s21 =	sadd.s32 $0xFFFFFFF4, s16;
	s4 =	simm.s32 @!p3 $0x2900  }
0x154: {  	[tilespmem:s4], [sflag:$0x1] =	stream.indirect_vreg.gather @!p3 [hbm4b:s15+s2], $0x80, v11, vm1, $0xb8;
	[tilespmem:$0x12100] =	vst v63  }
0x155: {  	p3 =	sgt.u32 s21, $0xF  }
0x156: {  	s2 =	sshll.u32 @!p3 s23, $0x6  }
0x157: {  	s2 =	sand.u32 @!p3 $0x3FFFFFC0, s2  }
0x158: {  	v11 =	vld @!p3 [tilespmem:s2+$0xFFFFFF40];
	_ =	sdelay $0x4  }
0x159: {  	v12 =	vshrl.u32 @!p3 v11, $0x3  }
0x15a: {  	v12 =	vmul.u32 @!p3 $0x30, v12  }
0x15b: {  	v13 =	vlaneseq.u32 @!p3;
	v11 =	vand.u32 @!p3 $0x7, v11  }
0x15c: {  	v14 =	vshrl.u32 @!p3 v13, $0x3;
	v11 =	vor.u32 @!p3 v11, v12;
	v12 =	vand.u32 @!p3 $0x7, v13  }
0x15d: {  	v14 =	vmul.u32 @!p3 $0x8, v14;
	v12 =	vperm.xlane @!p3 v11, v12;
	_ =	sdelay $0x1  }
0x15e: {  	v12 =	vadd.s32 @!p3 v14, v12;
	_ =	sdelay $0x2  }
0x15f: {  	v13 =	vor.u32 @!p3 $0x8, v13  }
0x160: {  	vm1 =	vmmov @!p3 $0xffff;
	s4 =	simm.s32 @!p3 $0x100;
	s2 =	simm.s32 @!p3 $0x0;
	v11 =	vperm.xlane @!p3 v11, v13  }
0x161: {  	[tilespmem:s4], [sflag:$0x1] =	stream.indirect_vreg.gather @!p3 [hbm4b:s1+s2], $0x80, v12, vm1, $0xb8;
	[tilespmem:$0x12100] =	vst v63  }
0x162: {  	v11 =	vadd.s32 @!p3 v14, v11;
	s4 =	simm.s32 @!p3 $0x900  }
0x163: {  	[tilespmem:s4], [sflag:$0x1] =	stream.indirect_vreg.gather @!p3 [hbm4b:s26+s2], $0x80, v12, vm1, $0xb8;
	[tilespmem:$0x12100] =	vst v63  }
0x164: {  	s4 =	simm.s32 @!p3 $0x1100  }
0x165: {  	[tilespmem:s4], [sflag:$0x1] =	stream.indirect_vreg.gather @!p3 [hbm4b:s28+s2], $0x80, v12, vm1, $0xb8;
	[tilespmem:$0x12100] =	vst v63  }
0x166: {  	s4 =	simm.s32 @!p3 $0x1900  }
0x167: {  	[tilespmem:s4], [sflag:$0x1] =	stream.indirect_vreg.gather @!p3 [hbm4b:s1+s2], $0x80, v11, vm1, $0xb8;
	[tilespmem:$0x12100] =	vst v63  }
0x168: {  	s4 =	simm.s32 @!p3 $0x2100  }
0x169: {  	[tilespmem:s4], [sflag:$0x1] =	stream.indirect_vreg.gather @!p3 [hbm4b:s26+s2], $0x80, v11, vm1, $0xb8;
	[tilespmem:$0x12100] =	vst v63  }
0x16a: {  	s4 =	simm.s32 @!p3 $0x2900  }
0x16b: {  	[tilespmem:s4], [sflag:$0x1] =	stream.indirect_vreg.gather @!p3 [hbm4b:s28+s2], $0x80, v11, vm1, $0xb8;
	[tilespmem:$0x12100] =	vst v63  }
0x16c: {  	p3 =	slt.u32 s23, $0x7  }
0x16d: {  	s2 =	sshll.u32 @!p3 s23, $0x6  }
0x16e: {  	s2 =	sand.u32 @!p3 $0x3FFFFFC0, s2  }
0x16f: {  	v11 =	vld @!p3 [tilespmem:s2+$0xFFFFFE40];
	_ =	sdelay $0x4  }
0x170: {  	v12 =	vshrl.u32 @!p3 v11, $0x3  }
0x171: {  	v12 =	vmul.u32 @!p3 $0x30, v12  }
0x172: {  	v13 =	vlaneseq.u32 @!p3;
	v11 =	vand.u32 @!p3 $0x7, v11  }
0x173: {  	v14 =	vshrl.u32 @!p3 v13, $0x3;
	v11 =	vor.u32 @!p3 v11, v12;
	v12 =	vand.u32 @!p3 $0x7, v13  }
0x174: {  	v14 =	vmul.u32 @!p3 $0x8, v14;
	v12 =	vperm.xlane @!p3 v11, v12;
	_ =	sdelay $0x1  }
0x175: {  	v12 =	vadd.s32 @!p3 v14, v12;
	_ =	sdelay $0x2  }
0x176: {  	v13 =	vor.u32 @!p3 $0x8, v13  }
0x177: {  	s5 =	rddreg [dreg:$0x3];
	vm1 =	vmmov @!p3 $0xffff;
	s4 =	simm.s32 @!p3 $0x100;
	s2 =	simm.s32 @!p3 $0x0;
	v11 =	vperm.xlane @!p3 v11, v13  }
0x178: {  	[tilespmem:s4], [sflag:$0x1] =	stream.indirect_vreg.gather @!p3 [hbm4b:s5+s2], $0x80, v12, vm1, $0xb8;
	[tilespmem:$0x12100] =	vst v63  }
0x179: {  	v11 =	vadd.s32 @!p3 v14, v11;
	s4 =	simm.s32 @!p3 $0x900  }
0x17a: {  	[tilespmem:s4], [sflag:$0x1] =	stream.indirect_vreg.gather @!p3 [hbm4b:s29+s2], $0x80, v12, vm1, $0xb8;
	[tilespmem:$0x12100] =	vst v63  }
0x17b: {  	s4 =	simm.s32 @!p3 $0x1100  }
0x17c: {  	[tilespmem:s4], [sflag:$0x1] =	stream.indirect_vreg.gather @!p3 [hbm4b:s30+s2], $0x80, v12, vm1, $0xb8;
	[tilespmem:$0x12100] =	vst v63  }
0x17d: {  	s4 =	simm.s32 @!p3 $0x1900  }
0x17e: {  	[tilespmem:s4], [sflag:$0x1] =	stream.indirect_vreg.gather @!p3 [hbm4b:s5+s2], $0x80, v11, vm1, $0xb8;
	[tilespmem:$0x12100] =	vst v63  }
0x17f: {  	s4 =	simm.s32 @!p3 $0x2100  }
0x180: {  	[tilespmem:s4], [sflag:$0x1] =	stream.indirect_vreg.gather @!p3 [hbm4b:s29+s2], $0x80, v11, vm1, $0xb8;
	[tilespmem:$0x12100] =	vst v63  }
0x181: {  	s4 =	simm.s32 @!p3 $0x2900  }
0x182: {  	[tilespmem:s4], [sflag:$0x1] =	stream.indirect_vreg.gather @!p3 [hbm4b:s30+s2], $0x80, v11, vm1, $0xb8;
	[tilespmem:$0x12100] =	vst v63  }
.LBB2_17:
0x183: {  	s2 =	simm.s32 @!p2 $0x6  }
0x184: {  	_ =	swait.ge @!p2 [sflag:s2], $0x1800  }
0x185: {  	[sflag:s2] =	ssyncset.done @!p2 $0x0  }
0x186: {  	[sflag:s2] =	ssyncadd.s32 @!p2 $0xFFFFE800  }
0x187: {  	_ =	swait.ge @!p2 [sflag:s2], $0x1800  }
0x188: {  	s19 =	simm.s32 $0x0;
	p3 =	por $0x0, $0x0;
	[sflag:s2] =	ssyncset.done @!p2 $0x0  }
0x189: {  	s20 =	simm.s32 $0x0;
	s21 =	simm.s32 $0x0;
	[sflag:s2] =	ssyncadd.s32 @!p2 $0xFFFFE800  }
.LBB2_18:
0x18a: {  	v12 =	vmov s21  }
0x18b: {  	v13 =	vmov s19;
	v11 =	vshrl.u32 v12, $0x3  }
0x18c: {  	v12 =	vshll.u32 v12, $0x7;
	v13 =	vshll.u32 v13, $0x3;
	v11 =	vmul.u32 $0x1800, v11  }
0x18d: {  	v18 =	vand.u32 $0x380, v12;
	v14 =	vbroadcast v13, $0x0  }
0x18e: {  	v13 =	vand.u32 $0x1C00, v13;
	v12 =	vor.u32 v18, v11  }
0x18f: {  	s2 =	simm.s32 $0x80;
	v15 =	vbroadcast v13, $0x0;
	v14 =	vadd.s32 v12, v14  }
0x190: {  	v17 =	vmov s2;
	v19 =	vor.u32 v0, v14  }
0x191: {  	v20 =	vadd.s32 v11, v15;
	v15 =	vor.u32 v5, v18;
	v21 =	vor.u32 v10, v14  }
0x192: {  	v24 =	vshll.u32 v17, $0x3;
	v13 =	vor.u32 v9, v18;
	v23 =	vor.u32 v15, v20  }
0x193: {  	v16 =	vor.u32 v6, v18;
	v17 =	vor.u32 v8, v18;
	v22 =	vor.u32 v13, v20  }
0x194: {  	v26 =	vbroadcast v24, $0x0;
	v24 =	vand.u32 $0x1C00, v24;
	v29 =	vor.u32 v17, v20  }
0x195: {  	v24 =	vbroadcast v24, $0x0;
	v14 =	vor.u32 v7, v18;
	v25 =	vor.u32 v16, v20;
	v27 =	vld.idx.msk [tilespmem:v19+s25+$0x0], $0xffff  }
0x196: {  	v18 =	vor.u32 v4, v18;
	v19 =	vor.u32 v14, v20;
	v28 =	vld.idx.msk [tilespmem:v21+s25+$0x0], $0xffff  }
0x197: {  	v20 =	vor.u32 v18, v20;
	v21 =	vld.idx.msk [tilespmem:v23+s25+$0x0], $0xffff;
	v23 =	vadd.s32 v11, v24  }
0x198: {  	v26 =	vadd.s32 v12, v26;
	v33 =	vld.idx.msk [tilespmem:v22+s25+$0x0], $0xffff;
	v31 =	vor.u32 v13, v23  }
0x199: {  	v22 =	vor.u32 v0, v26;
	v36 =	vld.idx.msk [tilespmem:v29+s25+$0x0], $0xffff  }
0x19a: {  	s10 =	simm.s32 $0x100;
	v24 =	vor.u32 v10, v26;
	v26 =	vld.idx.msk [tilespmem:v25+s25+$0x0], $0xffff  }
0x19b: {  	v38 =	vor.u32 v14, v23;
	v32 =	vld.idx.msk [tilespmem:v19+s25+$0x0], $0xffff;
	v19 =	vmov s10  }
0x19c: {  	s12 =	sshrl.u32 s20, $0x1;
	v35 =	vor.u32 v15, v23;
	v37 =	vor.u32 v16, v23;
	v20 =	vld.idx.msk [tilespmem:v20+s25+$0x0], $0xffff;
	v19 =	vshll.u32 v19, $0x3  }
0x19d: {  	s2 =	sand.u32 $0x3FFFFF80, s12;
	v30 =	vor.u32 v18, v23;
	v34 =	vor.u32 v17, v23;
	v23 =	vld.idx.msk [tilespmem:v31+s25+$0x0], $0xffff;
	v29 =	vbroadcast v19, $0x0  }
0x19e: {  	s4 =	sadd.s32 $0xD940, s2;
	v36 =	vpack.i.f32.bf16 v33, v36;
	v25 =	vand.u32 $0x1C00, v19;
	v19 =	vld.idx.msk [tilespmem:v22+s25+$0x0], $0xffff  }
0x19f: {  	[tilespmem:s4+$0x20] =	vst v36;
	v22 =	vpack.i.f32.bf16 v28, v27;
	v27 =	vbroadcast v25, $0x0;
	v25 =	vld.idx.msk [tilespmem:v24+s25+$0x0], $0xffff;
	v24 =	vadd.s32 v12, v29  }
0x1a0: {  	v28 =	vld.idx.msk [tilespmem:v38+s25+$0x0], $0xffff;
	[tilespmem:s4+$0xFFFFFFC0] =	vst v22;
	v31 =	vor.u32 v0, v24  }
0x1a1: {  	v22 =	vld.idx.msk [tilespmem:v35+s25+$0x0], $0xffff;
	v29 =	vadd.s32 v11, v27;
	v35 =	vpack.i.f32.bf16 v32, v26;
	v32 =	vor.u32 v10, v24  }
0x1a2: {  	s7 =	simm.s32 $0x8;
	s5 =	simm.s32 $0x180;
	s12 =	smov.u32 s4;
	v24 =	vld.idx.msk [tilespmem:v37+s25+$0x0], $0xffff;
	v26 =	vor.u32 v15, v29;
	v27 =	vor.u32 v18, v29;
	v33 =	vor.u32 v13, v29  }
.LBB2_19:
0x1a3: {  	v36 =	vmov s5;
	s7 =	sadd.s32 $0x4, s7;
	v37 =	vld.idx.msk [tilespmem:v34+s25+$0x0], $0xffff;
	v21 =	vpack.i.f32.bf16 v21, v20;
	[tilespmem:s4+$0x0] =	vst v35;
	s12 =	sadd.s32 $0x400, s12  }
0x1a4: {  	v25 =	vpack.i.f32.bf16 v25, v19;
	v34 =	vshll.u32 v36, $0x3;
	p6 =	slt.u32 s7, $0x14;
	v36 =	vor.u32 v16, v29;
	v20 =	vld.idx.msk [tilespmem:v30+s25+$0x0], $0xffff;
	[tilespmem:s4+$0xFFFFFFE0] =	vst v21;
	s4 =	smov.u32 s12  }
0x1a5: {  	v38 =	vor.u32 v14, v29;
	v39 =	vmovc v23;
	v35 =	vbroadcast v34, $0x0;
	v41 =	vand.u32 $0x1C00, v34;
	v19 =	vld.idx.msk [tilespmem:v31+s25+$0x0], $0xffff;
	[tilespmem:s12+$0xFFFFFFC0] =	vst v25  }
.Ltmp10:
0x1a6: {  	v30 =	vmovc v27;
	v34 =	vor.u32 v17, v29;
	v40 =	vbroadcast v41, $0x0;
	v25 =	vld.idx.msk [tilespmem:v32+s25+$0x0], $0xffff;
	v21 =	vmov v22;
	(pc) =	sbr.rel @p6 .LBB2_19-.Ltmp10, $4  }
0x1a7: {  	v27 =	vadd.s32 v12, v35;
	v23 =	vld.idx.msk [tilespmem:v33+s25+$0x0], $0xffff  }
0x1a8: {  	v35 =	vpack.i.f32.bf16 v28, v24;
	v31 =	vor.u32 v0, v27;
	v29 =	vadd.s32 v11, v40;
	v22 =	vld.idx.msk [tilespmem:v26+s25+$0x0], $0xffff  }
0x1a9: {  	v32 =	vor.u32 v10, v27;
	v26 =	vor.u32 v15, v29;
	v24 =	vld.idx.msk [tilespmem:v36+s25+$0x0], $0xffff;
	v36 =	vpack.i.f32.bf16 v39, v37  }
0x1aa: {  	s5 =	sadd.s32 $0x80, s5;
	v27 =	vor.u32 v18, v29;
	v33 =	vor.u32 v13, v29;
	v28 =	vld.idx.msk [tilespmem:v38+s25+$0x0], $0xffff;
	[tilespmem:s12+$0x20] =	vst v36  }
0x1ab: {  	_ =	sdelay $0x3  }
0x1ac: {  	v11 =	vld.idx.msk [tilespmem:v34+s25+$0x0], $0xffff  }
0x1ad: {  	v12 =	vor.u32 v16, v29;
	v13 =	vld.idx.msk [tilespmem:v30+s25+$0x0], $0xffff  }
0x1ae: {  	v15 =	vld.idx.msk [tilespmem:v31+s25+$0x0], $0xffff;
	v60 =	vor.u32 v17, v29  }
0x1af: {  	v14 =	vor.u32 v14, v29;
	v61 =	vld.idx.msk [tilespmem:v32+s25+$0x0], $0xffff  }
0x1b0: {  	v18 =	vld.idx.msk [tilespmem:v33+s25+$0x0], $0xffff  }
0x1b1: {  	v26 =	vld.idx.msk [tilespmem:v26+s25+$0x0], $0xffff  }
0x1b2: {  	v20 =	vpack.i.f32.bf16 v21, v20;
	[tilespmem:s4+$0x0] =	vst v35;
	v12 =	vld.idx.msk [tilespmem:v12+s25+$0x0], $0xffff  }
0x1b3: {  	s2 =	sadd.s32 $0x400, s12;
	v19 =	vpack.i.f32.bf16 v25, v19;
	[tilespmem:s4+$0xFFFFFFE0] =	vst v20;
	v16 =	vld.idx.msk [tilespmem:v60+s25+$0x0], $0xffff  }
0x1b4: {  	[tilespmem:s2+$0xFFFFFFC0] =	vst v19;
	v11 =	vpack.i.f32.bf16 v23, v11;
	v14 =	vld.idx.msk [tilespmem:v14+s25+$0x0], $0xffff  }
0x1b5: {  	s21 =	sadd.s32 $0x1, s21;
	v62 =	vpack.i.f32.bf16 v28, v24;
	[tilespmem:s2+$0x20] =	vst v11;
	v11 =	vld.idx.msk [tilespmem:v27+s25+$0x0], $0xffff  }
0x1b6: {  	p6 =	sne.s32 s21, $0x10;
	v13 =	vpack.i.f32.bf16 v22, v13;
	[tilespmem:s2+$0x0] =	vst v62  }
.Ltmp11:
0x1b7: {  	s12 =	sadd.s32 $0x400, s2;
	v15 =	vpack.i.f32.bf16 v61, v15;
	[tilespmem:s2+$0xFFFFFFE0] =	vst v13;
	(pc) =	sbr.rel @p6 .LBB2_18-.Ltmp11, $4  }
0x1b8: {  	[tilespmem:s12+$0xFFFFFFC0] =	vst v15;
	v63 =	vpack.i.f32.bf16 v18, v16  }
0x1b9: {  	v12 =	vpack.i.f32.bf16 v14, v12;
	[tilespmem:s12+$0x20] =	vst v63  }
0x1ba: {  	v11 =	vpack.i.f32.bf16 v26, v11;
	[tilespmem:s12+$0x0] =	vst v12  }
0x1bb: {  	s20 =	sadd.s32 $0x80, s20;
	p3 =	por !p3, !p3;
	[tilespmem:s12+$0xFFFFFFE0] =	vst v11  }
0x1bc: {  	s2 =	rddreg [dreg:$0xf]  }
0x1bd: {  	s2 =	sor.u32 @!p0 s2, s17  }
0x1be: {  	s2 =	sshrl.u32 @!p0 s2, $0x3  }
0x1bf: {  	s2 =	smul.u32 @!p0 $0x180, s2  }
0x1c0: {  	s4 =	rddreg [dreg:$0x4];
	s5 =	simm.s32 @!p0 $0x200  }
0x1c1: {  	s7 =	simm.s32 @!p0 $0xC00;
	s9 =	simm.s32 @!p0 $0xD900;
	s4 =	sadd.s32 @!p0 s4, s2  }
0x1c2: {  	[hbm4b:s4+s5] =	stream.strided.scatter @!p0 [tilespmem:s9], [sflag:$0x6], $0x400, s7, s5, $0x38;
	[tilespmem:$0x12100] =	vst v63  }
0x1c3: {  	s12 =	simm.s32 @!p0 $0xDD00;
	s10 =	sadd.s32 @!p0 $0x40, s4  }
0x1c4: {  	[hbm4b:s10+s5] =	stream.strided.scatter @!p0 [tilespmem:s12], [sflag:$0x6], $0x400, s7, s5, $0x38;
	[tilespmem:$0x12100] =	vst v63  }
0x1c5: {  	s19 =	simm.s32 @!p0 $0xE100;
	s10 =	sadd.s32 @!p0 $0x80, s4  }
0x1c6: {  	[hbm4b:s10+s5] =	stream.strided.scatter @!p0 [tilespmem:s19], [sflag:$0x6], $0x400, s7, s5, $0x38;
	[tilespmem:$0x12100] =	vst v63  }
0x1c7: {  	s20 =	simm.s32 @!p0 $0xE500;
	s10 =	sadd.s32 @!p0 $0xC0, s4  }
0x1c8: {  	[hbm4b:s10+s5] =	stream.strided.scatter @!p0 [tilespmem:s20], [sflag:$0x6], $0x400, s7, s5, $0x38;
	[tilespmem:$0x12100] =	vst v63  }
0x1c9: {  	s21 =	simm.s32 @!p0 $0xE900;
	s10 =	sadd.s32 @!p0 $0x100, s4  }
0x1ca: {  	[hbm4b:s10+s5] =	stream.strided.scatter @!p0 [tilespmem:s21], [sflag:$0x6], $0x400, s7, s5, $0x38;
	[tilespmem:$0x12100] =	vst v63  }
0x1cb: {  	s4 =	sadd.s32 @!p0 $0x140, s4;
	s10 =	simm.s32 @!p0 $0xED00  }
0x1cc: {  	[hbm4b:s4+s5] =	stream.strided.scatter @!p0 [tilespmem:s10], [sflag:$0x6], $0x400, s7, s5, $0x38;
	[tilespmem:$0x12100] =	vst v63  }
0x1cd: {  	s4 =	rddreg [dreg:$0x7]  }
0x1ce: {  	s2 =	sadd.s32 @!p0 s4, s2  }
0x1cf: {  	[hbm4b:s2+s5] =	stream.strided.scatter @!p0 [tilespmem:s9], [sflag:$0x6], $0x400, s7, s5, $0x38;
	[tilespmem:$0x12100] =	vst v63  }
0x1d0: {  	s4 =	sadd.s32 @!p0 $0x40, s2  }
0x1d1: {  	[hbm4b:s4+s5] =	stream.strided.scatter @!p0 [tilespmem:s12], [sflag:$0x6], $0x400, s7, s5, $0x38;
	[tilespmem:$0x12100] =	vst v63  }
0x1d2: {  	s4 =	sadd.s32 @!p0 $0x80, s2  }
0x1d3: {  	[hbm4b:s4+s5] =	stream.strided.scatter @!p0 [tilespmem:s19], [sflag:$0x6], $0x400, s7, s5, $0x38;
	[tilespmem:$0x12100] =	vst v63  }
0x1d4: {  	s4 =	sadd.s32 @!p0 $0xC0, s2  }
0x1d5: {  	[hbm4b:s4+s5] =	stream.strided.scatter @!p0 [tilespmem:s20], [sflag:$0x6], $0x400, s7, s5, $0x38;
	[tilespmem:$0x12100] =	vst v63  }
0x1d6: {  	p3 =	sne.s32 s11, $0x4;
	s4 =	sadd.s32 @!p0 $0x100, s2  }
0x1d7: {  	[hbm4b:s4+s5] =	stream.strided.scatter @!p0 [tilespmem:s21], [sflag:$0x6], $0x400, s7, s5, $0x38;
	[tilespmem:$0x12100] =	vst v63  }
0x1d8: {  	s11 =	sshll.u32 @!p3 s23, $0x6;
	s4 =	rddreg [dreg:$0x10]  }
0x1d9: {  	s4 =	sadd.s32 @!p3 s4, s11  }
0x1da: {  	s2 =	sadd.s32 @!p0 $0x140, s2;
	s4 =	sshrl.u32 @!p3 s4, $0x3  }
0x1db: {  	[hbm4b:s2+s5] =	stream.strided.scatter @!p0 [tilespmem:s10], [sflag:$0x6], $0x400, s7, s5, $0x38;
	[tilespmem:$0x12100] =	vst v63  }
0x1dc: {  	s4 =	smul.u32 @!p3 $0x180, s4  }
0x1dd: {  	s9 =	simm.s32 @!p3 $0xD900;
	s2 =	rddreg [dreg:$0x5]  }
0x1de: {  	s5 =	simm.s32 @!p3 $0x200;
	s7 =	simm.s32 @!p3 $0xC00;
	s2 =	sadd.s32 @!p3 s2, s4  }
0x1df: {  	[hbm4b:s2+s5] =	stream.strided.scatter @!p3 [tilespmem:s9], [sflag:$0x6], $0x400, s7, s5, $0x38;
	[tilespmem:$0x12100] =	vst v63  }
0x1e0: {  	s12 =	simm.s32 @!p3 $0xDD00;
	s10 =	sadd.s32 @!p3 $0x40, s2  }
0x1e1: {  	[hbm4b:s10+s5] =	stream.strided.scatter @!p3 [tilespmem:s12], [sflag:$0x6], $0x400, s7, s5, $0x38;
	[tilespmem:$0x12100] =	vst v63  }
0x1e2: {  	s19 =	simm.s32 @!p3 $0xE100;
	s10 =	sadd.s32 @!p3 $0x80, s2  }
0x1e3: {  	[hbm4b:s10+s5] =	stream.strided.scatter @!p3 [tilespmem:s19], [sflag:$0x6], $0x400, s7, s5, $0x38;
	[tilespmem:$0x12100] =	vst v63  }
0x1e4: {  	s20 =	simm.s32 @!p3 $0xE500;
	s10 =	sadd.s32 @!p3 $0xC0, s2  }
0x1e5: {  	[hbm4b:s10+s5] =	stream.strided.scatter @!p3 [tilespmem:s20], [sflag:$0x6], $0x400, s7, s5, $0x38;
	[tilespmem:$0x12100] =	vst v63  }
0x1e6: {  	s21 =	simm.s32 @!p3 $0xE900;
	s10 =	sadd.s32 @!p3 $0x100, s2  }
0x1e7: {  	[hbm4b:s10+s5] =	stream.strided.scatter @!p3 [tilespmem:s21], [sflag:$0x6], $0x400, s7, s5, $0x38;
	[tilespmem:$0x12100] =	vst v63  }
0x1e8: {  	s2 =	sadd.s32 @!p3 $0x140, s2;
	s10 =	simm.s32 @!p3 $0xED00  }
0x1e9: {  	[hbm4b:s2+s5] =	stream.strided.scatter @!p3 [tilespmem:s10], [sflag:$0x6], $0x400, s7, s5, $0x38;
	[tilespmem:$0x12100] =	vst v63  }
0x1ea: {  	s2 =	rddreg [dreg:$0x8]  }
0x1eb: {  	s2 =	sadd.s32 @!p3 s2, s4  }
0x1ec: {  	[hbm4b:s2+s5] =	stream.strided.scatter @!p3 [tilespmem:s9], [sflag:$0x6], $0x400, s7, s5, $0x38;
	[tilespmem:$0x12100] =	vst v63  }
0x1ed: {  	s4 =	sadd.s32 @!p3 $0x40, s2  }
0x1ee: {  	[hbm4b:s4+s5] =	stream.strided.scatter @!p3 [tilespmem:s12], [sflag:$0x6], $0x400, s7, s5, $0x38;
	[tilespmem:$0x12100] =	vst v63  }
0x1ef: {  	s4 =	sadd.s32 @!p3 $0x80, s2  }
0x1f0: {  	[hbm4b:s4+s5] =	stream.strided.scatter @!p3 [tilespmem:s19], [sflag:$0x6], $0x400, s7, s5, $0x38;
	[tilespmem:$0x12100] =	vst v63  }
0x1f1: {  	s4 =	sadd.s32 @!p3 $0xC0, s2  }
0x1f2: {  	[hbm4b:s4+s5] =	stream.strided.scatter @!p3 [tilespmem:s20], [sflag:$0x6], $0x400, s7, s5, $0x38;
	[tilespmem:$0x12100] =	vst v63  }
.Ltmp12:
0x1f3: {  	_ = 	snop;
	(pc) =	sbr.rel @p5 .LBB2_23-.Ltmp12, $4  }
0x1f4: {  	s4 =	sadd.s32 @!p3 $0x100, s2  }
0x1f5: {  	[hbm4b:s4+s5] =	stream.strided.scatter @!p3 [tilespmem:s21], [sflag:$0x6], $0x400, s7, s5, $0x38;
	[tilespmem:$0x12100] =	vst v63  }
0x1f6: {  	s2 =	sadd.s32 @!p3 $0x140, s2  }
0x1f7: {  	[hbm4b:s2+s5] =	stream.strided.scatter @!p3 [tilespmem:s10], [sflag:$0x6], $0x400, s7, s5, $0x38;
	[tilespmem:$0x12100] =	vst v63  }
0x1f8: {  	s2 =	rddreg [dreg:$0x17]  }
0x1f9: {  	s2 =	sadd.s32 s6, s2  }
0x1fa: {  	s2 =	sshrl.u32 s2, $0x3  }
0x1fb: {  	s2 =	smul.u32 $0x180, s2  }
0x1fc: {  	s4 =	rddreg [dreg:$0x6]  }
0x1fd: {  	s7 =	simm.s32 $0xD900;
	s4 =	sadd.s32 s4, s2  }
0x1fe: {  	[hbm4b:s4+s3] =	stream.strided.scatter [tilespmem:s7], [sflag:$0x6], $0x400, s18, s3, $0x38;
	[tilespmem:$0x12100] =	vst v63  }
0x1ff: {  	s9 =	simm.s32 $0xDD00;
	s5 =	sadd.s32 $0x40, s4  }
0x200: {  	[hbm4b:s5+s3] =	stream.strided.scatter [tilespmem:s9], [sflag:$0x6], $0x400, s18, s3, $0x38;
	[tilespmem:$0x12100] =	vst v63  }
0x201: {  	s10 =	simm.s32 $0xE100;
	s12 =	sadd.s32 $0x80, s4  }
0x202: {  	[hbm4b:s12+s3] =	stream.strided.scatter [tilespmem:s10], [sflag:$0x6], $0x400, s18, s3, $0x38;
	[tilespmem:$0x12100] =	vst v63  }
0x203: {  	s19 =	sadd.s32 $0xC0, s4;
	s12 =	simm.s32 $0xE500  }
0x204: {  	[hbm4b:s19+s3] =	stream.strided.scatter [tilespmem:s12], [sflag:$0x6], $0x400, s18, s3, $0x38;
	[tilespmem:$0x12100] =	vst v63  }
0x205: {  	s20 =	sadd.s32 $0x100, s4;
	s19 =	simm.s32 $0xE900  }
0x206: {  	[hbm4b:s20+s3] =	stream.strided.scatter [tilespmem:s19], [sflag:$0x6], $0x400, s18, s3, $0x38;
	[tilespmem:$0x12100] =	vst v63  }
0x207: {  	s21 =	rddreg [dreg:$0x9];
	s4 =	sadd.s32 $0x140, s4;
	s5 =	simm.s32 $0xED00  }
0x208: {  	[hbm4b:s4+s3] =	stream.strided.scatter [tilespmem:s5], [sflag:$0x6], $0x400, s18, s3, $0x38;
	[tilespmem:$0x12100] =	vst v63  }
0x209: {  	s2 =	sadd.s32 s21, s2  }
0x20a: {  	[hbm4b:s2+s3] =	stream.strided.scatter [tilespmem:s7], [sflag:$0x6], $0x400, s18, s3, $0x38;
	[tilespmem:$0x12100] =	vst v63  }
0x20b: {  	s4 =	sadd.s32 $0x40, s2  }
0x20c: {  	[hbm4b:s4+s3] =	stream.strided.scatter [tilespmem:s9], [sflag:$0x6], $0x400, s18, s3, $0x38;
	[tilespmem:$0x12100] =	vst v63  }
0x20d: {  	s9 =	sadd.s32 $0x80, s2  }
0x20e: {  	[hbm4b:s9+s3] =	stream.strided.scatter [tilespmem:s10], [sflag:$0x6], $0x400, s18, s3, $0x38;
	[tilespmem:$0x12100] =	vst v63  }
0x20f: {  	s10 =	sadd.s32 $0xC0, s2  }
0x210: {  	[hbm4b:s10+s3] =	stream.strided.scatter [tilespmem:s12], [sflag:$0x6], $0x400, s18, s3, $0x38;
	[tilespmem:$0x12100] =	vst v63  }
0x211: {  	s20 =	sadd.s32 $0x100, s2  }
0x212: {  	[hbm4b:s20+s3] =	stream.strided.scatter [tilespmem:s19], [sflag:$0x6], $0x400, s18, s3, $0x38;
	[tilespmem:$0x12100] =	vst v63  }
0x213: {  	s2 =	sadd.s32 $0x140, s2  }
0x214: {  	[hbm4b:s2+s3] =	stream.strided.scatter [tilespmem:s5], [sflag:$0x6], $0x400, s18, s3, $0x38;
	[tilespmem:$0x12100] =	vst v63  }
.Ltmp13:
0x215: {  	_ = 	snop;
	(pc) =	sbr.rel @p4 .LBB2_25-.Ltmp13, $4  }
.Ltmp14:
0x216: {  	s21 =	simm.s32 $0x3;
	(pc) =	sbr.rel @!p4 .LBB2_24-.Ltmp14, $4  }
0x217: {  	_ =	swait.ge [sflag:s21], $0x3000  }
0x218: {  	[sflag:s21] =	ssyncset.done $0x0  }
0x219: {  	[sflag:s21] =	ssyncadd.s32 $0xFFFFD000  }
0x21a: {  	_ = 	snop  }
.LBB2_23:
0x21b: {  	s4 =	simm.s32 $0x3  }
0x21c: {  	p5 =	sgt.u32 s23, $0x2;
	_ =	swait.ge [sflag:s4], $0x3000  }
0x21d: {  	s2 =	sshll.u32 @!p5 s23, $0x6;
	[sflag:s4] =	ssyncset.done $0x0  }
0x21e: {  	s2 =	sand.u32 @!p5 $0x3FFFFFC0, s2;
	[sflag:s4] =	ssyncadd.s32 $0xFFFFD000  }
0x21f: {  	v11 =	vld @!p5 [tilespmem:s2+$0x50];
	_ =	sdelay $0x4  }
0x220: {  	v12 =	vshrl.u32 @!p5 v11, $0x3  }
0x221: {  	v12 =	vmul.u32 @!p5 $0x30, v12  }
0x222: {  	v13 =	vlaneseq.u32 @!p5;
	v11 =	vand.u32 @!p5 $0x7, v11  }
0x223: {  	v14 =	vshrl.u32 @!p5 v13, $0x3;
	v11 =	vor.u32 @!p5 v11, v12;
	v12 =	vand.u32 @!p5 $0x7, v13  }
0x224: {  	v14 =	vmul.u32 @!p5 $0x8, v14;
	v12 =	vperm.xlane @!p5 v11, v12;
	_ =	sdelay $0x1  }
0x225: {  	v12 =	vadd.s32 @!p5 v14, v12;
	_ =	sdelay $0x2  }
0x226: {  	v13 =	vor.u32 @!p5 $0x8, v13  }
0x227: {  	vm1 =	vmmov @!p5 $0xffff;
	s4 =	simm.s32 @!p5 $0x3100;
	s2 =	simm.s32 @!p5 $0x0;
	v11 =	vperm.xlane @!p5 v11, v13  }
0x228: {  	[tilespmem:s4], [sflag:$0x2] =	stream.indirect_vreg.gather @!p5 [hbm4b:s0+s2], $0x80, v12, vm1, $0xb8;
	[tilespmem:$0x12100] =	vst v63  }
0x229: {  	v11 =	vadd.s32 @!p5 v14, v11;
	s4 =	simm.s32 @!p5 $0x3900  }
0x22a: {  	[tilespmem:s4], [sflag:$0x2] =	stream.indirect_vreg.gather @!p5 [hbm4b:s14+s2], $0x80, v12, vm1, $0xb8;
	[tilespmem:$0x12100] =	vst v63  }
0x22b: {  	s4 =	simm.s32 @!p5 $0x4100  }
0x22c: {  	[tilespmem:s4], [sflag:$0x2] =	stream.indirect_vreg.gather @!p5 [hbm4b:s15+s2], $0x80, v12, vm1, $0xb8;
	[tilespmem:$0x12100] =	vst v63  }
0x22d: {  	s4 =	simm.s32 @!p5 $0x4900  }
0x22e: {  	[tilespmem:s4], [sflag:$0x2] =	stream.indirect_vreg.gather @!p5 [hbm4b:s0+s2], $0x80, v11, vm1, $0xb8;
	[tilespmem:$0x12100] =	vst v63  }
0x22f: {  	s4 =	simm.s32 @!p5 $0x5100  }
0x230: {  	[tilespmem:s4], [sflag:$0x2] =	stream.indirect_vreg.gather @!p5 [hbm4b:s14+s2], $0x80, v11, vm1, $0xb8;
	[tilespmem:$0x12100] =	vst v63  }
0x231: {  	s4 =	simm.s32 @!p5 $0x5900  }
0x232: {  	[tilespmem:s4], [sflag:$0x2] =	stream.indirect_vreg.gather @!p5 [hbm4b:s15+s2], $0x80, v11, vm1, $0xb8;
	[tilespmem:$0x12100] =	vst v63  }
.LBB2_24:
0x233: {  	s2 =	sadd.s32 $0xFFFFFFF4, s16  }
0x234: {  	p5 =	sgt.u32 s2, $0xF  }
0x235: {  	s2 =	sshll.u32 @!p5 s23, $0x6  }
0x236: {  	s2 =	sand.u32 @!p5 $0x3FFFFFC0, s2  }
0x237: {  	v11 =	vld @!p5 [tilespmem:s2+$0xFFFFFF50];
	_ =	sdelay $0x4  }
0x238: {  	v12 =	vshrl.u32 @!p5 v11, $0x3  }
0x239: {  	v12 =	vmul.u32 @!p5 $0x30, v12  }
0x23a: {  	v13 =	vlaneseq.u32 @!p5;
	v11 =	vand.u32 @!p5 $0x7, v11  }
0x23b: {  	v14 =	vshrl.u32 @!p5 v13, $0x3;
	v11 =	vor.u32 @!p5 v11, v12;
	v12 =	vand.u32 @!p5 $0x7, v13  }
0x23c: {  	v14 =	vmul.u32 @!p5 $0x8, v14;
	v12 =	vperm.xlane @!p5 v11, v12;
	_ =	sdelay $0x1  }
0x23d: {  	v12 =	vadd.s32 @!p5 v14, v12;
	_ =	sdelay $0x2  }
0x23e: {  	v13 =	vor.u32 @!p5 $0x8, v13  }
0x23f: {  	vm1 =	vmmov @!p5 $0xffff;
	s4 =	simm.s32 @!p5 $0x3100;
	s2 =	simm.s32 @!p5 $0x0;
	v11 =	vperm.xlane @!p5 v11, v13  }
0x240: {  	[tilespmem:s4], [sflag:$0x2] =	stream.indirect_vreg.gather @!p5 [hbm4b:s1+s2], $0x80, v12, vm1, $0xb8;
	[tilespmem:$0x12100] =	vst v63  }
0x241: {  	v11 =	vadd.s32 @!p5 v14, v11;
	s4 =	simm.s32 @!p5 $0x3900  }
0x242: {  	[tilespmem:s4], [sflag:$0x2] =	stream.indirect_vreg.gather @!p5 [hbm4b:s26+s2], $0x80, v12, vm1, $0xb8;
	[tilespmem:$0x12100] =	vst v63  }
0x243: {  	s4 =	simm.s32 @!p5 $0x4100  }
0x244: {  	[tilespmem:s4], [sflag:$0x2] =	stream.indirect_vreg.gather @!p5 [hbm4b:s28+s2], $0x80, v12, vm1, $0xb8;
	[tilespmem:$0x12100] =	vst v63  }
0x245: {  	s4 =	simm.s32 @!p5 $0x4900  }
0x246: {  	[tilespmem:s4], [sflag:$0x2] =	stream.indirect_vreg.gather @!p5 [hbm4b:s1+s2], $0x80, v11, vm1, $0xb8;
	[tilespmem:$0x12100] =	vst v63  }
0x247: {  	s4 =	simm.s32 @!p5 $0x5100  }
0x248: {  	[tilespmem:s4], [sflag:$0x2] =	stream.indirect_vreg.gather @!p5 [hbm4b:s26+s2], $0x80, v11, vm1, $0xb8;
	[tilespmem:$0x12100] =	vst v63  }
0x249: {  	s4 =	simm.s32 @!p5 $0x5900  }
0x24a: {  	[tilespmem:s4], [sflag:$0x2] =	stream.indirect_vreg.gather @!p5 [hbm4b:s28+s2], $0x80, v11, vm1, $0xb8;
	[tilespmem:$0x12100] =	vst v63  }
0x24b: {  	p5 =	slt.u32 s23, $0x7  }
0x24c: {  	s2 =	sshll.u32 @!p5 s23, $0x6  }
0x24d: {  	s2 =	sand.u32 @!p5 $0x3FFFFFC0, s2  }
0x24e: {  	v11 =	vld @!p5 [tilespmem:s2+$0xFFFFFE50];
	_ =	sdelay $0x4  }
0x24f: {  	v12 =	vshrl.u32 @!p5 v11, $0x3  }
0x250: {  	v12 =	vmul.u32 @!p5 $0x30, v12  }
0x251: {  	v13 =	vlaneseq.u32 @!p5;
	v11 =	vand.u32 @!p5 $0x7, v11  }
0x252: {  	v14 =	vshrl.u32 @!p5 v13, $0x3;
	v11 =	vor.u32 @!p5 v11, v12;
	v12 =	vand.u32 @!p5 $0x7, v13  }
0x253: {  	v14 =	vmul.u32 @!p5 $0x8, v14;
	v12 =	vperm.xlane @!p5 v11, v12;
	_ =	sdelay $0x1  }
0x254: {  	v12 =	vadd.s32 @!p5 v14, v12;
	_ =	sdelay $0x2  }
0x255: {  	v13 =	vor.u32 @!p5 $0x8, v13  }
0x256: {  	s5 =	rddreg [dreg:$0x3];
	vm1 =	vmmov @!p5 $0xffff;
	s4 =	simm.s32 @!p5 $0x3100;
	s2 =	simm.s32 @!p5 $0x0;
	v11 =	vperm.xlane @!p5 v11, v13  }
0x257: {  	[tilespmem:s4], [sflag:$0x2] =	stream.indirect_vreg.gather @!p5 [hbm4b:s5+s2], $0x80, v12, vm1, $0xb8;
	[tilespmem:$0x12100] =	vst v63  }
0x258: {  	v11 =	vadd.s32 @!p5 v14, v11;
	s4 =	simm.s32 @!p5 $0x3900  }
0x259: {  	[tilespmem:s4], [sflag:$0x2] =	stream.indirect_vreg.gather @!p5 [hbm4b:s29+s2], $0x80, v12, vm1, $0xb8;
	[tilespmem:$0x12100] =	vst v63  }
0x25a: {  	s4 =	simm.s32 @!p5 $0x4100  }
0x25b: {  	[tilespmem:s4], [sflag:$0x2] =	stream.indirect_vreg.gather @!p5 [hbm4b:s30+s2], $0x80, v12, vm1, $0xb8;
	[tilespmem:$0x12100] =	vst v63  }
0x25c: {  	s4 =	simm.s32 @!p5 $0x4900  }
0x25d: {  	[tilespmem:s4], [sflag:$0x2] =	stream.indirect_vreg.gather @!p5 [hbm4b:s5+s2], $0x80, v11, vm1, $0xb8;
	[tilespmem:$0x12100] =	vst v63  }
0x25e: {  	s4 =	simm.s32 @!p5 $0x5100  }
0x25f: {  	[tilespmem:s4], [sflag:$0x2] =	stream.indirect_vreg.gather @!p5 [hbm4b:s29+s2], $0x80, v11, vm1, $0xb8;
	[tilespmem:$0x12100] =	vst v63  }
0x260: {  	s4 =	simm.s32 @!p5 $0x5900  }
0x261: {  	[tilespmem:s4], [sflag:$0x2] =	stream.indirect_vreg.gather @!p5 [hbm4b:s30+s2], $0x80, v11, vm1, $0xb8;
	[tilespmem:$0x12100] =	vst v63  }
.LBB2_25:
0x262: {  	s2 =	simm.s32 @!p2 $0x7  }
0x263: {  	_ =	swait.ge @!p2 [sflag:s2], $0x1800  }
0x264: {  	[sflag:s2] =	ssyncset.done @!p2 $0x0  }
0x265: {  	[sflag:s2] =	ssyncadd.s32 @!p2 $0xFFFFE800  }
0x266: {  	_ =	swait.ge @!p2 [sflag:s2], $0x1800  }
0x267: {  	s19 =	simm.s32 $0x0;
	p5 =	por $0x0, $0x0;
	[sflag:s2] =	ssyncset.done @!p2 $0x0  }
0x268: {  	s20 =	simm.s32 $0x0;
	s21 =	simm.s32 $0x0;
	[sflag:s2] =	ssyncadd.s32 @!p2 $0xFFFFE800  }
.LBB2_26:
0x269: {  	v12 =	vmov s21  }
0x26a: {  	v13 =	vmov s19;
	v11 =	vshrl.u32 v12, $0x3  }
0x26b: {  	v12 =	vshll.u32 v12, $0x7;
	v13 =	vshll.u32 v13, $0x3;
	v11 =	vmul.u32 $0x1800, v11  }
0x26c: {  	v18 =	vand.u32 $0x380, v12;
	v14 =	vbroadcast v13, $0x0  }
0x26d: {  	v13 =	vand.u32 $0x1C00, v13;
	v12 =	vor.u32 v18, v11  }
0x26e: {  	s2 =	simm.s32 $0x80;
	v15 =	vbroadcast v13, $0x0;
	v14 =	vadd.s32 v12, v14  }
0x26f: {  	v17 =	vmov s2;
	v19 =	vor.u32 v0, v14  }
0x270: {  	v20 =	vadd.s32 v11, v15;
	v15 =	vor.u32 v5, v18;
	v21 =	vor.u32 v10, v14  }
0x271: {  	v24 =	vshll.u32 v17, $0x3;
	v13 =	vor.u32 v9, v18;
	v23 =	vor.u32 v15, v20  }
0x272: {  	v16 =	vor.u32 v6, v18;
	v17 =	vor.u32 v8, v18;
	v22 =	vor.u32 v13, v20  }
0x273: {  	v26 =	vbroadcast v24, $0x0;
	v24 =	vand.u32 $0x1C00, v24;
	v29 =	vor.u32 v17, v20  }
0x274: {  	v24 =	vbroadcast v24, $0x0;
	v14 =	vor.u32 v7, v18;
	v25 =	vor.u32 v16, v20;
	v27 =	vld.idx.msk [tilespmem:v19+s8+$0x0], $0xffff  }
0x275: {  	v18 =	vor.u32 v4, v18;
	v19 =	vor.u32 v14, v20;
	v28 =	vld.idx.msk [tilespmem:v21+s8+$0x0], $0xffff  }
0x276: {  	v20 =	vor.u32 v18, v20;
	v21 =	vld.idx.msk [tilespmem:v23+s8+$0x0], $0xffff;
	v23 =	vadd.s32 v11, v24  }
0x277: {  	v26 =	vadd.s32 v12, v26;
	v33 =	vld.idx.msk [tilespmem:v22+s8+$0x0], $0xffff;
	v31 =	vor.u32 v13, v23  }
0x278: {  	v22 =	vor.u32 v0, v26;
	v36 =	vld.idx.msk [tilespmem:v29+s8+$0x0], $0xffff  }
0x279: {  	s10 =	simm.s32 $0x100;
	v24 =	vor.u32 v10, v26;
	v26 =	vld.idx.msk [tilespmem:v25+s8+$0x0], $0xffff  }
0x27a: {  	v38 =	vor.u32 v14, v23;
	v32 =	vld.idx.msk [tilespmem:v19+s8+$0x0], $0xffff;
	v19 =	vmov s10  }
0x27b: {  	s12 =	sshrl.u32 s20, $0x1;
	v35 =	vor.u32 v15, v23;
	v37 =	vor.u32 v16, v23;
	v20 =	vld.idx.msk [tilespmem:v20+s8+$0x0], $0xffff;
	v19 =	vshll.u32 v19, $0x3  }
0x27c: {  	s2 =	sand.u32 $0x3FFFFF80, s12;
	v30 =	vor.u32 v18, v23;
	v34 =	vor.u32 v17, v23;
	v23 =	vld.idx.msk [tilespmem:v31+s8+$0x0], $0xffff;
	v29 =	vbroadcast v19, $0x0  }
0x27d: {  	s12 =	sadd.s32 $0xF140, s2;
	v36 =	vpack.i.f32.bf16 v33, v36;
	v25 =	vand.u32 $0x1C00, v19;
	v19 =	vld.idx.msk [tilespmem:v22+s8+$0x0], $0xffff  }
0x27e: {  	[tilespmem:s12+$0x20] =	vst v36;
	v22 =	vpack.i.f32.bf16 v28, v27;
	v27 =	vbroadcast v25, $0x0;
	v25 =	vld.idx.msk [tilespmem:v24+s8+$0x0], $0xffff;
	v24 =	vadd.s32 v12, v29  }
0x27f: {  	v28 =	vld.idx.msk [tilespmem:v38+s8+$0x0], $0xffff;
	[tilespmem:s12+$0xFFFFFFC0] =	vst v22;
	v31 =	vor.u32 v0, v24  }
0x280: {  	v22 =	vld.idx.msk [tilespmem:v35+s8+$0x0], $0xffff;
	v29 =	vadd.s32 v11, v27;
	v35 =	vpack.i.f32.bf16 v32, v26;
	v32 =	vor.u32 v10, v24  }
0x281: {  	s7 =	simm.s32 $0x8;
	s5 =	simm.s32 $0x180;
	s4 =	smov.u32 s12;
	v24 =	vld.idx.msk [tilespmem:v37+s8+$0x0], $0xffff;
	v26 =	vor.u32 v15, v29;
	v27 =	vor.u32 v18, v29;
	v33 =	vor.u32 v13, v29  }
.LBB2_27:
0x282: {  	v36 =	vmov s5;
	s7 =	sadd.s32 $0x4, s7;
	v37 =	vld.idx.msk [tilespmem:v34+s8+$0x0], $0xffff;
	v21 =	vpack.i.f32.bf16 v21, v20;
	[tilespmem:s12+$0x0] =	vst v35;
	s4 =	sadd.s32 $0x400, s4  }
0x283: {  	v25 =	vpack.i.f32.bf16 v25, v19;
	v34 =	vshll.u32 v36, $0x3;
	p6 =	slt.u32 s7, $0x14;
	v36 =	vor.u32 v16, v29;
	v20 =	vld.idx.msk [tilespmem:v30+s8+$0x0], $0xffff;
	[tilespmem:s12+$0xFFFFFFE0] =	vst v21;
	s12 =	smov.u32 s4  }
0x284: {  	v38 =	vor.u32 v14, v29;
	v39 =	vmovc v23;
	v35 =	vbroadcast v34, $0x0;
	v41 =	vand.u32 $0x1C00, v34;
	v19 =	vld.idx.msk [tilespmem:v31+s8+$0x0], $0xffff;
	[tilespmem:s4+$0xFFFFFFC0] =	vst v25  }
.Ltmp15:
0x285: {  	v30 =	vmovc v27;
	v34 =	vor.u32 v17, v29;
	v40 =	vbroadcast v41, $0x0;
	v25 =	vld.idx.msk [tilespmem:v32+s8+$0x0], $0xffff;
	v21 =	vmov v22;
	(pc) =	sbr.rel @p6 .LBB2_27-.Ltmp15, $4  }
0x286: {  	v27 =	vadd.s32 v12, v35;
	v23 =	vld.idx.msk [tilespmem:v33+s8+$0x0], $0xffff  }
0x287: {  	v35 =	vpack.i.f32.bf16 v28, v24;
	v31 =	vor.u32 v0, v27;
	v29 =	vadd.s32 v11, v40;
	v22 =	vld.idx.msk [tilespmem:v26+s8+$0x0], $0xffff  }
0x288: {  	v32 =	vor.u32 v10, v27;
	v26 =	vor.u32 v15, v29;
	v24 =	vld.idx.msk [tilespmem:v36+s8+$0x0], $0xffff;
	v36 =	vpack.i.f32.bf16 v39, v37  }
0x289: {  	s5 =	sadd.s32 $0x80, s5;
	v27 =	vor.u32 v18, v29;
	v33 =	vor.u32 v13, v29;
	v28 =	vld.idx.msk [tilespmem:v38+s8+$0x0], $0xffff;
	[tilespmem:s4+$0x20] =	vst v36  }
0x28a: {  	_ =	sdelay $0x3  }
0x28b: {  	v11 =	vld.idx.msk [tilespmem:v34+s8+$0x0], $0xffff  }
0x28c: {  	v12 =	vor.u32 v16, v29;
	v13 =	vld.idx.msk [tilespmem:v30+s8+$0x0], $0xffff  }
0x28d: {  	v15 =	vld.idx.msk [tilespmem:v31+s8+$0x0], $0xffff;
	v60 =	vor.u32 v17, v29  }
0x28e: {  	v14 =	vor.u32 v14, v29;
	v61 =	vld.idx.msk [tilespmem:v32+s8+$0x0], $0xffff  }
0x28f: {  	v18 =	vld.idx.msk [tilespmem:v33+s8+$0x0], $0xffff  }
0x290: {  	v26 =	vld.idx.msk [tilespmem:v26+s8+$0x0], $0xffff  }
0x291: {  	v20 =	vpack.i.f32.bf16 v21, v20;
	[tilespmem:s12+$0x0] =	vst v35;
	v12 =	vld.idx.msk [tilespmem:v12+s8+$0x0], $0xffff  }
0x292: {  	s2 =	sadd.s32 $0x400, s4;
	v19 =	vpack.i.f32.bf16 v25, v19;
	[tilespmem:s12+$0xFFFFFFE0] =	vst v20;
	v16 =	vld.idx.msk [tilespmem:v60+s8+$0x0], $0xffff  }
0x293: {  	[tilespmem:s2+$0xFFFFFFC0] =	vst v19;
	v11 =	vpack.i.f32.bf16 v23, v11;
	v14 =	vld.idx.msk [tilespmem:v14+s8+$0x0], $0xffff  }
0x294: {  	s21 =	sadd.s32 $0x1, s21;
	v62 =	vpack.i.f32.bf16 v28, v24;
	[tilespmem:s2+$0x20] =	vst v11;
	v11 =	vld.idx.msk [tilespmem:v27+s8+$0x0], $0xffff  }
0x295: {  	p6 =	sne.s32 s21, $0x10;
	v13 =	vpack.i.f32.bf16 v22, v13;
	[tilespmem:s2+$0x0] =	vst v62  }
.Ltmp16:
0x296: {  	s4 =	sadd.s32 $0x400, s2;
	v15 =	vpack.i.f32.bf16 v61, v15;
	[tilespmem:s2+$0xFFFFFFE0] =	vst v13;
	(pc) =	sbr.rel @p6 .LBB2_26-.Ltmp16, $4  }
0x297: {  	[tilespmem:s4+$0xFFFFFFC0] =	vst v15;
	v63 =	vpack.i.f32.bf16 v18, v16  }
0x298: {  	v12 =	vpack.i.f32.bf16 v14, v12;
	[tilespmem:s4+$0x20] =	vst v63  }
0x299: {  	v11 =	vpack.i.f32.bf16 v26, v11;
	[tilespmem:s4+$0x0] =	vst v12  }
0x29a: {  	s20 =	sadd.s32 $0x80, s20;
	p5 =	por !p5, !p5;
	[tilespmem:s4+$0xFFFFFFE0] =	vst v11  }
0x29b: {  	s2 =	rddreg [dreg:$0x11]  }
0x29c: {  	s2 =	sor.u32 @!p0 s2, s17  }
0x29d: {  	s2 =	sshrl.u32 @!p0 s2, $0x3  }
0x29e: {  	s2 =	smul.u32 @!p0 $0x180, s2  }
0x29f: {  	s4 =	rddreg [dreg:$0x4];
	s5 =	simm.s32 @!p0 $0x200  }
0x2a0: {  	s7 =	simm.s32 @!p0 $0xC00;
	s9 =	simm.s32 @!p0 $0xF100;
	s4 =	sadd.s32 @!p0 s4, s2  }
0x2a1: {  	[hbm4b:s4+s5] =	stream.strided.scatter @!p0 [tilespmem:s9], [sflag:$0x7], $0x400, s7, s5, $0x38;
	[tilespmem:$0x12100] =	vst v63  }
0x2a2: {  	s12 =	simm.s32 @!p0 $0xF500;
	s10 =	sadd.s32 @!p0 $0x40, s4  }
0x2a3: {  	[hbm4b:s10+s5] =	stream.strided.scatter @!p0 [tilespmem:s12], [sflag:$0x7], $0x400, s7, s5, $0x38;
	[tilespmem:$0x12100] =	vst v63  }
0x2a4: {  	s17 =	simm.s32 @!p0 $0xF900;
	s10 =	sadd.s32 @!p0 $0x80, s4  }
0x2a5: {  	[hbm4b:s10+s5] =	stream.strided.scatter @!p0 [tilespmem:s17], [sflag:$0x7], $0x400, s7, s5, $0x38;
	[tilespmem:$0x12100] =	vst v63  }
0x2a6: {  	s19 =	simm.s32 @!p0 $0xFD00;
	s10 =	sadd.s32 @!p0 $0xC0, s4  }
0x2a7: {  	[hbm4b:s10+s5] =	stream.strided.scatter @!p0 [tilespmem:s19], [sflag:$0x7], $0x400, s7, s5, $0x38;
	[tilespmem:$0x12100] =	vst v63  }
0x2a8: {  	s20 =	simm.s32 @!p0 $0x10100;
	s10 =	sadd.s32 @!p0 $0x100, s4  }
0x2a9: {  	[hbm4b:s10+s5] =	stream.strided.scatter @!p0 [tilespmem:s20], [sflag:$0x7], $0x400, s7, s5, $0x38;
	[tilespmem:$0x12100] =	vst v63  }
0x2aa: {  	s4 =	sadd.s32 @!p0 $0x140, s4;
	s10 =	simm.s32 @!p0 $0x10500  }
0x2ab: {  	[hbm4b:s4+s5] =	stream.strided.scatter @!p0 [tilespmem:s10], [sflag:$0x7], $0x400, s7, s5, $0x38;
	[tilespmem:$0x12100] =	vst v63  }
0x2ac: {  	s4 =	rddreg [dreg:$0x7]  }
0x2ad: {  	s2 =	sadd.s32 @!p0 s4, s2  }
0x2ae: {  	[hbm4b:s2+s5] =	stream.strided.scatter @!p0 [tilespmem:s9], [sflag:$0x7], $0x400, s7, s5, $0x38;
	[tilespmem:$0x12100] =	vst v63  }
0x2af: {  	s4 =	sadd.s32 @!p0 $0x40, s2  }
0x2b0: {  	[hbm4b:s4+s5] =	stream.strided.scatter @!p0 [tilespmem:s12], [sflag:$0x7], $0x400, s7, s5, $0x38;
	[tilespmem:$0x12100] =	vst v63  }
0x2b1: {  	s4 =	sadd.s32 @!p0 $0x80, s2  }
0x2b2: {  	[hbm4b:s4+s5] =	stream.strided.scatter @!p0 [tilespmem:s17], [sflag:$0x7], $0x400, s7, s5, $0x38;
	[tilespmem:$0x12100] =	vst v63  }
0x2b3: {  	s4 =	sadd.s32 @!p0 $0xC0, s2  }
0x2b4: {  	[hbm4b:s4+s5] =	stream.strided.scatter @!p0 [tilespmem:s19], [sflag:$0x7], $0x400, s7, s5, $0x38;
	[tilespmem:$0x12100] =	vst v63  }
0x2b5: {  	s4 =	sadd.s32 @!p0 $0x100, s2  }
0x2b6: {  	[hbm4b:s4+s5] =	stream.strided.scatter @!p0 [tilespmem:s20], [sflag:$0x7], $0x400, s7, s5, $0x38;
	[tilespmem:$0x12100] =	vst v63  }
0x2b7: {  	s4 =	rddreg [dreg:$0x12]  }
0x2b8: {  	s4 =	sadd.s32 @!p3 s4, s11  }
0x2b9: {  	s2 =	sadd.s32 @!p0 $0x140, s2;
	s4 =	sshrl.u32 @!p3 s4, $0x3  }
0x2ba: {  	[hbm4b:s2+s5] =	stream.strided.scatter @!p0 [tilespmem:s10], [sflag:$0x7], $0x400, s7, s5, $0x38;
	[tilespmem:$0x12100] =	vst v63  }
0x2bb: {  	s4 =	smul.u32 @!p3 $0x180, s4  }
0x2bc: {  	s9 =	simm.s32 @!p3 $0xF100;
	s2 =	rddreg [dreg:$0x5]  }
0x2bd: {  	s5 =	simm.s32 @!p3 $0x200;
	s7 =	simm.s32 @!p3 $0xC00;
	s2 =	sadd.s32 @!p3 s2, s4  }
0x2be: {  	[hbm4b:s2+s5] =	stream.strided.scatter @!p3 [tilespmem:s9], [sflag:$0x7], $0x400, s7, s5, $0x38;
	[tilespmem:$0x12100] =	vst v63  }
0x2bf: {  	s12 =	simm.s32 @!p3 $0xF500;
	s10 =	sadd.s32 @!p3 $0x40, s2  }
0x2c0: {  	[hbm4b:s10+s5] =	stream.strided.scatter @!p3 [tilespmem:s12], [sflag:$0x7], $0x400, s7, s5, $0x38;
	[tilespmem:$0x12100] =	vst v63  }
0x2c1: {  	s17 =	simm.s32 @!p3 $0xF900;
	s10 =	sadd.s32 @!p3 $0x80, s2  }
0x2c2: {  	[hbm4b:s10+s5] =	stream.strided.scatter @!p3 [tilespmem:s17], [sflag:$0x7], $0x400, s7, s5, $0x38;
	[tilespmem:$0x12100] =	vst v63  }
0x2c3: {  	s19 =	simm.s32 @!p3 $0xFD00;
	s10 =	sadd.s32 @!p3 $0xC0, s2  }
0x2c4: {  	[hbm4b:s10+s5] =	stream.strided.scatter @!p3 [tilespmem:s19], [sflag:$0x7], $0x400, s7, s5, $0x38;
	[tilespmem:$0x12100] =	vst v63  }
0x2c5: {  	s20 =	simm.s32 @!p3 $0x10100;
	s10 =	sadd.s32 @!p3 $0x100, s2  }
0x2c6: {  	[hbm4b:s10+s5] =	stream.strided.scatter @!p3 [tilespmem:s20], [sflag:$0x7], $0x400, s7, s5, $0x38;
	[tilespmem:$0x12100] =	vst v63  }
0x2c7: {  	s2 =	sadd.s32 @!p3 $0x140, s2;
	s10 =	simm.s32 @!p3 $0x10500  }
0x2c8: {  	[hbm4b:s2+s5] =	stream.strided.scatter @!p3 [tilespmem:s10], [sflag:$0x7], $0x400, s7, s5, $0x38;
	[tilespmem:$0x12100] =	vst v63  }
0x2c9: {  	s2 =	rddreg [dreg:$0x8]  }
0x2ca: {  	s2 =	sadd.s32 @!p3 s2, s4  }
0x2cb: {  	[hbm4b:s2+s5] =	stream.strided.scatter @!p3 [tilespmem:s9], [sflag:$0x7], $0x400, s7, s5, $0x38;
	[tilespmem:$0x12100] =	vst v63  }
0x2cc: {  	s4 =	sadd.s32 @!p3 $0x40, s2  }
0x2cd: {  	[hbm4b:s4+s5] =	stream.strided.scatter @!p3 [tilespmem:s12], [sflag:$0x7], $0x400, s7, s5, $0x38;
	[tilespmem:$0x12100] =	vst v63  }
0x2ce: {  	s4 =	sadd.s32 @!p3 $0x80, s2  }
0x2cf: {  	[hbm4b:s4+s5] =	stream.strided.scatter @!p3 [tilespmem:s17], [sflag:$0x7], $0x400, s7, s5, $0x38;
	[tilespmem:$0x12100] =	vst v63  }
0x2d0: {  	s4 =	sadd.s32 @!p3 $0xC0, s2  }
0x2d1: {  	[hbm4b:s4+s5] =	stream.strided.scatter @!p3 [tilespmem:s19], [sflag:$0x7], $0x400, s7, s5, $0x38;
	[tilespmem:$0x12100] =	vst v63  }
.Ltmp17:
0x2d2: {  	_ = 	snop;
	(pc) =	sbr.rel @!p1 .LBB2_31-.Ltmp17, $4  }
0x2d3: {  	s4 =	sadd.s32 @!p3 $0x100, s2  }
0x2d4: {  	[hbm4b:s4+s5] =	stream.strided.scatter @!p3 [tilespmem:s20], [sflag:$0x7], $0x400, s7, s5, $0x38;
	[tilespmem:$0x12100] =	vst v63  }
0x2d5: {  	s2 =	sadd.s32 @!p3 $0x140, s2  }
0x2d6: {  	[hbm4b:s2+s5] =	stream.strided.scatter @!p3 [tilespmem:s10], [sflag:$0x7], $0x400, s7, s5, $0x38;
	[tilespmem:$0x12100] =	vst v63  }
0x2d7: {  	s2 =	rddreg [dreg:$0x13]  }
0x2d8: {  	s2 =	sadd.s32 s2, s6  }
0x2d9: {  	s2 =	sshrl.u32 s2, $0x3  }
0x2da: {  	s2 =	smul.u32 $0x180, s2  }
0x2db: {  	s4 =	rddreg [dreg:$0x6]  }
0x2dc: {  	s6 =	simm.s32 $0xF100;
	s4 =	sadd.s32 s4, s2  }
0x2dd: {  	[hbm4b:s4+s3] =	stream.strided.scatter [tilespmem:s6], [sflag:$0x7], $0x400, s18, s3, $0x38;
	[tilespmem:$0x12100] =	vst v63  }
0x2de: {  	s7 =	simm.s32 $0xF500;
	s5 =	sadd.s32 $0x40, s4  }
0x2df: {  	[hbm4b:s5+s3] =	stream.strided.scatter [tilespmem:s7], [sflag:$0x7], $0x400, s18, s3, $0x38;
	[tilespmem:$0x12100] =	vst v63  }
0x2e0: {  	s9 =	simm.s32 $0xF900;
	s17 =	sadd.s32 $0x80, s4  }
0x2e1: {  	[hbm4b:s17+s3] =	stream.strided.scatter [tilespmem:s9], [sflag:$0x7], $0x400, s18, s3, $0x38;
	[tilespmem:$0x12100] =	vst v63  }
0x2e2: {  	s10 =	simm.s32 $0xFD00;
	s19 =	sadd.s32 $0xC0, s4  }
0x2e3: {  	[hbm4b:s19+s3] =	stream.strided.scatter [tilespmem:s10], [sflag:$0x7], $0x400, s18, s3, $0x38;
	[tilespmem:$0x12100] =	vst v63  }
0x2e4: {  	s12 =	simm.s32 $0x10100;
	s20 =	sadd.s32 $0x100, s4  }
0x2e5: {  	[hbm4b:s20+s3] =	stream.strided.scatter [tilespmem:s12], [sflag:$0x7], $0x400, s18, s3, $0x38;
	[tilespmem:$0x12100] =	vst v63  }
0x2e6: {  	s21 =	rddreg [dreg:$0x9];
	s4 =	sadd.s32 $0x140, s4;
	s5 =	simm.s32 $0x10500  }
0x2e7: {  	[hbm4b:s4+s3] =	stream.strided.scatter [tilespmem:s5], [sflag:$0x7], $0x400, s18, s3, $0x38;
	[tilespmem:$0x12100] =	vst v63  }
0x2e8: {  	s2 =	sadd.s32 s21, s2  }
0x2e9: {  	[hbm4b:s2+s3] =	stream.strided.scatter [tilespmem:s6], [sflag:$0x7], $0x400, s18, s3, $0x38;
	[tilespmem:$0x12100] =	vst v63  }
0x2ea: {  	s4 =	sadd.s32 $0x40, s2  }
0x2eb: {  	[hbm4b:s4+s3] =	stream.strided.scatter [tilespmem:s7], [sflag:$0x7], $0x400, s18, s3, $0x38;
	[tilespmem:$0x12100] =	vst v63  }
0x2ec: {  	s17 =	sadd.s32 $0x80, s2  }
0x2ed: {  	[hbm4b:s17+s3] =	stream.strided.scatter [tilespmem:s9], [sflag:$0x7], $0x400, s18, s3, $0x38;
	[tilespmem:$0x12100] =	vst v63  }
0x2ee: {  	s19 =	sadd.s32 $0xC0, s2  }
0x2ef: {  	[hbm4b:s19+s3] =	stream.strided.scatter [tilespmem:s10], [sflag:$0x7], $0x400, s18, s3, $0x38;
	[tilespmem:$0x12100] =	vst v63  }
0x2f0: {  	s20 =	sadd.s32 $0x100, s2  }
0x2f1: {  	[hbm4b:s20+s3] =	stream.strided.scatter [tilespmem:s12], [sflag:$0x7], $0x400, s18, s3, $0x38;
	[tilespmem:$0x12100] =	vst v63  }
0x2f2: {  	s2 =	sadd.s32 $0x140, s2  }
0x2f3: {  	[hbm4b:s2+s3] =	stream.strided.scatter [tilespmem:s5], [sflag:$0x7], $0x400, s18, s3, $0x38;
	[tilespmem:$0x12100] =	vst v63  }
.Ltmp18:
0x2f4: {  	_ = 	snop;
	(pc) =	sbr.rel @p4 .LBB2_33-.Ltmp18, $4  }
.Ltmp19:
0x2f5: {  	s21 =	simm.s32 $0x4;
	(pc) =	sbr.rel @!p4 .LBB2_32-.Ltmp19, $4  }
0x2f6: {  	_ =	swait.ge [sflag:s21], $0x3000  }
0x2f7: {  	[sflag:s21] =	ssyncset.done $0x0  }
0x2f8: {  	[sflag:s21] =	ssyncadd.s32 $0xFFFFD000  }
0x2f9: {  	_ = 	snop  }
.LBB2_31:
0x2fa: {  	s4 =	simm.s32 $0x4  }
0x2fb: {  	p4 =	sgt.u32 s23, $0x2;
	_ =	swait.ge [sflag:s4], $0x3000  }
0x2fc: {  	s2 =	sshll.u32 @!p4 s23, $0x6;
	[sflag:s4] =	ssyncset.done $0x0  }
0x2fd: {  	s2 =	sand.u32 @!p4 $0x3FFFFFC0, s2;
	[sflag:s4] =	ssyncadd.s32 $0xFFFFD000  }
0x2fe: {  	v11 =	vld @!p4 [tilespmem:s2+$0x60];
	_ =	sdelay $0x4  }
0x2ff: {  	v12 =	vshrl.u32 @!p4 v11, $0x3  }
0x300: {  	v12 =	vmul.u32 @!p4 $0x30, v12  }
0x301: {  	v13 =	vlaneseq.u32 @!p4;
	v11 =	vand.u32 @!p4 $0x7, v11  }
0x302: {  	v14 =	vshrl.u32 @!p4 v13, $0x3;
	v11 =	vor.u32 @!p4 v11, v12;
	v12 =	vand.u32 @!p4 $0x7, v13  }
0x303: {  	v14 =	vmul.u32 @!p4 $0x8, v14;
	v12 =	vperm.xlane @!p4 v11, v12;
	_ =	sdelay $0x1  }
0x304: {  	v12 =	vadd.s32 @!p4 v14, v12;
	_ =	sdelay $0x2  }
0x305: {  	v13 =	vor.u32 @!p4 $0x8, v13  }
0x306: {  	vm1 =	vmmov @!p4 $0xffff;
	s4 =	simm.s32 @!p4 $0x6100;
	s2 =	simm.s32 @!p4 $0x0;
	v11 =	vperm.xlane @!p4 v11, v13  }
0x307: {  	[tilespmem:s4], [sflag:$0x3] =	stream.indirect_vreg.gather @!p4 [hbm4b:s0+s2], $0x80, v12, vm1, $0xb8;
	[tilespmem:$0x12100] =	vst v63  }
0x308: {  	v11 =	vadd.s32 @!p4 v14, v11;
	s4 =	simm.s32 @!p4 $0x6900  }
0x309: {  	[tilespmem:s4], [sflag:$0x3] =	stream.indirect_vreg.gather @!p4 [hbm4b:s14+s2], $0x80, v12, vm1, $0xb8;
	[tilespmem:$0x12100] =	vst v63  }
0x30a: {  	s4 =	simm.s32 @!p4 $0x7100  }
0x30b: {  	[tilespmem:s4], [sflag:$0x3] =	stream.indirect_vreg.gather @!p4 [hbm4b:s15+s2], $0x80, v12, vm1, $0xb8;
	[tilespmem:$0x12100] =	vst v63  }
0x30c: {  	s4 =	simm.s32 @!p4 $0x7900  }
0x30d: {  	[tilespmem:s4], [sflag:$0x3] =	stream.indirect_vreg.gather @!p4 [hbm4b:s0+s2], $0x80, v11, vm1, $0xb8;
	[tilespmem:$0x12100] =	vst v63  }
0x30e: {  	s4 =	simm.s32 @!p4 $0x8100  }
0x30f: {  	[tilespmem:s4], [sflag:$0x3] =	stream.indirect_vreg.gather @!p4 [hbm4b:s14+s2], $0x80, v11, vm1, $0xb8;
	[tilespmem:$0x12100] =	vst v63  }
0x310: {  	s4 =	simm.s32 @!p4 $0x8900  }
0x311: {  	[tilespmem:s4], [sflag:$0x3] =	stream.indirect_vreg.gather @!p4 [hbm4b:s15+s2], $0x80, v11, vm1, $0xb8;
	[tilespmem:$0x12100] =	vst v63  }
.LBB2_32:
0x312: {  	s2 =	sadd.s32 $0xFFFFFFF4, s16  }
0x313: {  	p4 =	sgt.u32 s2, $0xF  }
0x314: {  	s2 =	sshll.u32 @!p4 s23, $0x6  }
0x315: {  	s2 =	sand.u32 @!p4 $0x3FFFFFC0, s2  }
0x316: {  	v11 =	vld @!p4 [tilespmem:s2+$0xFFFFFF60];
	_ =	sdelay $0x4  }
0x317: {  	v12 =	vshrl.u32 @!p4 v11, $0x3  }
0x318: {  	v12 =	vmul.u32 @!p4 $0x30, v12  }
0x319: {  	v13 =	vlaneseq.u32 @!p4;
	v11 =	vand.u32 @!p4 $0x7, v11  }
0x31a: {  	v14 =	vshrl.u32 @!p4 v13, $0x3;
	v11 =	vor.u32 @!p4 v11, v12;
	v12 =	vand.u32 @!p4 $0x7, v13  }
0x31b: {  	v14 =	vmul.u32 @!p4 $0x8, v14;
	v12 =	vperm.xlane @!p4 v11, v12;
	_ =	sdelay $0x1  }
0x31c: {  	v12 =	vadd.s32 @!p4 v14, v12;
	_ =	sdelay $0x2  }
0x31d: {  	v13 =	vor.u32 @!p4 $0x8, v13  }
0x31e: {  	vm1 =	vmmov @!p4 $0xffff;
	s4 =	simm.s32 @!p4 $0x6100;
	s2 =	simm.s32 @!p4 $0x0;
	v11 =	vperm.xlane @!p4 v11, v13  }
0x31f: {  	[tilespmem:s4], [sflag:$0x3] =	stream.indirect_vreg.gather @!p4 [hbm4b:s1+s2], $0x80, v12, vm1, $0xb8;
	[tilespmem:$0x12100] =	vst v63  }
0x320: {  	v11 =	vadd.s32 @!p4 v14, v11;
	s4 =	simm.s32 @!p4 $0x6900  }
0x321: {  	[tilespmem:s4], [sflag:$0x3] =	stream.indirect_vreg.gather @!p4 [hbm4b:s26+s2], $0x80, v12, vm1, $0xb8;
	[tilespmem:$0x12100] =	vst v63  }
0x322: {  	s4 =	simm.s32 @!p4 $0x7100  }
0x323: {  	[tilespmem:s4], [sflag:$0x3] =	stream.indirect_vreg.gather @!p4 [hbm4b:s28+s2], $0x80, v12, vm1, $0xb8;
	[tilespmem:$0x12100] =	vst v63  }
0x324: {  	s4 =	simm.s32 @!p4 $0x7900  }
0x325: {  	[tilespmem:s4], [sflag:$0x3] =	stream.indirect_vreg.gather @!p4 [hbm4b:s1+s2], $0x80, v11, vm1, $0xb8;
	[tilespmem:$0x12100] =	vst v63  }
0x326: {  	s4 =	simm.s32 @!p4 $0x8100  }
0x327: {  	[tilespmem:s4], [sflag:$0x3] =	stream.indirect_vreg.gather @!p4 [hbm4b:s26+s2], $0x80, v11, vm1, $0xb8;
	[tilespmem:$0x12100] =	vst v63  }
0x328: {  	s4 =	simm.s32 @!p4 $0x8900  }
0x329: {  	[tilespmem:s4], [sflag:$0x3] =	stream.indirect_vreg.gather @!p4 [hbm4b:s28+s2], $0x80, v11, vm1, $0xb8;
	[tilespmem:$0x12100] =	vst v63  }
0x32a: {  	p4 =	slt.u32 s23, $0x7  }
0x32b: {  	s2 =	sshll.u32 @!p4 s23, $0x6  }
0x32c: {  	s2 =	sand.u32 @!p4 $0x3FFFFFC0, s2  }
0x32d: {  	v11 =	vld @!p4 [tilespmem:s2+$0xFFFFFE60];
	_ =	sdelay $0x4  }
0x32e: {  	v12 =	vshrl.u32 @!p4 v11, $0x3  }
0x32f: {  	v12 =	vmul.u32 @!p4 $0x30, v12  }
0x330: {  	v13 =	vlaneseq.u32 @!p4;
	v11 =	vand.u32 @!p4 $0x7, v11  }
0x331: {  	v14 =	vshrl.u32 @!p4 v13, $0x3;
	v11 =	vor.u32 @!p4 v11, v12;
	v12 =	vand.u32 @!p4 $0x7, v13  }
0x332: {  	v14 =	vmul.u32 @!p4 $0x8, v14;
	v12 =	vperm.xlane @!p4 v11, v12;
	_ =	sdelay $0x1  }
0x333: {  	v12 =	vadd.s32 @!p4 v14, v12;
	_ =	sdelay $0x2  }
0x334: {  	v13 =	vor.u32 @!p4 $0x8, v13  }
0x335: {  	s5 =	rddreg [dreg:$0x3];
	vm1 =	vmmov @!p4 $0xffff;
	s4 =	simm.s32 @!p4 $0x6100;
	s2 =	simm.s32 @!p4 $0x0;
	v11 =	vperm.xlane @!p4 v11, v13  }
0x336: {  	[tilespmem:s4], [sflag:$0x3] =	stream.indirect_vreg.gather @!p4 [hbm4b:s5+s2], $0x80, v12, vm1, $0xb8;
	[tilespmem:$0x12100] =	vst v63  }
0x337: {  	v11 =	vadd.s32 @!p4 v14, v11;
	s4 =	simm.s32 @!p4 $0x6900  }
0x338: {  	[tilespmem:s4], [sflag:$0x3] =	stream.indirect_vreg.gather @!p4 [hbm4b:s29+s2], $0x80, v12, vm1, $0xb8;
	[tilespmem:$0x12100] =	vst v63  }
0x339: {  	s4 =	simm.s32 @!p4 $0x7100  }
0x33a: {  	[tilespmem:s4], [sflag:$0x3] =	stream.indirect_vreg.gather @!p4 [hbm4b:s30+s2], $0x80, v12, vm1, $0xb8;
	[tilespmem:$0x12100] =	vst v63  }
0x33b: {  	s4 =	simm.s32 @!p4 $0x7900  }
0x33c: {  	[tilespmem:s4], [sflag:$0x3] =	stream.indirect_vreg.gather @!p4 [hbm4b:s5+s2], $0x80, v11, vm1, $0xb8;
	[tilespmem:$0x12100] =	vst v63  }
0x33d: {  	s4 =	simm.s32 @!p4 $0x8100  }
0x33e: {  	[tilespmem:s4], [sflag:$0x3] =	stream.indirect_vreg.gather @!p4 [hbm4b:s29+s2], $0x80, v11, vm1, $0xb8;
	[tilespmem:$0x12100] =	vst v63  }
0x33f: {  	s4 =	simm.s32 @!p4 $0x8900  }
0x340: {  	[tilespmem:s4], [sflag:$0x3] =	stream.indirect_vreg.gather @!p4 [hbm4b:s30+s2], $0x80, v11, vm1, $0xb8;
	[tilespmem:$0x12100] =	vst v63  }
.LBB2_33:
0x341: {  	s2 =	simm.s32 @!p2 $0x8  }
0x342: {  	_ =	swait.ge @!p2 [sflag:s2], $0x1800  }
0x343: {  	[sflag:s2] =	ssyncset.done @!p2 $0x0  }
0x344: {  	[sflag:s2] =	ssyncadd.s32 @!p2 $0xFFFFE800  }
0x345: {  	_ =	swait.ge @!p2 [sflag:s2], $0x1800  }
0x346: {  	s6 =	simm.s32 $0x0;
	s16 =	simm.s32 $0x0;
	[sflag:s2] =	ssyncset.done @!p2 $0x0  }
0x347: {  	s17 =	simm.s32 $0x0;
	[sflag:s2] =	ssyncadd.s32 @!p2 $0xFFFFE800;
	p2 =	por $0x0, $0x0  }
.LBB2_34:
0x348: {  	v12 =	vmov s17  }
0x349: {  	v13 =	vmov s6;
	v11 =	vshrl.u32 v12, $0x3  }
0x34a: {  	v12 =	vshll.u32 v12, $0x7;
	v13 =	vshll.u32 v13, $0x3;
	v11 =	vmul.u32 $0x1800, v11  }
0x34b: {  	v18 =	vand.u32 $0x380, v12;
	v14 =	vbroadcast v13, $0x0  }
0x34c: {  	v13 =	vand.u32 $0x1C00, v13;
	v12 =	vor.u32 v18, v11  }
0x34d: {  	s2 =	simm.s32 $0x80;
	v15 =	vbroadcast v13, $0x0;
	v14 =	vadd.s32 v12, v14  }
0x34e: {  	v17 =	vmov s2;
	v19 =	vor.u32 v0, v14  }
0x34f: {  	v20 =	vadd.s32 v11, v15;
	v15 =	vor.u32 v5, v18;
	v21 =	vor.u32 v10, v14  }
0x350: {  	v24 =	vshll.u32 v17, $0x3;
	v13 =	vor.u32 v9, v18;
	v23 =	vor.u32 v15, v20  }
0x351: {  	v16 =	vor.u32 v6, v18;
	v17 =	vor.u32 v8, v18;
	v22 =	vor.u32 v13, v20  }
0x352: {  	v26 =	vbroadcast v24, $0x0;
	v24 =	vand.u32 $0x1C00, v24;
	v29 =	vor.u32 v17, v20  }
0x353: {  	v24 =	vbroadcast v24, $0x0;
	v14 =	vor.u32 v7, v18;
	v25 =	vor.u32 v16, v20;
	v27 =	vld.idx.msk [tilespmem:v19+s22+$0x0], $0xffff  }
0x354: {  	v18 =	vor.u32 v4, v18;
	v19 =	vor.u32 v14, v20;
	v28 =	vld.idx.msk [tilespmem:v21+s22+$0x0], $0xffff  }
0x355: {  	v20 =	vor.u32 v18, v20;
	v21 =	vld.idx.msk [tilespmem:v23+s22+$0x0], $0xffff;
	v23 =	vadd.s32 v11, v24  }
0x356: {  	v26 =	vadd.s32 v12, v26;
	v33 =	vld.idx.msk [tilespmem:v22+s22+$0x0], $0xffff;
	v31 =	vor.u32 v13, v23  }
0x357: {  	v22 =	vor.u32 v0, v26;
	v36 =	vld.idx.msk [tilespmem:v29+s22+$0x0], $0xffff  }
0x358: {  	s20 =	simm.s32 $0x100;
	v24 =	vor.u32 v10, v26;
	v26 =	vld.idx.msk [tilespmem:v25+s22+$0x0], $0xffff  }
0x359: {  	v38 =	vor.u32 v14, v23;
	v32 =	vld.idx.msk [tilespmem:v19+s22+$0x0], $0xffff;
	v19 =	vmov s20  }
0x35a: {  	s21 =	sshrl.u32 s16, $0x1;
	v35 =	vor.u32 v15, v23;
	v37 =	vor.u32 v16, v23;
	v20 =	vld.idx.msk [tilespmem:v20+s22+$0x0], $0xffff;
	v19 =	vshll.u32 v19, $0x3  }
0x35b: {  	s2 =	sand.u32 $0x3FFFFF80, s21;
	v30 =	vor.u32 v18, v23;
	v34 =	vor.u32 v17, v23;
	v23 =	vld.idx.msk [tilespmem:v31+s22+$0x0], $0xffff;
	v29 =	vbroadcast v19, $0x0  }
0x35c: {  	s12 =	sadd.s32 $0x10940, s2;
	v36 =	vpack.i.f32.bf16 v33, v36;
	v25 =	vand.u32 $0x1C00, v19;
	v19 =	vld.idx.msk [tilespmem:v22+s22+$0x0], $0xffff  }
0x35d: {  	[tilespmem:s12+$0x20] =	vst v36;
	v22 =	vpack.i.f32.bf16 v28, v27;
	v27 =	vbroadcast v25, $0x0;
	v25 =	vld.idx.msk [tilespmem:v24+s22+$0x0], $0xffff;
	v24 =	vadd.s32 v12, v29  }
0x35e: {  	v28 =	vld.idx.msk [tilespmem:v38+s22+$0x0], $0xffff;
	[tilespmem:s12+$0xFFFFFFC0] =	vst v22;
	v31 =	vor.u32 v0, v24  }
0x35f: {  	v22 =	vld.idx.msk [tilespmem:v35+s22+$0x0], $0xffff;
	v29 =	vadd.s32 v11, v27;
	v35 =	vpack.i.f32.bf16 v32, v26;
	v32 =	vor.u32 v10, v24  }
0x360: {  	s7 =	simm.s32 $0x8;
	s5 =	simm.s32 $0x180;
	s4 =	smov.u32 s12;
	v24 =	vld.idx.msk [tilespmem:v37+s22+$0x0], $0xffff;
	v26 =	vor.u32 v15, v29;
	v27 =	vor.u32 v18, v29;
	v33 =	vor.u32 v13, v29  }
.LBB2_35:
0x361: {  	v36 =	vmov s5;
	s7 =	sadd.s32 $0x4, s7;
	v37 =	vld.idx.msk [tilespmem:v34+s22+$0x0], $0xffff;
	v21 =	vpack.i.f32.bf16 v21, v20;
	[tilespmem:s12+$0x0] =	vst v35;
	s4 =	sadd.s32 $0x400, s4  }
0x362: {  	v25 =	vpack.i.f32.bf16 v25, v19;
	v34 =	vshll.u32 v36, $0x3;
	p4 =	slt.u32 s7, $0x14;
	v36 =	vor.u32 v16, v29;
	v20 =	vld.idx.msk [tilespmem:v30+s22+$0x0], $0xffff;
	[tilespmem:s12+$0xFFFFFFE0] =	vst v21;
	s12 =	smov.u32 s4  }
0x363: {  	v38 =	vor.u32 v14, v29;
	v39 =	vmovc v23;
	v35 =	vbroadcast v34, $0x0;
	v41 =	vand.u32 $0x1C00, v34;
	v19 =	vld.idx.msk [tilespmem:v31+s22+$0x0], $0xffff;
	[tilespmem:s4+$0xFFFFFFC0] =	vst v25  }
.Ltmp20:
0x364: {  	v30 =	vmovc v27;
	v34 =	vor.u32 v17, v29;
	v40 =	vbroadcast v41, $0x0;
	v25 =	vld.idx.msk [tilespmem:v32+s22+$0x0], $0xffff;
	v21 =	vmov v22;
	(pc) =	sbr.rel @p4 .LBB2_35-.Ltmp20, $4  }
0x365: {  	v27 =	vadd.s32 v12, v35;
	v23 =	vld.idx.msk [tilespmem:v33+s22+$0x0], $0xffff  }
0x366: {  	v35 =	vpack.i.f32.bf16 v28, v24;
	v31 =	vor.u32 v0, v27;
	v29 =	vadd.s32 v11, v40;
	v22 =	vld.idx.msk [tilespmem:v26+s22+$0x0], $0xffff  }
0x367: {  	v32 =	vor.u32 v10, v27;
	v26 =	vor.u32 v15, v29;
	v24 =	vld.idx.msk [tilespmem:v36+s22+$0x0], $0xffff;
	v36 =	vpack.i.f32.bf16 v39, v37  }
0x368: {  	s5 =	sadd.s32 $0x80, s5;
	v27 =	vor.u32 v18, v29;
	v33 =	vor.u32 v13, v29;
	v28 =	vld.idx.msk [tilespmem:v38+s22+$0x0], $0xffff;
	[tilespmem:s4+$0x20] =	vst v36  }
0x369: {  	_ =	sdelay $0x3  }
0x36a: {  	v11 =	vld.idx.msk [tilespmem:v34+s22+$0x0], $0xffff  }
0x36b: {  	v12 =	vor.u32 v16, v29;
	v13 =	vld.idx.msk [tilespmem:v30+s22+$0x0], $0xffff  }
0x36c: {  	v15 =	vld.idx.msk [tilespmem:v31+s22+$0x0], $0xffff;
	v60 =	vor.u32 v17, v29  }
0x36d: {  	v14 =	vor.u32 v14, v29;
	v61 =	vld.idx.msk [tilespmem:v32+s22+$0x0], $0xffff  }
0x36e: {  	v18 =	vld.idx.msk [tilespmem:v33+s22+$0x0], $0xffff  }
0x36f: {  	v26 =	vld.idx.msk [tilespmem:v26+s22+$0x0], $0xffff  }
0x370: {  	v20 =	vpack.i.f32.bf16 v21, v20;
	[tilespmem:s12+$0x0] =	vst v35;
	v12 =	vld.idx.msk [tilespmem:v12+s22+$0x0], $0xffff  }
0x371: {  	s2 =	sadd.s32 $0x400, s4;
	v19 =	vpack.i.f32.bf16 v25, v19;
	[tilespmem:s12+$0xFFFFFFE0] =	vst v20;
	v16 =	vld.idx.msk [tilespmem:v60+s22+$0x0], $0xffff  }
0x372: {  	[tilespmem:s2+$0xFFFFFFC0] =	vst v19;
	v11 =	vpack.i.f32.bf16 v23, v11;
	v14 =	vld.idx.msk [tilespmem:v14+s22+$0x0], $0xffff  }
0x373: {  	s17 =	sadd.s32 $0x1, s17;
	v62 =	vpack.i.f32.bf16 v28, v24;
	[tilespmem:s2+$0x20] =	vst v11;
	v11 =	vld.idx.msk [tilespmem:v27+s22+$0x0], $0xffff  }
0x374: {  	p4 =	sne.s32 s17, $0x10;
	v13 =	vpack.i.f32.bf16 v22, v13;
	[tilespmem:s2+$0x0] =	vst v62  }
.Ltmp21:
0x375: {  	s4 =	sadd.s32 $0x400, s2;
	v15 =	vpack.i.f32.bf16 v61, v15;
	[tilespmem:s2+$0xFFFFFFE0] =	vst v13;
	(pc) =	sbr.rel @p4 .LBB2_34-.Ltmp21, $4  }
0x376: {  	[tilespmem:s4+$0xFFFFFFC0] =	vst v15;
	v63 =	vpack.i.f32.bf16 v18, v16  }
0x377: {  	v12 =	vpack.i.f32.bf16 v14, v12;
	[tilespmem:s4+$0x20] =	vst v63  }
0x378: {  	v11 =	vpack.i.f32.bf16 v26, v11;
	[tilespmem:s4+$0x0] =	vst v12  }
0x379: {  	s16 =	sadd.s32 $0x80, s16;
	p2 =	por !p2, !p2;
	[tilespmem:s4+$0xFFFFFFE0] =	vst v11  }
0x37a: {  	s2 =	rddreg [dreg:$0xb]  }
0x37b: {  	s2 =	sor.u32 @!p0 s2, s24  }
0x37c: {  	s2 =	sshrl.u32 @!p0 s2, $0x3  }
0x37d: {  	s2 =	smul.u32 @!p0 $0x180, s2  }
0x37e: {  	s4 =	rddreg [dreg:$0x4];
	s5 =	simm.s32 @!p0 $0x200  }
0x37f: {  	s6 =	simm.s32 @!p0 $0xC00;
	s7 =	simm.s32 @!p0 $0x10900;
	s4 =	sadd.s32 @!p0 s4, s2  }
0x380: {  	[hbm4b:s4+s5] =	stream.strided.scatter @!p0 [tilespmem:s7], [sflag:$0x8], $0x400, s6, s5, $0x38;
	[tilespmem:$0x12100] =	vst v63  }
0x381: {  	s10 =	simm.s32 @!p0 $0x10D00;
	s9 =	sadd.s32 @!p0 $0x40, s4  }
0x382: {  	[hbm4b:s9+s5] =	stream.strided.scatter @!p0 [tilespmem:s10], [sflag:$0x8], $0x400, s6, s5, $0x38;
	[tilespmem:$0x12100] =	vst v63  }
0x383: {  	s12 =	simm.s32 @!p0 $0x11100;
	s9 =	sadd.s32 @!p0 $0x80, s4  }
0x384: {  	[hbm4b:s9+s5] =	stream.strided.scatter @!p0 [tilespmem:s12], [sflag:$0x8], $0x400, s6, s5, $0x38;
	[tilespmem:$0x12100] =	vst v63  }
0x385: {  	s16 =	simm.s32 @!p0 $0x11500;
	s9 =	sadd.s32 @!p0 $0xC0, s4  }
0x386: {  	[hbm4b:s9+s5] =	stream.strided.scatter @!p0 [tilespmem:s16], [sflag:$0x8], $0x400, s6, s5, $0x38;
	[tilespmem:$0x12100] =	vst v63  }
0x387: {  	s17 =	simm.s32 @!p0 $0x11900;
	s9 =	sadd.s32 @!p0 $0x100, s4  }
0x388: {  	[hbm4b:s9+s5] =	stream.strided.scatter @!p0 [tilespmem:s17], [sflag:$0x8], $0x400, s6, s5, $0x38;
	[tilespmem:$0x12100] =	vst v63  }
0x389: {  	s4 =	sadd.s32 @!p0 $0x140, s4;
	s9 =	simm.s32 @!p0 $0x11D00  }
0x38a: {  	[hbm4b:s4+s5] =	stream.strided.scatter @!p0 [tilespmem:s9], [sflag:$0x8], $0x400, s6, s5, $0x38;
	[tilespmem:$0x12100] =	vst v63  }
0x38b: {  	s4 =	rddreg [dreg:$0x7]  }
0x38c: {  	s2 =	sadd.s32 @!p0 s4, s2  }
0x38d: {  	[hbm4b:s2+s5] =	stream.strided.scatter @!p0 [tilespmem:s7], [sflag:$0x8], $0x400, s6, s5, $0x38;
	[tilespmem:$0x12100] =	vst v63  }
0x38e: {  	s4 =	sadd.s32 @!p0 $0x40, s2  }
0x38f: {  	[hbm4b:s4+s5] =	stream.strided.scatter @!p0 [tilespmem:s10], [sflag:$0x8], $0x400, s6, s5, $0x38;
	[tilespmem:$0x12100] =	vst v63  }
0x390: {  	s4 =	sadd.s32 @!p0 $0x80, s2  }
0x391: {  	[hbm4b:s4+s5] =	stream.strided.scatter @!p0 [tilespmem:s12], [sflag:$0x8], $0x400, s6, s5, $0x38;
	[tilespmem:$0x12100] =	vst v63  }
0x392: {  	s4 =	sadd.s32 @!p0 $0xC0, s2  }
0x393: {  	[hbm4b:s4+s5] =	stream.strided.scatter @!p0 [tilespmem:s16], [sflag:$0x8], $0x400, s6, s5, $0x38;
	[tilespmem:$0x12100] =	vst v63  }
0x394: {  	s4 =	sadd.s32 @!p0 $0x100, s2  }
0x395: {  	[hbm4b:s4+s5] =	stream.strided.scatter @!p0 [tilespmem:s17], [sflag:$0x8], $0x400, s6, s5, $0x38;
	[tilespmem:$0x12100] =	vst v63  }
0x396: {  	s4 =	rddreg [dreg:$0x14]  }
0x397: {  	s4 =	sadd.s32 @!p3 s4, s11  }
0x398: {  	s2 =	sadd.s32 @!p0 $0x140, s2;
	s4 =	sshrl.u32 @!p3 s4, $0x3  }
0x399: {  	[hbm4b:s2+s5] =	stream.strided.scatter @!p0 [tilespmem:s9], [sflag:$0x8], $0x400, s6, s5, $0x38;
	[tilespmem:$0x12100] =	vst v63  }
0x39a: {  	s4 =	smul.u32 @!p3 $0x180, s4  }
0x39b: {  	s7 =	simm.s32 @!p3 $0x10900;
	s2 =	rddreg [dreg:$0x5]  }
0x39c: {  	s5 =	simm.s32 @!p3 $0x200;
	s6 =	simm.s32 @!p3 $0xC00;
	s2 =	sadd.s32 @!p3 s2, s4  }
0x39d: {  	[hbm4b:s2+s5] =	stream.strided.scatter @!p3 [tilespmem:s7], [sflag:$0x8], $0x400, s6, s5, $0x38;
	[tilespmem:$0x12100] =	vst v63  }
0x39e: {  	s10 =	simm.s32 @!p3 $0x10D00;
	s9 =	sadd.s32 @!p3 $0x40, s2  }
0x39f: {  	[hbm4b:s9+s5] =	stream.strided.scatter @!p3 [tilespmem:s10], [sflag:$0x8], $0x400, s6, s5, $0x38;
	[tilespmem:$0x12100] =	vst v63  }
0x3a0: {  	s11 =	simm.s32 @!p3 $0x11100;
	s9 =	sadd.s32 @!p3 $0x80, s2  }
0x3a1: {  	[hbm4b:s9+s5] =	stream.strided.scatter @!p3 [tilespmem:s11], [sflag:$0x8], $0x400, s6, s5, $0x38;
	[tilespmem:$0x12100] =	vst v63  }
0x3a2: {  	s12 =	simm.s32 @!p3 $0x11500;
	s9 =	sadd.s32 @!p3 $0xC0, s2  }
0x3a3: {  	[hbm4b:s9+s5] =	stream.strided.scatter @!p3 [tilespmem:s12], [sflag:$0x8], $0x400, s6, s5, $0x38;
	[tilespmem:$0x12100] =	vst v63  }
0x3a4: {  	s16 =	simm.s32 @!p3 $0x11900;
	s9 =	sadd.s32 @!p3 $0x100, s2  }
0x3a5: {  	[hbm4b:s9+s5] =	stream.strided.scatter @!p3 [tilespmem:s16], [sflag:$0x8], $0x400, s6, s5, $0x38;
	[tilespmem:$0x12100] =	vst v63  }
0x3a6: {  	s2 =	sadd.s32 @!p3 $0x140, s2;
	s9 =	simm.s32 @!p3 $0x11D00  }
0x3a7: {  	[hbm4b:s2+s5] =	stream.strided.scatter @!p3 [tilespmem:s9], [sflag:$0x8], $0x400, s6, s5, $0x38;
	[tilespmem:$0x12100] =	vst v63  }
0x3a8: {  	s2 =	rddreg [dreg:$0x8]  }
0x3a9: {  	s2 =	sadd.s32 @!p3 s2, s4  }
0x3aa: {  	[hbm4b:s2+s5] =	stream.strided.scatter @!p3 [tilespmem:s7], [sflag:$0x8], $0x400, s6, s5, $0x38;
	[tilespmem:$0x12100] =	vst v63  }
0x3ab: {  	s4 =	sadd.s32 @!p3 $0x40, s2  }
0x3ac: {  	[hbm4b:s4+s5] =	stream.strided.scatter @!p3 [tilespmem:s10], [sflag:$0x8], $0x400, s6, s5, $0x38;
	[tilespmem:$0x12100] =	vst v63  }
0x3ad: {  	s4 =	sadd.s32 @!p3 $0x80, s2  }
0x3ae: {  	[hbm4b:s4+s5] =	stream.strided.scatter @!p3 [tilespmem:s11], [sflag:$0x8], $0x400, s6, s5, $0x38;
	[tilespmem:$0x12100] =	vst v63  }
0x3af: {  	s4 =	sadd.s32 @!p3 $0xC0, s2  }
0x3b0: {  	[hbm4b:s4+s5] =	stream.strided.scatter @!p3 [tilespmem:s12], [sflag:$0x8], $0x400, s6, s5, $0x38;
	[tilespmem:$0x12100] =	vst v63  }
0x3b1: {  	s4 =	sadd.s32 @!p3 $0x100, s2  }
0x3b2: {  	[hbm4b:s4+s5] =	stream.strided.scatter @!p3 [tilespmem:s16], [sflag:$0x8], $0x400, s6, s5, $0x38;
	[tilespmem:$0x12100] =	vst v63  }
0x3b3: {  	s7 =	rddreg [dreg:$0x15];
	s4 =	sshll.u32 @p1 s23, $0x6  }
0x3b4: {  	s4 =	sadd.s32 @p1 s7, s4  }
0x3b5: {  	s2 =	sadd.s32 @!p3 $0x140, s2;
	s4 =	sshrl.u32 @p1 s4, $0x3  }
0x3b6: {  	[hbm4b:s2+s5] =	stream.strided.scatter @!p3 [tilespmem:s9], [sflag:$0x8], $0x400, s6, s5, $0x38;
	[tilespmem:$0x12100] =	vst v63  }
0x3b7: {  	s4 =	smul.u32 @p1 $0x180, s4  }
0x3b8: {  	s7 =	simm.s32 @p1 $0x10900;
	s2 =	rddreg [dreg:$0x6]  }
0x3b9: {  	s5 =	simm.s32 @p1 $0x200;
	s6 =	simm.s32 @p1 $0xC00;
	s2 =	sadd.s32 @p1 s2, s4  }
0x3ba: {  	[hbm4b:s2+s5] =	stream.strided.scatter @p1 [tilespmem:s7], [sflag:$0x8], $0x400, s6, s5, $0x38;
	[tilespmem:$0x12100] =	vst v63  }
0x3bb: {  	s10 =	simm.s32 @p1 $0x10D00;
	s9 =	sadd.s32 @p1 $0x40, s2  }
0x3bc: {  	[hbm4b:s9+s5] =	stream.strided.scatter @p1 [tilespmem:s10], [sflag:$0x8], $0x400, s6, s5, $0x38;
	[tilespmem:$0x12100] =	vst v63  }
0x3bd: {  	s11 =	simm.s32 @p1 $0x11100;
	s9 =	sadd.s32 @p1 $0x80, s2  }
0x3be: {  	[hbm4b:s9+s5] =	stream.strided.scatter @p1 [tilespmem:s11], [sflag:$0x8], $0x400, s6, s5, $0x38;
	[tilespmem:$0x12100] =	vst v63  }
0x3bf: {  	s12 =	simm.s32 @p1 $0x11500;
	s9 =	sadd.s32 @p1 $0xC0, s2  }
0x3c0: {  	[hbm4b:s9+s5] =	stream.strided.scatter @p1 [tilespmem:s12], [sflag:$0x8], $0x400, s6, s5, $0x38;
	[tilespmem:$0x12100] =	vst v63  }
0x3c1: {  	s16 =	simm.s32 @p1 $0x11900;
	s9 =	sadd.s32 @p1 $0x100, s2  }
0x3c2: {  	[hbm4b:s9+s5] =	stream.strided.scatter @p1 [tilespmem:s16], [sflag:$0x8], $0x400, s6, s5, $0x38;
	[tilespmem:$0x12100] =	vst v63  }
0x3c3: {  	s2 =	sadd.s32 @p1 $0x140, s2;
	s9 =	simm.s32 @p1 $0x11D00  }
0x3c4: {  	[hbm4b:s2+s5] =	stream.strided.scatter @p1 [tilespmem:s9], [sflag:$0x8], $0x400, s6, s5, $0x38;
	[tilespmem:$0x12100] =	vst v63  }
0x3c5: {  	s2 =	rddreg [dreg:$0x9]  }
0x3c6: {  	s2 =	sadd.s32 @p1 s2, s4  }
0x3c7: {  	[hbm4b:s2+s5] =	stream.strided.scatter @p1 [tilespmem:s7], [sflag:$0x8], $0x400, s6, s5, $0x38;
	[tilespmem:$0x12100] =	vst v63  }
0x3c8: {  	s4 =	sadd.s32 @p1 $0x40, s2  }
0x3c9: {  	[hbm4b:s4+s5] =	stream.strided.scatter @p1 [tilespmem:s10], [sflag:$0x8], $0x400, s6, s5, $0x38;
	[tilespmem:$0x12100] =	vst v63  }
0x3ca: {  	s23 =	sadd.s32 $0x1, s23;
	s4 =	sadd.s32 @p1 $0x80, s2  }
0x3cb: {  	[hbm4b:s4+s5] =	stream.strided.scatter @p1 [tilespmem:s11], [sflag:$0x8], $0x400, s6, s5, $0x38;
	[tilespmem:$0x12100] =	vst v63  }
0x3cc: {  	p0 =	sne.s32 s23, $0xC;
	s4 =	sadd.s32 @p1 $0xC0, s2  }
0x3cd: {  	[hbm4b:s4+s5] =	stream.strided.scatter @p1 [tilespmem:s12], [sflag:$0x8], $0x400, s6, s5, $0x38;
	[tilespmem:$0x12100] =	vst v63  }
.Ltmp22:
0x3ce: {  	_ = 	snop;
	(pc) =	sbr.rel @p0 .LBB2_2-.Ltmp22, $4  }
.Ltmp23:
0x3cf: {  	s4 =	sadd.s32 @p1 $0x100, s2;
	(pc) =	sbr.rel @!p0 .LBB2_38-.Ltmp23, $4  }
0x3d0: {  	[hbm4b:s4+s5] =	stream.strided.scatter @p1 [tilespmem:s16], [sflag:$0x8], $0x400, s6, s5, $0x38;
	[tilespmem:$0x12100] =	vst v63  }
0x3d1: {  	s2 =	sadd.s32 @p1 $0x140, s2  }
0x3d2: {  	[hbm4b:s2+s5] =	stream.strided.scatter @p1 [tilespmem:s9], [sflag:$0x8], $0x400, s6, s5, $0x38;
	[tilespmem:$0x12100] =	vst v63  }
0x3d3: {  	_ = 	snop  }
.LBB2_6:
.Ltmp24:
0x3d4: {  	(pc) =	sbr.rel .LBB2_7-.Ltmp24, $2  }
0x3d5: {  	_ =	sdelay $0x2  }
0x3d6: {  	p2 =	por $0x1, $0x1  }
.LBB2_39:
0x3d7: {  	_ =	sfence.sel $0x180000  }
0x3d8: {  	[bflag:$0x0] =	sbarrier.arrive $0xFFFF  }
0x3d9: {  	_ =	strace $0x90000047  }
0x3da: {  	s0 =	stileid.u32;
	[bflag:$0x2] =	sbarrier.arrive $0xFFFF  }
0x3db: {  	p0 =	sne.s32 s0, $0x0;
	s0 =	rddreg [dreg:$0xa]  }
0x3dc: {  	s0 =	sadd.s32 @!p0 $0x100000, s0  }
0x3dd: {  	[sflag:s0] =	ssyncadd.tile.s32 @!p0 $0x1;
	_ =	shalt  }
.Lfunc_end2:
_tile_overlayer_lowered:
.L_overlay_start_2:
0x3de: {  	(tag) =	ssettag $0x2  }
0x3df: {  	s0 =	rddreg [dreg:$0x0];
	s2 =	stileid.u32  }
0x3e0: {  	s1 =	rddreg [dreg:$0x1];
	p0 =	sne.s32 s2, $0x0  }
0x3e1: {  	s3 =	rddreg [dreg:$0x2];
	[bflag:$0x3] =	sbarrier.arrive $0xFFFF;
	s2 =	simm.s32 @!p0 $0x1C09  }
0x3e2: {  	[timem:s3], [sflag:s2] =	dma.local @!p0 [hbm:s0], s1  }
0x3e3: {  	s0 =	simm.s32 @!p0 $0x9  }
0x3e4: {  	_ =	swait.ge @!p0 [sflag:s0], s1  }
0x3e5: {  	s1 =	ssub.s32 @!p0 $0x0, s1;
	[sflag:s0] =	ssyncset.done @!p0 $0x0  }
0x3e6: {  	[sflag:s0] =	ssyncadd.s32 @!p0 s1  }
0x3e7: {  	[bflag:$0x3] =	sbarrier.arrive $0xFFFF  }
0x3e8: {  	_ =	shalt  }

</sc_bundles>
